<compile_context>
chip_gen: v7x
topology: tpu7x:2x2x1
jax: 0.10.2.dev20260603
libtpu: 0.0.44.dev20260713+nightly
codegen_flags: <defaults>
</compile_context>

<pallas_src>
import functools

import jax
import jax.numpy as jnp
from jax import lax
from jax.experimental import pallas as pl
from jax.experimental.pallas import tpu as pltpu
from jax.experimental.pallas import tpu_sc as plsc

_N = 10000
_E = 320000
_D = 128
_T = 12
_NC = 2
_NS = 16
_NW = _NC * _NS
_EPW = _E // _NW
_CHB = 100
_NCH = _EPW // _CHB
_NPAD = 10240
_RPT = _NPAD // _NS
_ZR = 80
_BLK = 2000
_NBLK = _N // _BLK
_EPS = 1e-5


def _sc_agg_body(h_hbm, src_hbm, dst_hbm, out_hbm,
                 acc, sidx, didx, rows, isems, rsems, ssems):
    c = lax.axis_index("c")
    s = lax.axis_index("s")
    wid = c * _NS + s

    def idx_start(j, p):
        pltpu.async_copy(src_hbm.at[wid, j], sidx[p], isems[p])
        pltpu.async_copy(dst_hbm.at[wid, j], didx[p], isems[p])

    def idx_wait(j, p):
        pltpu.make_async_copy(src_hbm.at[wid, j], sidx[p], isems[p]).wait()
        pltpu.make_async_copy(dst_hbm.at[wid, j], didx[p], isems[p]).wait()

    def gather_start(j, p, r):
        pltpu.async_copy(h_hbm.at[sidx[p].at[0]], rows[r], rsems[r])

    def gather_wait(p, r):
        pltpu.make_async_copy(h_hbm.at[sidx[p].at[0]], rows[r], rsems[r]).wait()

    def scatter_start(p, r):
        pltpu.async_copy(rows[r], acc.at[didx[p].at[0]], ssems[r], add=True)

    def scatter_wait(p, r):
        pltpu.make_async_copy(rows[r], acc.at[didx[p].at[0]], ssems[r]).wait()

    for p in range(3):
        idx_start(p, p)

    z16 = jnp.zeros((16,), jnp.float32)

    def zstep(i, carry):
        rows[1][i // 8, pl.ds((i % 8) * 16, 16)] = z16
        return carry

    lax.fori_loop(0, _ZR * 8, zstep, 0)
    idx_wait(0, 0)
    gather_start(0, 0, 0)

    def zcopy(k, carry):
        pltpu.sync_copy(rows[1].at[pl.ds(0, _ZR)],
                        acc.at[pl.ds(s * _RPT + k * _ZR, _ZR)])
        return carry

    lax.fori_loop(0, _RPT // _ZR, zcopy, 0)
    plsc.subcore_barrier()

    def step(jj, carry):
        j0 = jj * 4

        def chunk(u):
            j = j0 + u
            p = u % 4
            pn = (u + 1) % 4
            pf = (u + 3) % 4
            r = u % 2
            rn = (u + 1) % 2

            if u == 3:
                @pl.when(j + 1 < _NCH)
                def _():
                    idx_wait(j + 1, pn)
            else:
                idx_wait(j + 1, pn)
            gather_wait(p, r)
            if u == 0:
                @pl.when(j > 0)
                def _():
                    scatter_wait(pf, rn)
            else:
                scatter_wait(pf, rn)

            @pl.when(j + 3 < _NCH)
            def _():
                idx_start(j + 3, pf)

            if u == 3:
                @pl.when(j + 1 < _NCH)
                def _():
                    gather_start(j + 1, pn, rn)
            else:
                gather_start(j + 1, pn, rn)
            scatter_start(p, r)

        for u in range(4):
            chunk(u)
        return carry

    lax.fori_loop(0, _NCH // 4, step, 0)
    scatter_wait(3, 1)
    plsc.subcore_barrier()

    pltpu.sync_copy(acc.at[pl.ds(s * _RPT, _RPT)],
                    out_hbm.at[c, pl.ds(s * _RPT, _RPT)])


@functools.cache
def _build_sc_agg():
    return pl.kernel(
        _sc_agg_body,
        out_type=jax.ShapeDtypeStruct((_NC, _NPAD, _D), jnp.float32),
        mesh=plsc.VectorSubcoreMesh(core_axis_name="c", subcore_axis_name="s",
                                    num_cores=_NC, num_subcores=_NS),
        scratch_types=[
            pltpu.VMEM_SHARED((_NPAD, _D), jnp.float32),
            [pltpu.VMEM((1, _CHB), jnp.int32) for _ in range(4)],
            [pltpu.VMEM((1, _CHB), jnp.int32) for _ in range(4)],
            [pltpu.VMEM((_CHB, _D), jnp.float32) for _ in range(2)],
            [pltpu.SemaphoreType.DMA for _ in range(4)],
            [pltpu.SemaphoreType.DMA for _ in range(2)],
            [pltpu.SemaphoreType.DMA for _ in range(2)],
        ],
    )


def _mm_body(h_ref, w_ref, out_ref):
    out_ref[...] = jnp.dot(h_ref[...], w_ref[...],
                           preferred_element_type=jnp.float32)


_tc_mm = pl.pallas_call(
    _mm_body,
    grid=(_NBLK,),
    in_specs=[
        pl.BlockSpec((_BLK, _D), lambda i: (i, 0)),
        pl.BlockSpec((_D, _D), lambda i: (0, 0)),
    ],
    out_specs=pl.BlockSpec((_BLK, _D), lambda i: (i, 0)),
    out_shape=jax.ShapeDtypeStruct((_N, _D), jnp.float32),
)


def _layer_pre(i, deg_ref, hs_ref, agg_ref, wn_ref, b_ref, stats_s, pre_s):
    dinv = 1.0 / jnp.maximum(deg_ref[...], 1).astype(jnp.float32)
    a = (agg_ref[0] + agg_ref[1]) * dinv
    pre = (hs_ref[...]
           + jnp.dot(a, wn_ref[...], preferred_element_type=jnp.float32)
           + b_ref[...])
    pre_s[pl.ds(i * _BLK, _BLK), :] = pre
    st = jnp.concatenate(
        [jnp.sum(pre, axis=0)[None], jnp.sum(pre * pre, axis=0)[None]], axis=0)

    @pl.when(i == 0)
    def _():
        stats_s[...] = st

    @pl.when(i > 0)
    def _():
        stats_s[...] += st


def _bn_scale(stats_s, g_ref):
    m = stats_s[0:1, :] * (1.0 / _N)
    v = stats_s[1:2, :] * (1.0 / _N) - m * m
    return m, lax.rsqrt(v + _EPS) * g_ref[...]


def _tc_layer1_body(deg_ref, hs_ref, agg_ref, wn_ref, b_ref,
                    g_ref, be_ref, out_ref, stats_s, pre_s):
    p = pl.program_id(0)
    i = pl.program_id(1)

    @pl.when(p == 0)
    def _():
        _layer_pre(i, deg_ref, hs_ref, agg_ref, wn_ref, b_ref,
                   stats_s, pre_s)
        out_ref[...] = jnp.zeros((_BLK, _D), jnp.float32)

    @pl.when(p == 1)
    def _():
        m, scale = _bn_scale(stats_s, g_ref)
        pre = pre_s[pl.ds(i * _BLK, _BLK), :]
        out_ref[...] = jnp.maximum((pre - m) * scale + be_ref[...], 0.0)


_tc_layer1 = pl.pallas_call(
    _tc_layer1_body,
    grid=(2, _NBLK),
    in_specs=[
        pl.BlockSpec((_BLK, 1), lambda p, i: (i * (1 - p), 0)),
        pl.BlockSpec((_BLK, _D), lambda p, i: (i * (1 - p), 0)),
        pl.BlockSpec((_NC, _BLK, _D), lambda p, i: (0, i * (1 - p), 0)),
        pl.BlockSpec((_D, _D), lambda p, i: (0, 0)),
        pl.BlockSpec((1, _D), lambda p, i: (0, 0)),
        pl.BlockSpec((1, _D), lambda p, i: (0, 0)),
        pl.BlockSpec((1, _D), lambda p, i: (0, 0)),
    ],
    out_specs=pl.BlockSpec((_BLK, _D), lambda p, i: (i * p, 0)),
    out_shape=jax.ShapeDtypeStruct((_N, _D), jnp.float32),
    scratch_shapes=[
        pltpu.VMEM((2, _D), jnp.float32),
        pltpu.VMEM((_N, _D), jnp.float32),
    ],
)


def _tc_layer2_body(deg_ref, hs_ref, agg_ref, wn_ref, b_ref,
                    g_ref, be_ref, wd_ref, bd_ref, out_ref,
                    stats_s, pre_s, pool_s):
    p = pl.program_id(0)
    i = pl.program_id(1)

    @pl.when(p == 0)
    def _():
        _layer_pre(i, deg_ref, hs_ref, agg_ref, wn_ref, b_ref,
                   stats_s, pre_s)

    @pl.when(p == 1)
    def _():
        m, scale = _bn_scale(stats_s, g_ref)
        pre = pre_s[pl.ds(i * _BLK, _BLK), :]
        h2 = jnp.maximum((pre - m) * scale + be_ref[...], 0.0)
        cs = jnp.sum(h2, axis=0)[None]

        @pl.when(i == 0)
        def _():
            pool_s[...] = cs

        @pl.when(i > 0)
        def _():
            pool_s[...] += cs

        @pl.when(i == _NBLK - 1)
        def _():
            out_ref[...] = (jnp.dot(pool_s[...] * (1.0 / _N), wd_ref[...],
                                    preferred_element_type=jnp.float32)
                            + bd_ref[...])


_tc_layer2 = pl.pallas_call(
    _tc_layer2_body,
    grid=(2, _NBLK),
    in_specs=[
        pl.BlockSpec((_BLK, 1), lambda p, i: (i * (1 - p), 0)),
        pl.BlockSpec((_BLK, _D), lambda p, i: (i * (1 - p), 0)),
        pl.BlockSpec((_NC, _BLK, _D), lambda p, i: (0, i * (1 - p), 0)),
        pl.BlockSpec((_D, _D), lambda p, i: (0, 0)),
        pl.BlockSpec((1, _D), lambda p, i: (0, 0)),
        pl.BlockSpec((1, _D), lambda p, i: (0, 0)),
        pl.BlockSpec((1, _D), lambda p, i: (0, 0)),
        pl.BlockSpec((_D, _T), lambda p, i: (0, 0)),
        pl.BlockSpec((1, _T), lambda p, i: (0, 0)),
    ],
    out_specs=pl.BlockSpec((1, _T), lambda p, i: (0, 0)),
    out_shape=jax.ShapeDtypeStruct((1, _T), jnp.float32),
    scratch_shapes=[
        pltpu.VMEM((2, _D), jnp.float32),
        pltpu.VMEM((_N, _D), jnp.float32),
        pltpu.VMEM((1, _D), jnp.float32),
    ],
)


def kernel(x, adjacency_list, degree_list,
           W1s, W1n, b1, g1, be1, W2s, W2n, b2, g2, be2, Wd, bd):
    src = adjacency_list[0].reshape(_NW, _NCH, 1, _CHB)
    dst = adjacency_list[1].reshape(_NW, _NCH, 1, _CHB)
    deg = degree_list.reshape(_N, 1)

    sc_agg = _build_sc_agg()
    xs = _tc_mm(x, W1s)
    agg1 = sc_agg(x, src, dst)
    h1 = _tc_layer1(deg, xs, agg1, W1n, b1.reshape(1, _D),
                    g1.reshape(1, _D), be1.reshape(1, _D))

    hs2 = _tc_mm(h1, W2s)
    agg2 = sc_agg(h1, src, dst)
    out = _tc_layer2(deg, hs2, agg2, W2n, b2.reshape(1, _D),
                     g2.reshape(1, _D), be2.reshape(1, _D),
                     Wd, bd.reshape(1, _T))
    return out.reshape(_T)

# --- scband reference (transcript-rebuilt; emitter-appended) ---
"""Pipeline reference for scband-graph-conv-net-30966714204196 (READ-ONLY COPY).

The authoritative reference and input builder live on the scoring server;
editing this copy changes nothing except your own understanding.
"""

import jax, jax.numpy as jnp
import numpy as np

N = 10000
E = 320000
D = 128
H = 128
T = 12


def setup_inputs(seed: int = 0) -> dict:
    key = jax.random.key(seed)
    ks = jax.random.split(key, 16)
    x = jax.random.normal(ks[0], (N, D), dtype=jnp.float32)
    adjacency_list = jax.random.randint(ks[1], (2, E), 0, N, dtype=jnp.int32)
    degree_list = jax.random.randint(ks[2], (N,), 0, 64, dtype=jnp.int32)
    s1 = 1.0 / np.sqrt(D)
    s2 = 1.0 / np.sqrt(H)
    W1s = jax.random.uniform(ks[3], (D, H), jnp.float32, -s1, s1)
    W1n = jax.random.uniform(ks[4], (D, H), jnp.float32, -s1, s1)
    b1 = jnp.zeros((H,), jnp.float32)
    g1 = jnp.ones((H,), jnp.float32)
    be1 = jnp.zeros((H,), jnp.float32)
    W2s = jax.random.uniform(ks[5], (H, H), jnp.float32, -s2, s2)
    W2n = jax.random.uniform(ks[6], (H, H), jnp.float32, -s2, s2)
    b2 = jnp.zeros((H,), jnp.float32)
    g2 = jnp.ones((H,), jnp.float32)
    be2 = jnp.zeros((H,), jnp.float32)
    Wd = jax.random.uniform(ks[7], (H, T), jnp.float32, -s2, s2)
    bd = jnp.zeros((T,), jnp.float32)
    return {"x": x, "adjacency_list": adjacency_list, "degree_list": degree_list,
            "W1s": W1s, "W1n": W1n, "b1": b1, "g1": g1, "be1": be1,
            "W2s": W2s, "W2n": W2n, "b2": b2, "g2": g2, "be2": be2,
            "Wd": Wd, "bd": bd}


def _batch_norm(h, gamma, beta, eps=1e-5):
    m = jnp.mean(h, axis=0)
    v = jnp.var(h, axis=0)
    return (h - m) / jnp.sqrt(v + eps) * gamma + beta


def _graph_conv(h, src, dst, deg, Ws, Wn, b):
    # gather neighbor features along edges, scatter-add into destination nodes
    msgs = jnp.take(h, src, axis=0)
    agg = jax.ops.segment_sum(msgs, dst, num_segments=N)
    norm = 1.0 / jnp.maximum(deg, 1).astype(h.dtype)
    agg = agg * norm[:, None]
    return h @ Ws + agg @ Wn + b


def reference(x, adjacency_list, degree_list, W1s, W1n, b1, g1, be1, W2s, W2n, b2, g2, be2, Wd, bd):
    src = adjacency_list[0]
    dst = adjacency_list[1]
    h = _graph_conv(x, src, dst, degree_list, W1s, W1n, b1)
    h = jax.nn.relu(_batch_norm(h, g1, be1))
    h = _graph_conv(h, src, dst, degree_list, W2s, W2n, b2)
    h = jax.nn.relu(_batch_norm(h, g2, be2))
    # dropout is identity in eval mode
    pooled = jnp.mean(h, axis=0)  # global mean pool over nodes
    return pooled @ Wd + bd

if __name__ == "__main__":
    import jax
    _d = setup_inputs()
    print(jax.jit(kernel)(*tuple(_d.values())))

</pallas_src>

<mosaic_0001>
#map = affine_map<(d0, d1) -> (0, 0)>
#map1 = affine_map<(d0, d1) -> (0, 0, 0, 0)>
#map2 = affine_map<(d0, d1) -> (0, 0, 0)>
module attributes {stable_mosaic.version = 14 : i64} {
  func.func @_sc_agg_body(%arg0: i32, %arg1: i32, %arg2: memref<10000x128xf32, #tpu.memory_space<hbm>>, %arg3: memref<32x100x1x100xi32, #tpu.memory_space<hbm>>, %arg4: memref<32x100x1x100xi32, #tpu.memory_space<hbm>>, %arg5: memref<2x10240x128xf32, #tpu.memory_space<hbm>>, %arg6: memref<10240x128xf32, #tpu.memory_space<vmem_shared>>, %arg7: memref<1x100xi32, #tpu.memory_space<vmem>>, %arg8: memref<1x100xi32, #tpu.memory_space<vmem>>, %arg9: memref<1x100xi32, #tpu.memory_space<vmem>>, %arg10: memref<1x100xi32, #tpu.memory_space<vmem>>, %arg11: memref<1x100xi32, #tpu.memory_space<vmem>>, %arg12: memref<1x100xi32, #tpu.memory_space<vmem>>, %arg13: memref<1x100xi32, #tpu.memory_space<vmem>>, %arg14: memref<1x100xi32, #tpu.memory_space<vmem>>, %arg15: memref<100x128xf32, #tpu.memory_space<vmem>>, %arg16: memref<100x128xf32, #tpu.memory_space<vmem>>, %arg17: memref<!tpu.dma_semaphore, #tpu.memory_space<semaphore_mem>>, %arg18: memref<!tpu.dma_semaphore, #tpu.memory_space<semaphore_mem>>, %arg19: memref<!tpu.dma_semaphore, #tpu.memory_space<semaphore_mem>>, %arg20: memref<!tpu.dma_semaphore, #tpu.memory_space<semaphore_mem>>, %arg21: memref<!tpu.dma_semaphore, #tpu.memory_space<semaphore_mem>>, %arg22: memref<!tpu.dma_semaphore, #tpu.memory_space<semaphore_mem>>, %arg23: memref<!tpu.dma_semaphore, #tpu.memory_space<semaphore_mem>>, %arg24: memref<!tpu.dma_semaphore, #tpu.memory_space<semaphore_mem>>) attributes {dimension_semantics = [#tpu.dimension_semantics<core_parallel>, #tpu.dimension_semantics<subcore_parallel>], iteration_bounds = array<i64: 2, 16>, scalar_prefetch = 0 : i64, scratch_operands = 19 : i64, tpu.core_type = #tpu.core_type<sc_vector_subcore>, window_params = [{transform_indices = #map}, {transform_indices = #map1}, {transform_indices = #map1}, {transform_indices = #map2}]} {
    %mul3A = arith.constant 16 : i32
    %mul3A_0 = arith.muli %arg0, %mul3A : i32
    %add3A = arith.addi %mul3A_0, %arg1 : i32
    %dma_start3A = arith.constant 0 : i32
    %dma_start3A_1 = arith.constant 0 : i32
    %dma_start3A_2 = arith.constant 0 : i32
    %dma_start3A_3 = tpu.memref_slice %arg3[%add3A, %dma_start3A, %dma_start3A_1, %dma_start3A_2] : memref<32x100x1x100xi32, #tpu.memory_space<hbm>> -> memref<1x1x1x100xi32, #tpu.memory_space<hbm>>
    %dma_start3A_4 = tpu.memref_squeeze %dma_start3A_3 : memref<1x1x1x100xi32, #tpu.memory_space<hbm>> -> memref<1x100xi32, #tpu.memory_space<hbm>>
    %dma_start3A_5 = arith.constant 0 : i32
    %dma_start3A_6 = arith.constant 0 : i32
    %dma_start3A_7 = tpu.memref_slice %arg3[%add3A, %dma_start3A, %dma_start3A_5, %dma_start3A_6] : memref<32x100x1x100xi32, #tpu.memory_space<hbm>> -> memref<1x1x1x100xi32, #tpu.memory_space<hbm>>
    %dma_start3A_8 = tpu.memref_squeeze %dma_start3A_7 : memref<1x1x1x100xi32, #tpu.memory_space<hbm>> -> memref<1x100xi32, #tpu.memory_space<hbm>>
    tpu.enqueue_dma source(%dma_start3A_8 : memref<1x100xi32, #tpu.memory_space<hbm>>) target(%arg7 : memref<1x100xi32, #tpu.memory_space<vmem>>) target_semaphore(%arg17 : memref<!tpu.dma_semaphore, #tpu.memory_space<semaphore_mem>>)
    %dma_start3A_9 = arith.constant 0 : i32
    %dma_start3A_10 = arith.constant 0 : i32
    %dma_start3A_11 = arith.constant 0 : i32
    %dma_start3A_12 = tpu.memref_slice %arg4[%add3A, %dma_start3A_9, %dma_start3A_10, %dma_start3A_11] : memref<32x100x1x100xi32, #tpu.memory_space<hbm>> -> memref<1x1x1x100xi32, #tpu.memory_space<hbm>>
    %dma_start3A_13 = tpu.memref_squeeze %dma_start3A_12 : memref<1x1x1x100xi32, #tpu.memory_space<hbm>> -> memref<1x100xi32, #tpu.memory_space<hbm>>
    %dma_start3A_14 = arith.constant 0 : i32
    %dma_start3A_15 = arith.constant 0 : i32
    %dma_start3A_16 = tpu.memref_slice %arg4[%add3A, %dma_start3A_9, %dma_start3A_14, %dma_start3A_15] : memref<32x100x1x100xi32, #tpu.memory_space<hbm>> -> memref<1x1x1x100xi32, #tpu.memory_space<hbm>>
    %dma_start3A_17 = tpu.memref_squeeze %dma_start3A_16 : memref<1x1x1x100xi32, #tpu.memory_space<hbm>> -> memref<1x100xi32, #tpu.memory_space<hbm>>
    tpu.enqueue_dma source(%dma_start3A_17 : memref<1x100xi32, #tpu.memory_space<hbm>>) target(%arg11 : memref<1x100xi32, #tpu.memory_space<vmem>>) target_semaphore(%arg17 : memref<!tpu.dma_semaphore, #tpu.memory_space<semaphore_mem>>)
    %dma_start3A_18 = arith.constant 1 : i32
    %dma_start3A_19 = arith.constant 0 : i32
    %dma_start3A_20 = arith.constant 0 : i32
    %dma_start3A_21 = tpu.memref_slice %arg3[%add3A, %dma_start3A_18, %dma_start3A_19, %dma_start3A_20] : memref<32x100x1x100xi32, #tpu.memory_space<hbm>> -> memref<1x1x1x100xi32, #tpu.memory_space<hbm>>
    %dma_start3A_22 = tpu.memref_squeeze %dma_start3A_21 : memref<1x1x1x100xi32, #tpu.memory_space<hbm>> -> memref<1x100xi32, #tpu.memory_space<hbm>>
    %dma_start3A_23 = arith.constant 0 : i32
    %dma_start3A_24 = arith.constant 0 : i32
    %dma_start3A_25 = tpu.memref_slice %arg3[%add3A, %dma_start3A_18, %dma_start3A_23, %dma_start3A_24] : memref<32x100x1x100xi32, #tpu.memory_space<hbm>> -> memref<1x1x1x100xi32, #tpu.memory_space<hbm>>
    %dma_start3A_26 = tpu.memref_squeeze %dma_start3A_25 : memref<1x1x1x100xi32, #tpu.memory_space<hbm>> -> memref<1x100xi32, #tpu.memory_space<hbm>>
    tpu.enqueue_dma source(%dma_start3A_26 : memref<1x100xi32, #tpu.memory_space<hbm>>) target(%arg8 : memref<1x100xi32, #tpu.memory_space<vmem>>) target_semaphore(%arg18 : memref<!tpu.dma_semaphore, #tpu.memory_space<semaphore_mem>>)
    %dma_start3A_27 = arith.constant 1 : i32
    %dma_start3A_28 = arith.constant 0 : i32
    %dma_start3A_29 = arith.constant 0 : i32
    %dma_start3A_30 = tpu.memref_slice %arg4[%add3A, %dma_start3A_27, %dma_start3A_28, %dma_start3A_29] : memref<32x100x1x100xi32, #tpu.memory_space<hbm>> -> memref<1x1x1x100xi32, #tpu.memory_space<hbm>>
    %dma_start3A_31 = tpu.memref_squeeze %dma_start3A_30 : memref<1x1x1x100xi32, #tpu.memory_space<hbm>> -> memref<1x100xi32, #tpu.memory_space<hbm>>
    %dma_start3A_32 = arith.constant 0 : i32
    %dma_start3A_33 = arith.constant 0 : i32
    %dma_start3A_34 = tpu.memref_slice %arg4[%add3A, %dma_start3A_27, %dma_start3A_32, %dma_start3A_33] : memref<32x100x1x100xi32, #tpu.memory_space<hbm>> -> memref<1x1x1x100xi32, #tpu.memory_space<hbm>>
    %dma_start3A_35 = tpu.memref_squeeze %dma_start3A_34 : memref<1x1x1x100xi32, #tpu.memory_space<hbm>> -> memref<1x100xi32, #tpu.memory_space<hbm>>
    tpu.enqueue_dma source(%dma_start3A_35 : memref<1x100xi32, #tpu.memory_space<hbm>>) target(%arg12 : memref<1x100xi32, #tpu.memory_space<vmem>>) target_semaphore(%arg18 : memref<!tpu.dma_semaphore, #tpu.memory_space<semaphore_mem>>)
    %dma_start3A_36 = arith.constant 2 : i32
    %dma_start3A_37 = arith.constant 0 : i32
    %dma_start3A_38 = arith.constant 0 : i32
    %dma_start3A_39 = tpu.memref_slice %arg3[%add3A, %dma_start3A_36, %dma_start3A_37, %dma_start3A_38] : memref<32x100x1x100xi32, #tpu.memory_space<hbm>> -> memref<1x1x1x100xi32, #tpu.memory_space<hbm>>
    %dma_start3A_40 = tpu.memref_squeeze %dma_start3A_39 : memref<1x1x1x100xi32, #tpu.memory_space<hbm>> -> memref<1x100xi32, #tpu.memory_space<hbm>>
    %dma_start3A_41 = arith.constant 0 : i32
    %dma_start3A_42 = arith.constant 0 : i32
    %dma_start3A_43 = tpu.memref_slice %arg3[%add3A, %dma_start3A_36, %dma_start3A_41, %dma_start3A_42] : memref<32x100x1x100xi32, #tpu.memory_space<hbm>> -> memref<1x1x1x100xi32, #tpu.memory_space<hbm>>
    %dma_start3A_44 = tpu.memref_squeeze %dma_start3A_43 : memref<1x1x1x100xi32, #tpu.memory_space<hbm>> -> memref<1x100xi32, #tpu.memory_space<hbm>>
    tpu.enqueue_dma source(%dma_start3A_44 : memref<1x100xi32, #tpu.memory_space<hbm>>) target(%arg9 : memref<1x100xi32, #tpu.memory_space<vmem>>) target_semaphore(%arg19 : memref<!tpu.dma_semaphore, #tpu.memory_space<semaphore_mem>>)
    %dma_start3A_45 = arith.constant 2 : i32
    %dma_start3A_46 = arith.constant 0 : i32
    %dma_start3A_47 = arith.constant 0 : i32
    %dma_start3A_48 = tpu.memref_slice %arg4[%add3A, %dma_start3A_45, %dma_start3A_46, %dma_start3A_47] : memref<32x100x1x100xi32, #tpu.memory_space<hbm>> -> memref<1x1x1x100xi32, #tpu.memory_space<hbm>>
    %dma_start3A_49 = tpu.memref_squeeze %dma_start3A_48 : memref<1x1x1x100xi32, #tpu.memory_space<hbm>> -> memref<1x100xi32, #tpu.memory_space<hbm>>
    %dma_start3A_50 = arith.constant 0 : i32
    %dma_start3A_51 = arith.constant 0 : i32
    %dma_start3A_52 = tpu.memref_slice %arg4[%add3A, %dma_start3A_45, %dma_start3A_50, %dma_start3A_51] : memref<32x100x1x100xi32, #tpu.memory_space<hbm>> -> memref<1x1x1x100xi32, #tpu.memory_space<hbm>>
    %dma_start3A_53 = tpu.memref_squeeze %dma_start3A_52 : memref<1x1x1x100xi32, #tpu.memory_space<hbm>> -> memref<1x100xi32, #tpu.memory_space<hbm>>
    tpu.enqueue_dma source(%dma_start3A_53 : memref<1x100xi32, #tpu.memory_space<hbm>>) target(%arg13 : memref<1x100xi32, #tpu.memory_space<vmem>>) target_semaphore(%arg19 : memref<!tpu.dma_semaphore, #tpu.memory_space<semaphore_mem>>)
    %broadcast_in_dim3A = arith.constant 0.000000e+00 : f32
    %broadcast_in_dim3A_54 = vector.broadcast %broadcast_in_dim3A : f32 to vector<16xf32>
    %scan3A = arith.constant 0 : i32
    %scan3A_55 = arith.constant 0 : i32
    %scan3A_56 = arith.constant 640 : i32
    %scan3A_57 = arith.addi %scan3A_55, %scan3A_56 : i32
    %scan3A_58 = arith.constant 1 : i32
    scf.for %scan3A_108 = %scan3A_55 to %scan3A_57 step %scan3A_58  : i32 {
      %jit3A = arith.constant 8 : i32
      %div3A = arith.divsi %scan3A_108, %jit3A : i32
      %sign3A = arith.constant 0 : i32
      %sign3A_109 = arith.cmpi sgt, %scan3A_108, %sign3A : i32
      %sign3A_110 = arith.extui %sign3A_109 : i1 to i32
      %sign3A_111 = arith.constant 0 : i32
      %sign3A_112 = arith.cmpi slt, %scan3A_108, %sign3A_111 : i32
      %sign3A_113 = arith.extui %sign3A_112 : i1 to i32
      %sign3A_114 = arith.subi %sign3A_110, %sign3A_113 : i32
      %sign3A_115 = arith.constant 0 : i32
      %sign3A_116 = arith.cmpi sgt, %jit3A, %sign3A_115 : i32
      %sign3A_117 = arith.extui %sign3A_116 : i1 to i32
      %sign3A_118 = arith.constant 0 : i32
      %sign3A_119 = arith.cmpi slt, %jit3A, %sign3A_118 : i32
      %sign3A_120 = arith.extui %sign3A_119 : i1 to i32
      %sign3A_121 = arith.subi %sign3A_117, %sign3A_120 : i32
      %ne3A = arith.cmpi ne, %sign3A_114, %sign3A_121 : i32
      %rem3A = arith.remsi %scan3A_108, %jit3A : i32
      %ne3A_122 = arith.constant 0 : i32
      %ne3A_123 = arith.cmpi ne, %rem3A, %ne3A_122 : i32
      %and3A = arith.andi %ne3A, %ne3A_123 : i1
      %sub3A = arith.constant 1 : i32
      %sub3A_124 = arith.subi %div3A, %sub3A : i32
      %select_n3A = arith.select %and3A, %sub3A_124, %div3A : i32
      %jit3A_125 = arith.constant 8 : i32
      %eq3A = arith.constant 0 : i32
      %eq3A_126 = arith.cmpi eq, %jit3A_125, %eq3A : i32
      %jit3A_127 = arith.constant 1 : i32
      %select_n3A_128 = arith.select %eq3A_126, %jit3A_127, %jit3A_125 : i32
      %rem3A_129 = arith.remsi %scan3A_108, %select_n3A_128 : i32
      %ne3A_130 = arith.constant 0 : i32
      %ne3A_131 = arith.cmpi ne, %rem3A_129, %ne3A_130 : i32
      %lt3A = arith.constant 0 : i32
      %lt3A_132 = arith.cmpi slt, %rem3A_129, %lt3A : i32
      %lt3A_133 = arith.constant 0 : i32
      %lt3A_134 = arith.cmpi slt, %select_n3A_128, %lt3A_133 : i32
      %ne3A_135 = arith.xori %lt3A_132, %lt3A_134 : i1
      %and3A_136 = arith.andi %ne3A_135, %ne3A_131 : i1
      %add3A_137 = arith.addi %rem3A_129, %select_n3A_128 : i32
      %select_n3A_138 = arith.select %and3A_136, %add3A_137, %rem3A_129 : i32
      %mul3A_139 = arith.constant 16 : i32
      %mul3A_140 = arith.muli %select_n3A_138, %mul3A_139 : i32
      %swap3A = arith.index_cast %select_n3A : i32 to index
      %swap3A_141 = arith.index_cast %mul3A_140 : i32 to index
      %swap3A_142 = tpu.vector_load %arg16[%swap3A, %swap3A_141] {strides = array<i32>} : memref<100x128xf32, #tpu.memory_space<vmem>>, vector<1x16xf32>,
      %swap3A_143 = vector.shape_cast %swap3A_142 : vector<1x16xf32> to vector<16xf32>
      %swap3A_144 = vector.shape_cast %broadcast_in_dim3A_54 : vector<16xf32> to vector<1x16xf32>
      tpu.vector_store %arg16[%swap3A, %swap3A_141], %swap3A_144 {strides = array<i32>} : memref<100x128xf32, #tpu.memory_space<vmem>>, vector<1x16xf32>,
    }
    %scan3A_59 = arith.constant 640 : i32
    %dma_wait3A = arith.constant 0 : i32
    %dma_wait3A_60 = arith.constant 0 : i32
    %dma_wait3A_61 = arith.constant 0 : i32
    %dma_wait3A_62 = tpu.memref_slice %arg3[%add3A, %dma_wait3A, %dma_wait3A_60, %dma_wait3A_61] : memref<32x100x1x100xi32, #tpu.memory_space<hbm>> -> memref<1x1x1x100xi32, #tpu.memory_space<hbm>>
    %dma_wait3A_63 = tpu.memref_squeeze %dma_wait3A_62 : memref<1x1x1x100xi32, #tpu.memory_space<hbm>> -> memref<1x100xi32, #tpu.memory_space<hbm>>
    %dma_wait3A_64 = arith.constant 0 : i32
    %dma_wait3A_65 = arith.constant 0 : i32
    %dma_wait3A_66 = tpu.memref_slice %arg3[%add3A, %dma_wait3A, %dma_wait3A_64, %dma_wait3A_65] : memref<32x100x1x100xi32, #tpu.memory_space<hbm>> -> memref<1x1x1x100xi32, #tpu.memory_space<hbm>>
    %dma_wait3A_67 = tpu.memref_squeeze %dma_wait3A_66 : memref<1x1x1x100xi32, #tpu.memory_space<hbm>> -> memref<1x100xi32, #tpu.memory_space<hbm>>
    tpu.wait_dma2 semaphore(%arg17 : memref<!tpu.dma_semaphore, #tpu.memory_space<semaphore_mem>>) src(%dma_wait3A_67 : memref<1x100xi32, #tpu.memory_space<hbm>>) dst(%arg7 : memref<1x100xi32, #tpu.memory_space<vmem>>)
    %dma_wait3A_68 = arith.constant 0 : i32
    %dma_wait3A_69 = arith.constant 0 : i32
    %dma_wait3A_70 = arith.constant 0 : i32
    %dma_wait3A_71 = tpu.memref_slice %arg4[%add3A, %dma_wait3A_68, %dma_wait3A_69, %dma_wait3A_70] : memref<32x100x1x100xi32, #tpu.memory_space<hbm>> -> memref<1x1x1x100xi32, #tpu.memory_space<hbm>>
    %dma_wait3A_72 = tpu.memref_squeeze %dma_wait3A_71 : memref<1x1x1x100xi32, #tpu.memory_space<hbm>> -> memref<1x100xi32, #tpu.memory_space<hbm>>
    %dma_wait3A_73 = arith.constant 0 : i32
    %dma_wait3A_74 = arith.constant 0 : i32
    %dma_wait3A_75 = tpu.memref_slice %arg4[%add3A, %dma_wait3A_68, %dma_wait3A_73, %dma_wait3A_74] : memref<32x100x1x100xi32, #tpu.memory_space<hbm>> -> memref<1x1x1x100xi32, #tpu.memory_space<hbm>>
    %dma_wait3A_76 = tpu.memref_squeeze %dma_wait3A_75 : memref<1x1x1x100xi32, #tpu.memory_space<hbm>> -> memref<1x100xi32, #tpu.memory_space<hbm>>
    tpu.wait_dma2 semaphore(%arg17 : memref<!tpu.dma_semaphore, #tpu.memory_space<semaphore_mem>>) src(%dma_wait3A_76 : memref<1x100xi32, #tpu.memory_space<hbm>>) dst(%arg11 : memref<1x100xi32, #tpu.memory_space<vmem>>)
    %dma_start3A_77 = arith.constant 0 : i32
    %dma_start3A_78 = arith.constant 0 : i32
    %dma_start3A_79 = tpu.memref_slice %arg7[%dma_start3A_77, %dma_start3A_78] : memref<1x100xi32, #tpu.memory_space<vmem>> -> memref<1x100xi32, #tpu.memory_space<vmem>>
    %dma_start3A_80 = tpu.memref_squeeze %dma_start3A_79 : memref<1x100xi32, #tpu.memory_space<vmem>> -> memref<100xi32, #tpu.memory_space<vmem>>
    %dma_start3A_81 = arith.constant 0 : i32
    %dma_start3A_82 = arith.constant 0 : i32
    %dma_start3A_83 = tpu.memref_slice %arg2[%dma_start3A_81, %dma_start3A_82] : memref<10000x128xf32, #tpu.memory_space<hbm>> -> memref<10000x128xf32, #tpu.memory_space<hbm>>
    tpu.enqueue_indirect_dma source(%dma_start3A_83 : memref<10000x128xf32, #tpu.memory_space<hbm>>) target(%arg15 : memref<100x128xf32, #tpu.memory_space<vmem>>) offsets(%dma_start3A_80 : memref<100xi32, #tpu.memory_space<vmem>>) semaphore(%arg21 : memref<!tpu.dma_semaphore, #tpu.memory_space<semaphore_mem>>)
    %scan3A_84 = arith.constant 0 : i32
    %scan3A_85 = arith.constant 0 : i32
    %scan3A_86 = arith.constant 8 : i32
    %scan3A_87 = arith.addi %scan3A_85, %scan3A_86 : i32
    %scan3A_88 = arith.constant 1 : i32
    scf.for %scan3A_108 = %scan3A_85 to %scan3A_87 step %scan3A_88  : i32 {
      %mul3A_109 = arith.constant 640 : i32
      %mul3A_110 = arith.muli %arg1, %mul3A_109 : i32
      %mul3A_111 = arith.constant 80 : i32
      %mul3A_112 = arith.muli %scan3A_108, %mul3A_111 : i32
      %add3A_113 = arith.addi %mul3A_110, %mul3A_112 : i32
      "tpu.region"() ({
        %run_scoped3A = tpu.sem_alloc : memref<!tpu.dma_semaphore, #tpu.memory_space<semaphore_mem>>
        %dma_start3A_114 = arith.constant 0 : i32
        %dma_start3A_115 = arith.constant 0 : i32
        %dma_start3A_116 = tpu.memref_slice %arg16[%dma_start3A_114, %dma_start3A_115] : memref<100x128xf32, #tpu.memory_space<vmem>> -> memref<80x128xf32, #tpu.memory_space<vmem>>
        %dma_start3A_117 = arith.constant 0 : i32
        %dma_start3A_118 = tpu.memref_slice %arg6[%add3A_113, %dma_start3A_117] : memref<10240x128xf32, #tpu.memory_space<vmem_shared>> -> memref<80x128xf32, #tpu.memory_space<vmem_shared>>
        %dma_start3A_119 = arith.constant 0 : i32
        %dma_start3A_120 = tpu.memref_slice %arg6[%add3A_113, %dma_start3A_119] : memref<10240x128xf32, #tpu.memory_space<vmem_shared>> -> memref<80x128xf32, #tpu.memory_space<vmem_shared>>
        %dma_start3A_121 = arith.constant 0 : i32
        %dma_start3A_122 = arith.constant 0 : i32
        %dma_start3A_123 = tpu.memref_slice %arg16[%dma_start3A_121, %dma_start3A_122] : memref<100x128xf32, #tpu.memory_space<vmem>> -> memref<80x128xf32, #tpu.memory_space<vmem>>
        tpu.enqueue_dma source(%dma_start3A_123 : memref<80x128xf32, #tpu.memory_space<vmem>>) target(%dma_start3A_120 : memref<80x128xf32, #tpu.memory_space<vmem_shared>>) target_semaphore(%run_scoped3A : memref<!tpu.dma_semaphore, #tpu.memory_space<semaphore_mem>>)
        %dma_wait3A_124 = arith.constant 0 : i32
        %dma_wait3A_125 = arith.constant 0 : i32
        %dma_wait3A_126 = tpu.memref_slice %arg16[%dma_wait3A_124, %dma_wait3A_125] : memref<100x128xf32, #tpu.memory_space<vmem>> -> memref<80x128xf32, #tpu.memory_space<vmem>>
        %dma_wait3A_127 = arith.constant 0 : i32
        %dma_wait3A_128 = tpu.memref_slice %arg6[%add3A_113, %dma_wait3A_127] : memref<10240x128xf32, #tpu.memory_space<vmem_shared>> -> memref<80x128xf32, #tpu.memory_space<vmem_shared>>
        %dma_wait3A_129 = arith.constant 0 : i32
        %dma_wait3A_130 = tpu.memref_slice %arg6[%add3A_113, %dma_wait3A_129] : memref<10240x128xf32, #tpu.memory_space<vmem_shared>> -> memref<80x128xf32, #tpu.memory_space<vmem_shared>>
        %dma_wait3A_131 = arith.constant 0 : i32
        %dma_wait3A_132 = arith.constant 0 : i32
        %dma_wait3A_133 = tpu.memref_slice %arg16[%dma_wait3A_131, %dma_wait3A_132] : memref<100x128xf32, #tpu.memory_space<vmem>> -> memref<80x128xf32, #tpu.memory_space<vmem>>
        tpu.wait_dma2 semaphore(%run_scoped3A : memref<!tpu.dma_semaphore, #tpu.memory_space<semaphore_mem>>) src(%dma_wait3A_133 : memref<80x128xf32, #tpu.memory_space<vmem>>) dst(%dma_wait3A_130 : memref<80x128xf32, #tpu.memory_space<vmem_shared>>)
        tpu.yield
      }) : () -> ()
    }
    %scan3A_89 = arith.constant 8 : i32
    %barrier3A = arith.constant 0 : index
    tpu.barrier barrier_id(%barrier3A)
    %scan3A_90 = arith.constant 0 : i32
    %scan3A_91 = arith.constant 0 : i32
    %scan3A_92 = arith.constant 25 : i32
    %scan3A_93 = arith.addi %scan3A_91, %scan3A_92 : i32
    %scan3A_94 = arith.constant 1 : i32
    scf.for %scan3A_108 = %scan3A_91 to %scan3A_93 step %scan3A_94  : i32 {
      %mul3A_109 = arith.constant 4 : i32
      %mul3A_110 = arith.muli %scan3A_108, %mul3A_109 : i32
      %add3A_111 = arith.constant 0 : i32
      %add3A_112 = arith.addi %mul3A_110, %add3A_111 : i32
      %add3A_113 = arith.constant 1 : i32
      %add3A_114 = arith.addi %add3A_112, %add3A_113 : i32
      %dma_wait3A_115 = arith.constant 0 : i32
      %dma_wait3A_116 = arith.constant 0 : i32
      %dma_wait3A_117 = tpu.memref_slice %arg3[%add3A, %add3A_114, %dma_wait3A_115, %dma_wait3A_116] : memref<32x100x1x100xi32, #tpu.memory_space<hbm>> -> memref<1x1x1x100xi32, #tpu.memory_space<hbm>>
      %dma_wait3A_118 = tpu.memref_squeeze %dma_wait3A_117 : memref<1x1x1x100xi32, #tpu.memory_space<hbm>> -> memref<1x100xi32, #tpu.memory_space<hbm>>
      %dma_wait3A_119 = arith.constant 0 : i32
      %dma_wait3A_120 = arith.constant 0 : i32
      %dma_wait3A_121 = tpu.memref_slice %arg3[%add3A, %add3A_114, %dma_wait3A_119, %dma_wait3A_120] : memref<32x100x1x100xi32, #tpu.memory_space<hbm>> -> memref<1x1x1x100xi32, #tpu.memory_space<hbm>>
      %dma_wait3A_122 = tpu.memref_squeeze %dma_wait3A_121 : memref<1x1x1x100xi32, #tpu.memory_space<hbm>> -> memref<1x100xi32, #tpu.memory_space<hbm>>
      tpu.wait_dma2 semaphore(%arg18 : memref<!tpu.dma_semaphore, #tpu.memory_space<semaphore_mem>>) src(%dma_wait3A_122 : memref<1x100xi32, #tpu.memory_space<hbm>>) dst(%arg8 : memref<1x100xi32, #tpu.memory_space<vmem>>)
      %dma_wait3A_123 = arith.constant 0 : i32
      %dma_wait3A_124 = arith.constant 0 : i32
      %dma_wait3A_125 = tpu.memref_slice %arg4[%add3A, %add3A_114, %dma_wait3A_123, %dma_wait3A_124] : memref<32x100x1x100xi32, #tpu.memory_space<hbm>> -> memref<1x1x1x100xi32, #tpu.memory_space<hbm>>
      %dma_wait3A_126 = tpu.memref_squeeze %dma_wait3A_125 : memref<1x1x1x100xi32, #tpu.memory_space<hbm>> -> memref<1x100xi32, #tpu.memory_space<hbm>>
      %dma_wait3A_127 = arith.constant 0 : i32
      %dma_wait3A_128 = arith.constant 0 : i32
      %dma_wait3A_129 = tpu.memref_slice %arg4[%add3A, %add3A_114, %dma_wait3A_127, %dma_wait3A_128] : memref<32x100x1x100xi32, #tpu.memory_space<hbm>> -> memref<1x1x1x100xi32, #tpu.memory_space<hbm>>
      %dma_wait3A_130 = tpu.memref_squeeze %dma_wait3A_129 : memref<1x1x1x100xi32, #tpu.memory_space<hbm>> -> memref<1x100xi32, #tpu.memory_space<hbm>>
      tpu.wait_dma2 semaphore(%arg18 : memref<!tpu.dma_semaphore, #tpu.memory_space<semaphore_mem>>) src(%dma_wait3A_130 : memref<1x100xi32, #tpu.memory_space<hbm>>) dst(%arg12 : memref<1x100xi32, #tpu.memory_space<vmem>>)
      %dma_wait3A_131 = arith.constant 0 : i32
      %dma_wait3A_132 = arith.constant 0 : i32
      %dma_wait3A_133 = tpu.memref_slice %arg7[%dma_wait3A_131, %dma_wait3A_132] : memref<1x100xi32, #tpu.memory_space<vmem>> -> memref<1x100xi32, #tpu.memory_space<vmem>>
      %dma_wait3A_134 = tpu.memref_squeeze %dma_wait3A_133 : memref<1x100xi32, #tpu.memory_space<vmem>> -> memref<100xi32, #tpu.memory_space<vmem>>
      %dma_wait3A_135 = arith.constant 0 : i32
      %dma_wait3A_136 = arith.constant 0 : i32
      %dma_wait3A_137 = tpu.memref_slice %arg2[%dma_wait3A_135, %dma_wait3A_136] : memref<10000x128xf32, #tpu.memory_space<hbm>> -> memref<10000x128xf32, #tpu.memory_space<hbm>>
      tpu.wait_indirect_dma semaphore(%arg21 : memref<!tpu.dma_semaphore, #tpu.memory_space<semaphore_mem>>) src(%dma_wait3A_137 : memref<10000x128xf32, #tpu.memory_space<hbm>>) dst(%arg15 : memref<100x128xf32, #tpu.memory_space<vmem>>)
      %gt3A = arith.constant 0 : i32
      %gt3A_138 = arith.cmpi sgt, %add3A_112, %gt3A : i32
      %convert_element_type3A = arith.extui %gt3A_138 : i1 to i32
      %cond3A = arith.constant 0 : i32
      %cond3A_139 = arith.cmpi ne, %convert_element_type3A, %cond3A : i32
      scf.if %cond3A_139 {
        %dma_wait3A_320 = arith.constant 0 : i32
        %dma_wait3A_321 = arith.constant 0 : i32
        %dma_wait3A_322 = tpu.memref_slice %arg14[%dma_wait3A_320, %dma_wait3A_321] : memref<1x100xi32, #tpu.memory_space<vmem>> -> memref<1x100xi32, #tpu.memory_space<vmem>>
        %dma_wait3A_323 = tpu.memref_squeeze %dma_wait3A_322 : memref<1x100xi32, #tpu.memory_space<vmem>> -> memref<100xi32, #tpu.memory_space<vmem>>
        %dma_wait3A_324 = arith.constant 0 : i32
        %dma_wait3A_325 = arith.constant 0 : i32
        %dma_wait3A_326 = tpu.memref_slice %arg6[%dma_wait3A_324, %dma_wait3A_325] : memref<10240x128xf32, #tpu.memory_space<vmem_shared>> -> memref<10240x128xf32, #tpu.memory_space<vmem_shared>>
        tpu.wait_indirect_dma semaphore(%arg24 : memref<!tpu.dma_semaphore, #tpu.memory_space<semaphore_mem>>) src(%arg16 : memref<100x128xf32, #tpu.memory_space<vmem>>) dst(%dma_wait3A_326 : memref<10240x128xf32, #tpu.memory_space<vmem_shared>>)
      } else {
      }
      %add3A_140 = arith.constant 3 : i32
      %add3A_141 = arith.addi %add3A_112, %add3A_140 : i32
      %lt3A = arith.constant 100 : i32
      %lt3A_142 = arith.cmpi slt, %add3A_141, %lt3A : i32
      %convert_element_type3A_143 = arith.extui %lt3A_142 : i1 to i32
      %cond3A_144 = arith.constant 0 : i32
      %cond3A_145 = arith.cmpi ne, %convert_element_type3A_143, %cond3A_144 : i32
      scf.if %cond3A_145 {
        %add3A_320 = arith.constant 3 : i32
        %add3A_321 = arith.addi %add3A_112, %add3A_320 : i32
        %dma_start3A_322 = arith.constant 0 : i32
        %dma_start3A_323 = arith.constant 0 : i32
        %dma_start3A_324 = tpu.memref_slice %arg3[%add3A, %add3A_321, %dma_start3A_322, %dma_start3A_323] : memref<32x100x1x100xi32, #tpu.memory_space<hbm>> -> memref<1x1x1x100xi32, #tpu.memory_space<hbm>>
        %dma_start3A_325 = tpu.memref_squeeze %dma_start3A_324 : memref<1x1x1x100xi32, #tpu.memory_space<hbm>> -> memref<1x100xi32, #tpu.memory_space<hbm>>
        %dma_start3A_326 = arith.constant 0 : i32
        %dma_start3A_327 = arith.constant 0 : i32
        %dma_start3A_328 = tpu.memref_slice %arg3[%add3A, %add3A_321, %dma_start3A_326, %dma_start3A_327] : memref<32x100x1x100xi32, #tpu.memory_space<hbm>> -> memref<1x1x1x100xi32, #tpu.memory_space<hbm>>
        %dma_start3A_329 = tpu.memref_squeeze %dma_start3A_328 : memref<1x1x1x100xi32, #tpu.memory_space<hbm>> -> memref<1x100xi32, #tpu.memory_space<hbm>>
        tpu.enqueue_dma source(%dma_start3A_329 : memref<1x100xi32, #tpu.memory_space<hbm>>) target(%arg10 : memref<1x100xi32, #tpu.memory_space<vmem>>) target_semaphore(%arg20 : memref<!tpu.dma_semaphore, #tpu.memory_space<semaphore_mem>>)
        %dma_start3A_330 = arith.constant 0 : i32
        %dma_start3A_331 = arith.constant 0 : i32
        %dma_start3A_332 = tpu.memref_slice %arg4[%add3A, %add3A_321, %dma_start3A_330, %dma_start3A_331] : memref<32x100x1x100xi32, #tpu.memory_space<hbm>> -> memref<1x1x1x100xi32, #tpu.memory_space<hbm>>
        %dma_start3A_333 = tpu.memref_squeeze %dma_start3A_332 : memref<1x1x1x100xi32, #tpu.memory_space<hbm>> -> memref<1x100xi32, #tpu.memory_space<hbm>>
        %dma_start3A_334 = arith.constant 0 : i32
        %dma_start3A_335 = arith.constant 0 : i32
        %dma_start3A_336 = tpu.memref_slice %arg4[%add3A, %add3A_321, %dma_start3A_334, %dma_start3A_335] : memref<32x100x1x100xi32, #tpu.memory_space<hbm>> -> memref<1x1x1x100xi32, #tpu.memory_space<hbm>>
        %dma_start3A_337 = tpu.memref_squeeze %dma_start3A_336 : memref<1x1x1x100xi32, #tpu.memory_space<hbm>> -> memref<1x100xi32, #tpu.memory_space<hbm>>
        tpu.enqueue_dma source(%dma_start3A_337 : memref<1x100xi32, #tpu.memory_space<hbm>>) target(%arg14 : memref<1x100xi32, #tpu.memory_space<vmem>>) target_semaphore(%arg20 : memref<!tpu.dma_semaphore, #tpu.memory_space<semaphore_mem>>)
      } else {
      }
      %add3A_146 = arith.constant 1 : i32
      %add3A_147 = arith.addi %add3A_112, %add3A_146 : i32
      %dma_start3A_148 = arith.constant 0 : i32
      %dma_start3A_149 = arith.constant 0 : i32
      %dma_start3A_150 = tpu.memref_slice %arg8[%dma_start3A_148, %dma_start3A_149] : memref<1x100xi32, #tpu.memory_space<vmem>> -> memref<1x100xi32, #tpu.memory_space<vmem>>
      %dma_start3A_151 = tpu.memref_squeeze %dma_start3A_150 : memref<1x100xi32, #tpu.memory_space<vmem>> -> memref<100xi32, #tpu.memory_space<vmem>>
      %dma_start3A_152 = arith.constant 0 : i32
      %dma_start3A_153 = arith.constant 0 : i32
      %dma_start3A_154 = tpu.memref_slice %arg2[%dma_start3A_152, %dma_start3A_153] : memref<10000x128xf32, #tpu.memory_space<hbm>> -> memref<10000x128xf32, #tpu.memory_space<hbm>>
      tpu.enqueue_indirect_dma source(%dma_start3A_154 : memref<10000x128xf32, #tpu.memory_space<hbm>>) target(%arg16 : memref<100x128xf32, #tpu.memory_space<vmem>>) offsets(%dma_start3A_151 : memref<100xi32, #tpu.memory_space<vmem>>) semaphore(%arg22 : memref<!tpu.dma_semaphore, #tpu.memory_space<semaphore_mem>>)
      %dma_start3A_155 = arith.constant 0 : i32
      %dma_start3A_156 = arith.constant 0 : i32
      %dma_start3A_157 = tpu.memref_slice %arg11[%dma_start3A_155, %dma_start3A_156] : memref<1x100xi32, #tpu.memory_space<vmem>> -> memref<1x100xi32, #tpu.memory_space<vmem>>
      %dma_start3A_158 = tpu.memref_squeeze %dma_start3A_157 : memref<1x100xi32, #tpu.memory_space<vmem>> -> memref<100xi32, #tpu.memory_space<vmem>>
      %dma_start3A_159 = arith.constant 0 : i32
      %dma_start3A_160 = arith.constant 0 : i32
      %dma_start3A_161 = tpu.memref_slice %arg6[%dma_start3A_159, %dma_start3A_160] : memref<10240x128xf32, #tpu.memory_space<vmem_shared>> -> memref<10240x128xf32, #tpu.memory_space<vmem_shared>>
      tpu.enqueue_indirect_dma source(%arg15 : memref<100x128xf32, #tpu.memory_space<vmem>>) target(%dma_start3A_161 : memref<10240x128xf32, #tpu.memory_space<vmem_shared>>) offsets(%dma_start3A_158 : memref<100xi32, #tpu.memory_space<vmem>>) semaphore(%arg23 : memref<!tpu.dma_semaphore, #tpu.memory_space<semaphore_mem>>) {add = true}
      %add3A_162 = arith.constant 1 : i32
      %add3A_163 = arith.addi %mul3A_110, %add3A_162 : i32
      %add3A_164 = arith.constant 1 : i32
      %add3A_165 = arith.addi %add3A_163, %add3A_164 : i32
      %dma_wait3A_166 = arith.constant 0 : i32
      %dma_wait3A_167 = arith.constant 0 : i32
      %dma_wait3A_168 = tpu.memref_slice %arg3[%add3A, %add3A_165, %dma_wait3A_166, %dma_wait3A_167] : memref<32x100x1x100xi32, #tpu.memory_space<hbm>> -> memref<1x1x1x100xi32, #tpu.memory_space<hbm>>
      %dma_wait3A_169 = tpu.memref_squeeze %dma_wait3A_168 : memref<1x1x1x100xi32, #tpu.memory_space<hbm>> -> memref<1x100xi32, #tpu.memory_space<hbm>>
      %dma_wait3A_170 = arith.constant 0 : i32
      %dma_wait3A_171 = arith.constant 0 : i32
      %dma_wait3A_172 = tpu.memref_slice %arg3[%add3A, %add3A_165, %dma_wait3A_170, %dma_wait3A_171] : memref<32x100x1x100xi32, #tpu.memory_space<hbm>> -> memref<1x1x1x100xi32, #tpu.memory_space<hbm>>
      %dma_wait3A_173 = tpu.memref_squeeze %dma_wait3A_172 : memref<1x1x1x100xi32, #tpu.memory_space<hbm>> -> memref<1x100xi32, #tpu.memory_space<hbm>>
      tpu.wait_dma2 semaphore(%arg19 : memref<!tpu.dma_semaphore, #tpu.memory_space<semaphore_mem>>) src(%dma_wait3A_173 : memref<1x100xi32, #tpu.memory_space<hbm>>) dst(%arg9 : memref<1x100xi32, #tpu.memory_space<vmem>>)
      %dma_wait3A_174 = arith.constant 0 : i32
      %dma_wait3A_175 = arith.constant 0 : i32
      %dma_wait3A_176 = tpu.memref_slice %arg4[%add3A, %add3A_165, %dma_wait3A_174, %dma_wait3A_175] : memref<32x100x1x100xi32, #tpu.memory_space<hbm>> -> memref<1x1x1x100xi32, #tpu.memory_space<hbm>>
      %dma_wait3A_177 = tpu.memref_squeeze %dma_wait3A_176 : memref<1x1x1x100xi32, #tpu.memory_space<hbm>> -> memref<1x100xi32, #tpu.memory_space<hbm>>
      %dma_wait3A_178 = arith.constant 0 : i32
      %dma_wait3A_179 = arith.constant 0 : i32
      %dma_wait3A_180 = tpu.memref_slice %arg4[%add3A, %add3A_165, %dma_wait3A_178, %dma_wait3A_179] : memref<32x100x1x100xi32, #tpu.memory_space<hbm>> -> memref<1x1x1x100xi32, #tpu.memory_space<hbm>>
      %dma_wait3A_181 = tpu.memref_squeeze %dma_wait3A_180 : memref<1x1x1x100xi32, #tpu.memory_space<hbm>> -> memref<1x100xi32, #tpu.memory_space<hbm>>
      tpu.wait_dma2 semaphore(%arg19 : memref<!tpu.dma_semaphore, #tpu.memory_space<semaphore_mem>>) src(%dma_wait3A_181 : memref<1x100xi32, #tpu.memory_space<hbm>>) dst(%arg13 : memref<1x100xi32, #tpu.memory_space<vmem>>)
      %dma_wait3A_182 = arith.constant 0 : i32
      %dma_wait3A_183 = arith.constant 0 : i32
      %dma_wait3A_184 = tpu.memref_slice %arg8[%dma_wait3A_182, %dma_wait3A_183] : memref<1x100xi32, #tpu.memory_space<vmem>> -> memref<1x100xi32, #tpu.memory_space<vmem>>
      %dma_wait3A_185 = tpu.memref_squeeze %dma_wait3A_184 : memref<1x100xi32, #tpu.memory_space<vmem>> -> memref<100xi32, #tpu.memory_space<vmem>>
      %dma_wait3A_186 = arith.constant 0 : i32
      %dma_wait3A_187 = arith.constant 0 : i32
      %dma_wait3A_188 = tpu.memref_slice %arg2[%dma_wait3A_186, %dma_wait3A_187] : memref<10000x128xf32, #tpu.memory_space<hbm>> -> memref<10000x128xf32, #tpu.memory_space<hbm>>
      tpu.wait_indirect_dma semaphore(%arg22 : memref<!tpu.dma_semaphore, #tpu.memory_space<semaphore_mem>>) src(%dma_wait3A_188 : memref<10000x128xf32, #tpu.memory_space<hbm>>) dst(%arg16 : memref<100x128xf32, #tpu.memory_space<vmem>>)
      %dma_wait3A_189 = arith.constant 0 : i32
      %dma_wait3A_190 = arith.constant 0 : i32
      %dma_wait3A_191 = tpu.memref_slice %arg11[%dma_wait3A_189, %dma_wait3A_190] : memref<1x100xi32, #tpu.memory_space<vmem>> -> memref<1x100xi32, #tpu.memory_space<vmem>>
      %dma_wait3A_192 = tpu.memref_squeeze %dma_wait3A_191 : memref<1x100xi32, #tpu.memory_space<vmem>> -> memref<100xi32, #tpu.memory_space<vmem>>
      %dma_wait3A_193 = arith.constant 0 : i32
      %dma_wait3A_194 = arith.constant 0 : i32
      %dma_wait3A_195 = tpu.memref_slice %arg6[%dma_wait3A_193, %dma_wait3A_194] : memref<10240x128xf32, #tpu.memory_space<vmem_shared>> -> memref<10240x128xf32, #tpu.memory_space<vmem_shared>>
      tpu.wait_indirect_dma semaphore(%arg23 : memref<!tpu.dma_semaphore, #tpu.memory_space<semaphore_mem>>) src(%arg15 : memref<100x128xf32, #tpu.memory_space<vmem>>) dst(%dma_wait3A_195 : memref<10240x128xf32, #tpu.memory_space<vmem_shared>>)
      %add3A_196 = arith.constant 3 : i32
      %add3A_197 = arith.addi %add3A_163, %add3A_196 : i32
      %lt3A_198 = arith.constant 100 : i32
      %lt3A_199 = arith.cmpi slt, %add3A_197, %lt3A_198 : i32
      %convert_element_type3A_200 = arith.extui %lt3A_199 : i1 to i32
      %cond3A_201 = arith.constant 0 : i32
      %cond3A_202 = arith.cmpi ne, %convert_element_type3A_200, %cond3A_201 : i32
      scf.if %cond3A_202 {
        %add3A_320 = arith.constant 3 : i32
        %add3A_321 = arith.addi %add3A_163, %add3A_320 : i32
        %dma_start3A_322 = arith.constant 0 : i32
        %dma_start3A_323 = arith.constant 0 : i32
        %dma_start3A_324 = tpu.memref_slice %arg3[%add3A, %add3A_321, %dma_start3A_322, %dma_start3A_323] : memref<32x100x1x100xi32, #tpu.memory_space<hbm>> -> memref<1x1x1x100xi32, #tpu.memory_space<hbm>>
        %dma_start3A_325 = tpu.memref_squeeze %dma_start3A_324 : memref<1x1x1x100xi32, #tpu.memory_space<hbm>> -> memref<1x100xi32, #tpu.memory_space<hbm>>
        %dma_start3A_326 = arith.constant 0 : i32
        %dma_start3A_327 = arith.constant 0 : i32
        %dma_start3A_328 = tpu.memref_slice %arg3[%add3A, %add3A_321, %dma_start3A_326, %dma_start3A_327] : memref<32x100x1x100xi32, #tpu.memory_space<hbm>> -> memref<1x1x1x100xi32, #tpu.memory_space<hbm>>
        %dma_start3A_329 = tpu.memref_squeeze %dma_start3A_328 : memref<1x1x1x100xi32, #tpu.memory_space<hbm>> -> memref<1x100xi32, #tpu.memory_space<hbm>>
        tpu.enqueue_dma source(%dma_start3A_329 : memref<1x100xi32, #tpu.memory_space<hbm>>) target(%arg7 : memref<1x100xi32, #tpu.memory_space<vmem>>) target_semaphore(%arg17 : memref<!tpu.dma_semaphore, #tpu.memory_space<semaphore_mem>>)
        %dma_start3A_330 = arith.constant 0 : i32
        %dma_start3A_331 = arith.constant 0 : i32
        %dma_start3A_332 = tpu.memref_slice %arg4[%add3A, %add3A_321, %dma_start3A_330, %dma_start3A_331] : memref<32x100x1x100xi32, #tpu.memory_space<hbm>> -> memref<1x1x1x100xi32, #tpu.memory_space<hbm>>
        %dma_start3A_333 = tpu.memref_squeeze %dma_start3A_332 : memref<1x1x1x100xi32, #tpu.memory_space<hbm>> -> memref<1x100xi32, #tpu.memory_space<hbm>>
        %dma_start3A_334 = arith.constant 0 : i32
        %dma_start3A_335 = arith.constant 0 : i32
        %dma_start3A_336 = tpu.memref_slice %arg4[%add3A, %add3A_321, %dma_start3A_334, %dma_start3A_335] : memref<32x100x1x100xi32, #tpu.memory_space<hbm>> -> memref<1x1x1x100xi32, #tpu.memory_space<hbm>>
        %dma_start3A_337 = tpu.memref_squeeze %dma_start3A_336 : memref<1x1x1x100xi32, #tpu.memory_space<hbm>> -> memref<1x100xi32, #tpu.memory_space<hbm>>
        tpu.enqueue_dma source(%dma_start3A_337 : memref<1x100xi32, #tpu.memory_space<hbm>>) target(%arg11 : memref<1x100xi32, #tpu.memory_space<vmem>>) target_semaphore(%arg17 : memref<!tpu.dma_semaphore, #tpu.memory_space<semaphore_mem>>)
      } else {
      }
      %add3A_203 = arith.constant 1 : i32
      %add3A_204 = arith.addi %add3A_163, %add3A_203 : i32
      %dma_start3A_205 = arith.constant 0 : i32
      %dma_start3A_206 = arith.constant 0 : i32
      %dma_start3A_207 = tpu.memref_slice %arg9[%dma_start3A_205, %dma_start3A_206] : memref<1x100xi32, #tpu.memory_space<vmem>> -> memref<1x100xi32, #tpu.memory_space<vmem>>
      %dma_start3A_208 = tpu.memref_squeeze %dma_start3A_207 : memref<1x100xi32, #tpu.memory_space<vmem>> -> memref<100xi32, #tpu.memory_space<vmem>>
      %dma_start3A_209 = arith.constant 0 : i32
      %dma_start3A_210 = arith.constant 0 : i32
      %dma_start3A_211 = tpu.memref_slice %arg2[%dma_start3A_209, %dma_start3A_210] : memref<10000x128xf32, #tpu.memory_space<hbm>> -> memref<10000x128xf32, #tpu.memory_space<hbm>>
      tpu.enqueue_indirect_dma source(%dma_start3A_211 : memref<10000x128xf32, #tpu.memory_space<hbm>>) target(%arg15 : memref<100x128xf32, #tpu.memory_space<vmem>>) offsets(%dma_start3A_208 : memref<100xi32, #tpu.memory_space<vmem>>) semaphore(%arg21 : memref<!tpu.dma_semaphore, #tpu.memory_space<semaphore_mem>>)
      %dma_start3A_212 = arith.constant 0 : i32
      %dma_start3A_213 = arith.constant 0 : i32
      %dma_start3A_214 = tpu.memref_slice %arg12[%dma_start3A_212, %dma_start3A_213] : memref<1x100xi32, #tpu.memory_space<vmem>> -> memref<1x100xi32, #tpu.memory_space<vmem>>
      %dma_start3A_215 = tpu.memref_squeeze %dma_start3A_214 : memref<1x100xi32, #tpu.memory_space<vmem>> -> memref<100xi32, #tpu.memory_space<vmem>>
      %dma_start3A_216 = arith.constant 0 : i32
      %dma_start3A_217 = arith.constant 0 : i32
      %dma_start3A_218 = tpu.memref_slice %arg6[%dma_start3A_216, %dma_start3A_217] : memref<10240x128xf32, #tpu.memory_space<vmem_shared>> -> memref<10240x128xf32, #tpu.memory_space<vmem_shared>>
      tpu.enqueue_indirect_dma source(%arg16 : memref<100x128xf32, #tpu.memory_space<vmem>>) target(%dma_start3A_218 : memref<10240x128xf32, #tpu.memory_space<vmem_shared>>) offsets(%dma_start3A_215 : memref<100xi32, #tpu.memory_space<vmem>>) semaphore(%arg24 : memref<!tpu.dma_semaphore, #tpu.memory_space<semaphore_mem>>) {add = true}
      %add3A_219 = arith.constant 2 : i32
      %add3A_220 = arith.addi %mul3A_110, %add3A_219 : i32
      %add3A_221 = arith.constant 1 : i32
      %add3A_222 = arith.addi %add3A_220, %add3A_221 : i32
      %dma_wait3A_223 = arith.constant 0 : i32
      %dma_wait3A_224 = arith.constant 0 : i32
      %dma_wait3A_225 = tpu.memref_slice %arg3[%add3A, %add3A_222, %dma_wait3A_223, %dma_wait3A_224] : memref<32x100x1x100xi32, #tpu.memory_space<hbm>> -> memref<1x1x1x100xi32, #tpu.memory_space<hbm>>
      %dma_wait3A_226 = tpu.memref_squeeze %dma_wait3A_225 : memref<1x1x1x100xi32, #tpu.memory_space<hbm>> -> memref<1x100xi32, #tpu.memory_space<hbm>>
      %dma_wait3A_227 = arith.constant 0 : i32
      %dma_wait3A_228 = arith.constant 0 : i32
      %dma_wait3A_229 = tpu.memref_slice %arg3[%add3A, %add3A_222, %dma_wait3A_227, %dma_wait3A_228] : memref<32x100x1x100xi32, #tpu.memory_space<hbm>> -> memref<1x1x1x100xi32, #tpu.memory_space<hbm>>
      %dma_wait3A_230 = tpu.memref_squeeze %dma_wait3A_229 : memref<1x1x1x100xi32, #tpu.memory_space<hbm>> -> memref<1x100xi32, #tpu.memory_space<hbm>>
      tpu.wait_dma2 semaphore(%arg20 : memref<!tpu.dma_semaphore, #tpu.memory_space<semaphore_mem>>) src(%dma_wait3A_230 : memref<1x100xi32, #tpu.memory_space<hbm>>) dst(%arg10 : memref<1x100xi32, #tpu.memory_space<vmem>>)
      %dma_wait3A_231 = arith.constant 0 : i32
      %dma_wait3A_232 = arith.constant 0 : i32
      %dma_wait3A_233 = tpu.memref_slice %arg4[%add3A, %add3A_222, %dma_wait3A_231, %dma_wait3A_232] : memref<32x100x1x100xi32, #tpu.memory_space<hbm>> -> memref<1x1x1x100xi32, #tpu.memory_space<hbm>>
      %dma_wait3A_234 = tpu.memref_squeeze %dma_wait3A_233 : memref<1x1x1x100xi32, #tpu.memory_space<hbm>> -> memref<1x100xi32, #tpu.memory_space<hbm>>
      %dma_wait3A_235 = arith.constant 0 : i32
      %dma_wait3A_236 = arith.constant 0 : i32
      %dma_wait3A_237 = tpu.memref_slice %arg4[%add3A, %add3A_222, %dma_wait3A_235, %dma_wait3A_236] : memref<32x100x1x100xi32, #tpu.memory_space<hbm>> -> memref<1x1x1x100xi32, #tpu.memory_space<hbm>>
      %dma_wait3A_238 = tpu.memref_squeeze %dma_wait3A_237 : memref<1x1x1x100xi32, #tpu.memory_space<hbm>> -> memref<1x100xi32, #tpu.memory_space<hbm>>
      tpu.wait_dma2 semaphore(%arg20 : memref<!tpu.dma_semaphore, #tpu.memory_space<semaphore_mem>>) src(%dma_wait3A_238 : memref<1x100xi32, #tpu.memory_space<hbm>>) dst(%arg14 : memref<1x100xi32, #tpu.memory_space<vmem>>)
      %dma_wait3A_239 = arith.constant 0 : i32
      %dma_wait3A_240 = arith.constant 0 : i32
      %dma_wait3A_241 = tpu.memref_slice %arg9[%dma_wait3A_239, %dma_wait3A_240] : memref<1x100xi32, #tpu.memory_space<vmem>> -> memref<1x100xi32, #tpu.memory_space<vmem>>
      %dma_wait3A_242 = tpu.memref_squeeze %dma_wait3A_241 : memref<1x100xi32, #tpu.memory_space<vmem>> -> memref<100xi32, #tpu.memory_space<vmem>>
      %dma_wait3A_243 = arith.constant 0 : i32
      %dma_wait3A_244 = arith.constant 0 : i32
      %dma_wait3A_245 = tpu.memref_slice %arg2[%dma_wait3A_243, %dma_wait3A_244] : memref<10000x128xf32, #tpu.memory_space<hbm>> -> memref<10000x128xf32, #tpu.memory_space<hbm>>
      tpu.wait_indirect_dma semaphore(%arg21 : memref<!tpu.dma_semaphore, #tpu.memory_space<semaphore_mem>>) src(%dma_wait3A_245 : memref<10000x128xf32, #tpu.memory_space<hbm>>) dst(%arg15 : memref<100x128xf32, #tpu.memory_space<vmem>>)
      %dma_wait3A_246 = arith.constant 0 : i32
      %dma_wait3A_247 = arith.constant 0 : i32
      %dma_wait3A_248 = tpu.memref_slice %arg12[%dma_wait3A_246, %dma_wait3A_247] : memref<1x100xi32, #tpu.memory_space<vmem>> -> memref<1x100xi32, #tpu.memory_space<vmem>>
      %dma_wait3A_249 = tpu.memref_squeeze %dma_wait3A_248 : memref<1x100xi32, #tpu.memory_space<vmem>> -> memref<100xi32, #tpu.memory_space<vmem>>
      %dma_wait3A_250 = arith.constant 0 : i32
      %dma_wait3A_251 = arith.constant 0 : i32
      %dma_wait3A_252 = tpu.memref_slice %arg6[%dma_wait3A_250, %dma_wait3A_251] : memref<10240x128xf32, #tpu.memory_space<vmem_shared>> -> memref<10240x128xf32, #tpu.memory_space<vmem_shared>>
      tpu.wait_indirect_dma semaphore(%arg24 : memref<!tpu.dma_semaphore, #tpu.memory_space<semaphore_mem>>) src(%arg16 : memref<100x128xf32, #tpu.memory_space<vmem>>) dst(%dma_wait3A_252 : memref<10240x128xf32, #tpu.memory_space<vmem_shared>>)
      %add3A_253 = arith.constant 3 : i32
      %add3A_254 = arith.addi %add3A_220, %add3A_253 : i32
      %lt3A_255 = arith.constant 100 : i32
      %lt3A_256 = arith.cmpi slt, %add3A_254, %lt3A_255 : i32
      %convert_element_type3A_257 = arith.extui %lt3A_256 : i1 to i32
      %cond3A_258 = arith.constant 0 : i32
      %cond3A_259 = arith.cmpi ne, %convert_element_type3A_257, %cond3A_258 : i32
      scf.if %cond3A_259 {
        %add3A_320 = arith.constant 3 : i32
        %add3A_321 = arith.addi %add3A_220, %add3A_320 : i32
        %dma_start3A_322 = arith.constant 0 : i32
        %dma_start3A_323 = arith.constant 0 : i32
        %dma_start3A_324 = tpu.memref_slice %arg3[%add3A, %add3A_321, %dma_start3A_322, %dma_start3A_323] : memref<32x100x1x100xi32, #tpu.memory_space<hbm>> -> memref<1x1x1x100xi32, #tpu.memory_space<hbm>>
        %dma_start3A_325 = tpu.memref_squeeze %dma_start3A_324 : memref<1x1x1x100xi32, #tpu.memory_space<hbm>> -> memref<1x100xi32, #tpu.memory_space<hbm>>
        %dma_start3A_326 = arith.constant 0 : i32
        %dma_start3A_327 = arith.constant 0 : i32
        %dma_start3A_328 = tpu.memref_slice %arg3[%add3A, %add3A_321, %dma_start3A_326, %dma_start3A_327] : memref<32x100x1x100xi32, #tpu.memory_space<hbm>> -> memref<1x1x1x100xi32, #tpu.memory_space<hbm>>
        %dma_start3A_329 = tpu.memref_squeeze %dma_start3A_328 : memref<1x1x1x100xi32, #tpu.memory_space<hbm>> -> memref<1x100xi32, #tpu.memory_space<hbm>>
        tpu.enqueue_dma source(%dma_start3A_329 : memref<1x100xi32, #tpu.memory_space<hbm>>) target(%arg8 : memref<1x100xi32, #tpu.memory_space<vmem>>) target_semaphore(%arg18 : memref<!tpu.dma_semaphore, #tpu.memory_space<semaphore_mem>>)
        %dma_start3A_330 = arith.constant 0 : i32
        %dma_start3A_331 = arith.constant 0 : i32
        %dma_start3A_332 = tpu.memref_slice %arg4[%add3A, %add3A_321, %dma_start3A_330, %dma_start3A_331] : memref<32x100x1x100xi32, #tpu.memory_space<hbm>> -> memref<1x1x1x100xi32, #tpu.memory_space<hbm>>
        %dma_start3A_333 = tpu.memref_squeeze %dma_start3A_332 : memref<1x1x1x100xi32, #tpu.memory_space<hbm>> -> memref<1x100xi32, #tpu.memory_space<hbm>>
        %dma_start3A_334 = arith.constant 0 : i32
        %dma_start3A_335 = arith.constant 0 : i32
        %dma_start3A_336 = tpu.memref_slice %arg4[%add3A, %add3A_321, %dma_start3A_334, %dma_start3A_335] : memref<32x100x1x100xi32, #tpu.memory_space<hbm>> -> memref<1x1x1x100xi32, #tpu.memory_space<hbm>>
        %dma_start3A_337 = tpu.memref_squeeze %dma_start3A_336 : memref<1x1x1x100xi32, #tpu.memory_space<hbm>> -> memref<1x100xi32, #tpu.memory_space<hbm>>
        tpu.enqueue_dma source(%dma_start3A_337 : memref<1x100xi32, #tpu.memory_space<hbm>>) target(%arg12 : memref<1x100xi32, #tpu.memory_space<vmem>>) target_semaphore(%arg18 : memref<!tpu.dma_semaphore, #tpu.memory_space<semaphore_mem>>)
      } else {
      }
      %add3A_260 = arith.constant 1 : i32
      %add3A_261 = arith.addi %add3A_220, %add3A_260 : i32
      %dma_start3A_262 = arith.constant 0 : i32
      %dma_start3A_263 = arith.constant 0 : i32
      %dma_start3A_264 = tpu.memref_slice %arg10[%dma_start3A_262, %dma_start3A_263] : memref<1x100xi32, #tpu.memory_space<vmem>> -> memref<1x100xi32, #tpu.memory_space<vmem>>
      %dma_start3A_265 = tpu.memref_squeeze %dma_start3A_264 : memref<1x100xi32, #tpu.memory_space<vmem>> -> memref<100xi32, #tpu.memory_space<vmem>>
      %dma_start3A_266 = arith.constant 0 : i32
      %dma_start3A_267 = arith.constant 0 : i32
      %dma_start3A_268 = tpu.memref_slice %arg2[%dma_start3A_266, %dma_start3A_267] : memref<10000x128xf32, #tpu.memory_space<hbm>> -> memref<10000x128xf32, #tpu.memory_space<hbm>>
      tpu.enqueue_indirect_dma source(%dma_start3A_268 : memref<10000x128xf32, #tpu.memory_space<hbm>>) target(%arg16 : memref<100x128xf32, #tpu.memory_space<vmem>>) offsets(%dma_start3A_265 : memref<100xi32, #tpu.memory_space<vmem>>) semaphore(%arg22 : memref<!tpu.dma_semaphore, #tpu.memory_space<semaphore_mem>>)
      %dma_start3A_269 = arith.constant 0 : i32
      %dma_start3A_270 = arith.constant 0 : i32
      %dma_start3A_271 = tpu.memref_slice %arg13[%dma_start3A_269, %dma_start3A_270] : memref<1x100xi32, #tpu.memory_space<vmem>> -> memref<1x100xi32, #tpu.memory_space<vmem>>
      %dma_start3A_272 = tpu.memref_squeeze %dma_start3A_271 : memref<1x100xi32, #tpu.memory_space<vmem>> -> memref<100xi32, #tpu.memory_space<vmem>>
      %dma_start3A_273 = arith.constant 0 : i32
      %dma_start3A_274 = arith.constant 0 : i32
      %dma_start3A_275 = tpu.memref_slice %arg6[%dma_start3A_273, %dma_start3A_274] : memref<10240x128xf32, #tpu.memory_space<vmem_shared>> -> memref<10240x128xf32, #tpu.memory_space<vmem_shared>>
      tpu.enqueue_indirect_dma source(%arg15 : memref<100x128xf32, #tpu.memory_space<vmem>>) target(%dma_start3A_275 : memref<10240x128xf32, #tpu.memory_space<vmem_shared>>) offsets(%dma_start3A_272 : memref<100xi32, #tpu.memory_space<vmem>>) semaphore(%arg23 : memref<!tpu.dma_semaphore, #tpu.memory_space<semaphore_mem>>) {add = true}
      %add3A_276 = arith.constant 3 : i32
      %add3A_277 = arith.addi %mul3A_110, %add3A_276 : i32
      %add3A_278 = arith.constant 1 : i32
      %add3A_279 = arith.addi %add3A_277, %add3A_278 : i32
      %lt3A_280 = arith.constant 100 : i32
      %lt3A_281 = arith.cmpi slt, %add3A_279, %lt3A_280 : i32
      %convert_element_type3A_282 = arith.extui %lt3A_281 : i1 to i32
      %cond3A_283 = arith.constant 0 : i32
      %cond3A_284 = arith.cmpi ne, %convert_element_type3A_282, %cond3A_283 : i32
      scf.if %cond3A_284 {
        %add3A_320 = arith.constant 1 : i32
        %add3A_321 = arith.addi %add3A_277, %add3A_320 : i32
        %dma_wait3A_322 = arith.constant 0 : i32
        %dma_wait3A_323 = arith.constant 0 : i32
        %dma_wait3A_324 = tpu.memref_slice %arg3[%add3A, %add3A_321, %dma_wait3A_322, %dma_wait3A_323] : memref<32x100x1x100xi32, #tpu.memory_space<hbm>> -> memref<1x1x1x100xi32, #tpu.memory_space<hbm>>
        %dma_wait3A_325 = tpu.memref_squeeze %dma_wait3A_324 : memref<1x1x1x100xi32, #tpu.memory_space<hbm>> -> memref<1x100xi32, #tpu.memory_space<hbm>>
        %dma_wait3A_326 = arith.constant 0 : i32
        %dma_wait3A_327 = arith.constant 0 : i32
        %dma_wait3A_328 = tpu.memref_slice %arg3[%add3A, %add3A_321, %dma_wait3A_326, %dma_wait3A_327] : memref<32x100x1x100xi32, #tpu.memory_space<hbm>> -> memref<1x1x1x100xi32, #tpu.memory_space<hbm>>
        %dma_wait3A_329 = tpu.memref_squeeze %dma_wait3A_328 : memref<1x1x1x100xi32, #tpu.memory_space<hbm>> -> memref<1x100xi32, #tpu.memory_space<hbm>>
        tpu.wait_dma2 semaphore(%arg17 : memref<!tpu.dma_semaphore, #tpu.memory_space<semaphore_mem>>) src(%dma_wait3A_329 : memref<1x100xi32, #tpu.memory_space<hbm>>) dst(%arg7 : memref<1x100xi32, #tpu.memory_space<vmem>>)
        %dma_wait3A_330 = arith.constant 0 : i32
        %dma_wait3A_331 = arith.constant 0 : i32
        %dma_wait3A_332 = tpu.memref_slice %arg4[%add3A, %add3A_321, %dma_wait3A_330, %dma_wait3A_331] : memref<32x100x1x100xi32, #tpu.memory_space<hbm>> -> memref<1x1x1x100xi32, #tpu.memory_space<hbm>>
        %dma_wait3A_333 = tpu.memref_squeeze %dma_wait3A_332 : memref<1x1x1x100xi32, #tpu.memory_space<hbm>> -> memref<1x100xi32, #tpu.memory_space<hbm>>
        %dma_wait3A_334 = arith.constant 0 : i32
        %dma_wait3A_335 = arith.constant 0 : i32
        %dma_wait3A_336 = tpu.memref_slice %arg4[%add3A, %add3A_321, %dma_wait3A_334, %dma_wait3A_335] : memref<32x100x1x100xi32, #tpu.memory_space<hbm>> -> memref<1x1x1x100xi32, #tpu.memory_space<hbm>>
        %dma_wait3A_337 = tpu.memref_squeeze %dma_wait3A_336 : memref<1x1x1x100xi32, #tpu.memory_space<hbm>> -> memref<1x100xi32, #tpu.memory_space<hbm>>
        tpu.wait_dma2 semaphore(%arg17 : memref<!tpu.dma_semaphore, #tpu.memory_space<semaphore_mem>>) src(%dma_wait3A_337 : memref<1x100xi32, #tpu.memory_space<hbm>>) dst(%arg11 : memref<1x100xi32, #tpu.memory_space<vmem>>)
      } else {
      }
      %dma_wait3A_285 = arith.constant 0 : i32
      %dma_wait3A_286 = arith.constant 0 : i32
      %dma_wait3A_287 = tpu.memref_slice %arg10[%dma_wait3A_285, %dma_wait3A_286] : memref<1x100xi32, #tpu.memory_space<vmem>> -> memref<1x100xi32, #tpu.memory_space<vmem>>
      %dma_wait3A_288 = tpu.memref_squeeze %dma_wait3A_287 : memref<1x100xi32, #tpu.memory_space<vmem>> -> memref<100xi32, #tpu.memory_space<vmem>>
      %dma_wait3A_289 = arith.constant 0 : i32
      %dma_wait3A_290 = arith.constant 0 : i32
      %dma_wait3A_291 = tpu.memref_slice %arg2[%dma_wait3A_289, %dma_wait3A_290] : memref<10000x128xf32, #tpu.memory_space<hbm>> -> memref<10000x128xf32, #tpu.memory_space<hbm>>
      tpu.wait_indirect_dma semaphore(%arg22 : memref<!tpu.dma_semaphore, #tpu.memory_space<semaphore_mem>>) src(%dma_wait3A_291 : memref<10000x128xf32, #tpu.memory_space<hbm>>) dst(%arg16 : memref<100x128xf32, #tpu.memory_space<vmem>>)
      %dma_wait3A_292 = arith.constant 0 : i32
      %dma_wait3A_293 = arith.constant 0 : i32
      %dma_wait3A_294 = tpu.memref_slice %arg13[%dma_wait3A_292, %dma_wait3A_293] : memref<1x100xi32, #tpu.memory_space<vmem>> -> memref<1x100xi32, #tpu.memory_space<vmem>>
      %dma_wait3A_295 = tpu.memref_squeeze %dma_wait3A_294 : memref<1x100xi32, #tpu.memory_space<vmem>> -> memref<100xi32, #tpu.memory_space<vmem>>
      %dma_wait3A_296 = arith.constant 0 : i32
      %dma_wait3A_297 = arith.constant 0 : i32
      %dma_wait3A_298 = tpu.memref_slice %arg6[%dma_wait3A_296, %dma_wait3A_297] : memref<10240x128xf32, #tpu.memory_space<vmem_shared>> -> memref<10240x128xf32, #tpu.memory_space<vmem_shared>>
      tpu.wait_indirect_dma semaphore(%arg23 : memref<!tpu.dma_semaphore, #tpu.memory_space<semaphore_mem>>) src(%arg15 : memref<100x128xf32, #tpu.memory_space<vmem>>) dst(%dma_wait3A_298 : memref<10240x128xf32, #tpu.memory_space<vmem_shared>>)
      %add3A_299 = arith.constant 3 : i32
      %add3A_300 = arith.addi %add3A_277, %add3A_299 : i32
      %lt3A_301 = arith.constant 100 : i32
      %lt3A_302 = arith.cmpi slt, %add3A_300, %lt3A_301 : i32
      %convert_element_type3A_303 = arith.extui %lt3A_302 : i1 to i32
      %cond3A_304 = arith.constant 0 : i32
      %cond3A_305 = arith.cmpi ne, %convert_element_type3A_303, %cond3A_304 : i32
      scf.if %cond3A_305 {
        %add3A_320 = arith.constant 3 : i32
        %add3A_321 = arith.addi %add3A_277, %add3A_320 : i32
        %dma_start3A_322 = arith.constant 0 : i32
        %dma_start3A_323 = arith.constant 0 : i32
        %dma_start3A_324 = tpu.memref_slice %arg3[%add3A, %add3A_321, %dma_start3A_322, %dma_start3A_323] : memref<32x100x1x100xi32, #tpu.memory_space<hbm>> -> memref<1x1x1x100xi32, #tpu.memory_space<hbm>>
        %dma_start3A_325 = tpu.memref_squeeze %dma_start3A_324 : memref<1x1x1x100xi32, #tpu.memory_space<hbm>> -> memref<1x100xi32, #tpu.memory_space<hbm>>
        %dma_start3A_326 = arith.constant 0 : i32
        %dma_start3A_327 = arith.constant 0 : i32
        %dma_start3A_328 = tpu.memref_slice %arg3[%add3A, %add3A_321, %dma_start3A_326, %dma_start3A_327] : memref<32x100x1x100xi32, #tpu.memory_space<hbm>> -> memref<1x1x1x100xi32, #tpu.memory_space<hbm>>
        %dma_start3A_329 = tpu.memref_squeeze %dma_start3A_328 : memref<1x1x1x100xi32, #tpu.memory_space<hbm>> -> memref<1x100xi32, #tpu.memory_space<hbm>>
        tpu.enqueue_dma source(%dma_start3A_329 : memref<1x100xi32, #tpu.memory_space<hbm>>) target(%arg9 : memref<1x100xi32, #tpu.memory_space<vmem>>) target_semaphore(%arg19 : memref<!tpu.dma_semaphore, #tpu.memory_space<semaphore_mem>>)
        %dma_start3A_330 = arith.constant 0 : i32
        %dma_start3A_331 = arith.constant 0 : i32
        %dma_start3A_332 = tpu.memref_slice %arg4[%add3A, %add3A_321, %dma_start3A_330, %dma_start3A_331] : memref<32x100x1x100xi32, #tpu.memory_space<hbm>> -> memref<1x1x1x100xi32, #tpu.memory_space<hbm>>
        %dma_start3A_333 = tpu.memref_squeeze %dma_start3A_332 : memref<1x1x1x100xi32, #tpu.memory_space<hbm>> -> memref<1x100xi32, #tpu.memory_space<hbm>>
        %dma_start3A_334 = arith.constant 0 : i32
        %dma_start3A_335 = arith.constant 0 : i32
        %dma_start3A_336 = tpu.memref_slice %arg4[%add3A, %add3A_321, %dma_start3A_334, %dma_start3A_335] : memref<32x100x1x100xi32, #tpu.memory_space<hbm>> -> memref<1x1x1x100xi32, #tpu.memory_space<hbm>>
        %dma_start3A_337 = tpu.memref_squeeze %dma_start3A_336 : memref<1x1x1x100xi32, #tpu.memory_space<hbm>> -> memref<1x100xi32, #tpu.memory_space<hbm>>
        tpu.enqueue_dma source(%dma_start3A_337 : memref<1x100xi32, #tpu.memory_space<hbm>>) target(%arg13 : memref<1x100xi32, #tpu.memory_space<vmem>>) target_semaphore(%arg19 : memref<!tpu.dma_semaphore, #tpu.memory_space<semaphore_mem>>)
      } else {
      }
      %add3A_306 = arith.constant 1 : i32
      %add3A_307 = arith.addi %add3A_277, %add3A_306 : i32
      %lt3A_308 = arith.constant 100 : i32
      %lt3A_309 = arith.cmpi slt, %add3A_307, %lt3A_308 : i32
      %convert_element_type3A_310 = arith.extui %lt3A_309 : i1 to i32
      %cond3A_311 = arith.constant 0 : i32
      %cond3A_312 = arith.cmpi ne, %convert_element_type3A_310, %cond3A_311 : i32
      scf.if %cond3A_312 {
        %add3A_320 = arith.constant 1 : i32
        %add3A_321 = arith.addi %add3A_277, %add3A_320 : i32
        %dma_start3A_322 = arith.constant 0 : i32
        %dma_start3A_323 = arith.constant 0 : i32
        %dma_start3A_324 = tpu.memref_slice %arg7[%dma_start3A_322, %dma_start3A_323] : memref<1x100xi32, #tpu.memory_space<vmem>> -> memref<1x100xi32, #tpu.memory_space<vmem>>
        %dma_start3A_325 = tpu.memref_squeeze %dma_start3A_324 : memref<1x100xi32, #tpu.memory_space<vmem>> -> memref<100xi32, #tpu.memory_space<vmem>>
        %dma_start3A_326 = arith.constant 0 : i32
        %dma_start3A_327 = arith.constant 0 : i32
        %dma_start3A_328 = tpu.memref_slice %arg2[%dma_start3A_326, %dma_start3A_327] : memref<10000x128xf32, #tpu.memory_space<hbm>> -> memref<10000x128xf32, #tpu.memory_space<hbm>>
        tpu.enqueue_indirect_dma source(%dma_start3A_328 : memref<10000x128xf32, #tpu.memory_space<hbm>>) target(%arg15 : memref<100x128xf32, #tpu.memory_space<vmem>>) offsets(%dma_start3A_325 : memref<100xi32, #tpu.memory_space<vmem>>) semaphore(%arg21 : memref<!tpu.dma_semaphore, #tpu.memory_space<semaphore_mem>>)
      } else {
      }
      %dma_start3A_313 = arith.constant 0 : i32
      %dma_start3A_314 = arith.constant 0 : i32
      %dma_start3A_315 = tpu.memref_slice %arg14[%dma_start3A_313, %dma_start3A_314] : memref<1x100xi32, #tpu.memory_space<vmem>> -> memref<1x100xi32, #tpu.memory_space<vmem>>
      %dma_start3A_316 = tpu.memref_squeeze %dma_start3A_315 : memref<1x100xi32, #tpu.memory_space<vmem>> -> memref<100xi32, #tpu.memory_space<vmem>>
      %dma_start3A_317 = arith.constant 0 : i32
      %dma_start3A_318 = arith.constant 0 : i32
      %dma_start3A_319 = tpu.memref_slice %arg6[%dma_start3A_317, %dma_start3A_318] : memref<10240x128xf32, #tpu.memory_space<vmem_shared>> -> memref<10240x128xf32, #tpu.memory_space<vmem_shared>>
      tpu.enqueue_indirect_dma source(%arg16 : memref<100x128xf32, #tpu.memory_space<vmem>>) target(%dma_start3A_319 : memref<10240x128xf32, #tpu.memory_space<vmem_shared>>) offsets(%dma_start3A_316 : memref<100xi32, #tpu.memory_space<vmem>>) semaphore(%arg24 : memref<!tpu.dma_semaphore, #tpu.memory_space<semaphore_mem>>) {add = true}
    }
    %scan3A_95 = arith.constant 25 : i32
    %dma_wait3A_96 = arith.constant 0 : i32
    %dma_wait3A_97 = arith.constant 0 : i32
    %dma_wait3A_98 = tpu.memref_slice %arg14[%dma_wait3A_96, %dma_wait3A_97] : memref<1x100xi32, #tpu.memory_space<vmem>> -> memref<1x100xi32, #tpu.memory_space<vmem>>
    %dma_wait3A_99 = tpu.memref_squeeze %dma_wait3A_98 : memref<1x100xi32, #tpu.memory_space<vmem>> -> memref<100xi32, #tpu.memory_space<vmem>>
    %dma_wait3A_100 = arith.constant 0 : i32
    %dma_wait3A_101 = arith.constant 0 : i32
    %dma_wait3A_102 = tpu.memref_slice %arg6[%dma_wait3A_100, %dma_wait3A_101] : memref<10240x128xf32, #tpu.memory_space<vmem_shared>> -> memref<10240x128xf32, #tpu.memory_space<vmem_shared>>
    tpu.wait_indirect_dma semaphore(%arg24 : memref<!tpu.dma_semaphore, #tpu.memory_space<semaphore_mem>>) src(%arg16 : memref<100x128xf32, #tpu.memory_space<vmem>>) dst(%dma_wait3A_102 : memref<10240x128xf32, #tpu.memory_space<vmem_shared>>)
    %barrier3A_103 = arith.constant 0 : index
    tpu.barrier barrier_id(%barrier3A_103)
    %mul3A_104 = arith.constant 640 : i32
    %mul3A_105 = arith.muli %arg1, %mul3A_104 : i32
    %mul3A_106 = arith.constant 640 : i32
    %mul3A_107 = arith.muli %arg1, %mul3A_106 : i32
    "tpu.region"() ({
      %run_scoped3A = tpu.sem_alloc : memref<!tpu.dma_semaphore, #tpu.memory_space<semaphore_mem>>
      %dma_start3A_108 = arith.constant 0 : i32
      %dma_start3A_109 = tpu.memref_slice %arg5[%arg0, %mul3A_107, %dma_start3A_108] : memref<2x10240x128xf32, #tpu.memory_space<hbm>> -> memref<1x640x128xf32, #tpu.memory_space<hbm>>
      %dma_start3A_110 = tpu.memref_squeeze %dma_start3A_109 : memref<1x640x128xf32, #tpu.memory_space<hbm>> -> memref<640x128xf32, #tpu.memory_space<hbm>>
      %dma_start3A_111 = arith.constant 0 : i32
      %dma_start3A_112 = tpu.memref_slice %arg6[%mul3A_105, %dma_start3A_111] : memref<10240x128xf32, #tpu.memory_space<vmem_shared>> -> memref<640x128xf32, #tpu.memory_space<vmem_shared>>
      tpu.enqueue_dma source(%dma_start3A_112 : memref<640x128xf32, #tpu.memory_space<vmem_shared>>) target(%dma_start3A_110 : memref<640x128xf32, #tpu.memory_space<hbm>>) target_semaphore(%run_scoped3A : memref<!tpu.dma_semaphore, #tpu.memory_space<semaphore_mem>>)
      %dma_wait3A_113 = arith.constant 0 : i32
      %dma_wait3A_114 = tpu.memref_slice %arg5[%arg0, %mul3A_107, %dma_wait3A_113] : memref<2x10240x128xf32, #tpu.memory_space<hbm>> -> memref<1x640x128xf32, #tpu.memory_space<hbm>>
      %dma_wait3A_115 = tpu.memref_squeeze %dma_wait3A_114 : memref<1x640x128xf32, #tpu.memory_space<hbm>> -> memref<640x128xf32, #tpu.memory_space<hbm>>
      %dma_wait3A_116 = arith.constant 0 : i32
      %dma_wait3A_117 = tpu.memref_slice %arg6[%mul3A_105, %dma_wait3A_116] : memref<10240x128xf32, #tpu.memory_space<vmem_shared>> -> memref<640x128xf32, #tpu.memory_space<vmem_shared>>
      tpu.wait_dma2 semaphore(%run_scoped3A : memref<!tpu.dma_semaphore, #tpu.memory_space<semaphore_mem>>) src(%dma_wait3A_117 : memref<640x128xf32, #tpu.memory_space<vmem_shared>>) dst(%dma_wait3A_115 : memref<640x128xf32, #tpu.memory_space<hbm>>)
      tpu.yield
    }) : () -> ()
    return
  }
}

#map = affine_map<(d0, d1) -> (0, 0)>
#map1 = affine_map<(d0, d1) -> (0, 0, 0, 0)>
#map2 = affine_map<(d0, d1) -> (0, 0, 0)>
module attributes {stable_mosaic.version = 14 : i64} {
  func.func @_sc_agg_body(%arg0: i32, %arg1: i32, %arg2: memref<10000x128xf32, #tpu.memory_space<hbm>>, %arg3: memref<32x100x1x100xi32, #tpu.memory_space<hbm>>, %arg4: memref<32x100x1x100xi32, #tpu.memory_space<hbm>>, %arg5: memref<2x10240x128xf32, #tpu.memory_space<hbm>>, %arg6: memref<10240x128xf32, #tpu.memory_space<vmem_shared>>, %arg7: memref<1x100xi32, #tpu.memory_space<vmem>>, %arg8: memref<1x100xi32, #tpu.memory_space<vmem>>, %arg9: memref<1x100xi32, #tpu.memory_space<vmem>>, %arg10: memref<1x100xi32, #tpu.memory_space<vmem>>, %arg11: memref<1x100xi32, #tpu.memory_space<vmem>>, %arg12: memref<1x100xi32, #tpu.memory_space<vmem>>, %arg13: memref<1x100xi32, #tpu.memory_space<vmem>>, %arg14: memref<1x100xi32, #tpu.memory_space<vmem>>, %arg15: memref<100x128xf32, #tpu.memory_space<vmem>>, %arg16: memref<100x128xf32, #tpu.memory_space<vmem>>, %arg17: memref<!tpu.dma_semaphore, #tpu.memory_space<semaphore_mem>>, %arg18: memref<!tpu.dma_semaphore, #tpu.memory_space<semaphore_mem>>, %arg19: memref<!tpu.dma_semaphore, #tpu.memory_space<semaphore_mem>>, %arg20: memref<!tpu.dma_semaphore, #tpu.memory_space<semaphore_mem>>, %arg21: memref<!tpu.dma_semaphore, #tpu.memory_space<semaphore_mem>>, %arg22: memref<!tpu.dma_semaphore, #tpu.memory_space<semaphore_mem>>, %arg23: memref<!tpu.dma_semaphore, #tpu.memory_space<semaphore_mem>>, %arg24: memref<!tpu.dma_semaphore, #tpu.memory_space<semaphore_mem>>) attributes {dimension_semantics = [#tpu.dimension_semantics<core_parallel>, #tpu.dimension_semantics<subcore_parallel>], iteration_bounds = array<i64: 2, 16>, scalar_prefetch = 0 : i64, scratch_operands = 19 : i64, tpu.core_type = #tpu.core_type<sc_vector_subcore>, window_params = [{transform_indices = #map}, {transform_indices = #map1}, {transform_indices = #map1}, {transform_indices = #map2}]} {
    %mul3A = arith.constant 16 : i32
    %mul3A_0 = arith.muli %arg0, %mul3A : i32
    %add3A = arith.addi %mul3A_0, %arg1 : i32
    %dma_start3A = arith.constant 0 : i32
    %dma_start3A_1 = arith.constant 0 : i32
    %dma_start3A_2 = arith.constant 0 : i32
    %dma_start3A_3 = tpu.memref_slice %arg3[%add3A, %dma_start3A, %dma_start3A_1, %dma_start3A_2] : memref<32x100x1x100xi32, #tpu.memory_space<hbm>> -> memref<1x1x1x100xi32, #tpu.memory_space<hbm>>
    %dma_start3A_4 = tpu.memref_squeeze %dma_start3A_3 : memref<1x1x1x100xi32, #tpu.memory_space<hbm>> -> memref<1x100xi32, #tpu.memory_space<hbm>>
    %dma_start3A_5 = arith.constant 0 : i32
    %dma_start3A_6 = arith.constant 0 : i32
    %dma_start3A_7 = tpu.memref_slice %arg3[%add3A, %dma_start3A, %dma_start3A_5, %dma_start3A_6] : memref<32x100x1x100xi32, #tpu.memory_space<hbm>> -> memref<1x1x1x100xi32, #tpu.memory_space<hbm>>
    %dma_start3A_8 = tpu.memref_squeeze %dma_start3A_7 : memref<1x1x1x100xi32, #tpu.memory_space<hbm>> -> memref<1x100xi32, #tpu.memory_space<hbm>>
    tpu.enqueue_dma source(%dma_start3A_8 : memref<1x100xi32, #tpu.memory_space<hbm>>) target(%arg7 : memref<1x100xi32, #tpu.memory_space<vmem>>) target_semaphore(%arg17 : memref<!tpu.dma_semaphore, #tpu.memory_space<semaphore_mem>>)
    %dma_start3A_9 = arith.constant 0 : i32
    %dma_start3A_10 = arith.constant 0 : i32
    %dma_start3A_11 = arith.constant 0 : i32
    %dma_start3A_12 = tpu.memref_slice %arg4[%add3A, %dma_start3A_9, %dma_start3A_10, %dma_start3A_11] : memref<32x100x1x100xi32, #tpu.memory_space<hbm>> -> memref<1x1x1x100xi32, #tpu.memory_space<hbm>>
    %dma_start3A_13 = tpu.memref_squeeze %dma_start3A_12 : memref<1x1x1x100xi32, #tpu.memory_space<hbm>> -> memref<1x100xi32, #tpu.memory_space<hbm>>
    %dma_start3A_14 = arith.constant 0 : i32
    %dma_start3A_15 = arith.constant 0 : i32
    %dma_start3A_16 = tpu.memref_slice %arg4[%add3A, %dma_start3A_9, %dma_start3A_14, %dma_start3A_15] : memref<32x100x1x100xi32, #tpu.memory_space<hbm>> -> memref<1x1x1x100xi32, #tpu.memory_space<hbm>>
    %dma_start3A_17 = tpu.memref_squeeze %dma_start3A_16 : memref<1x1x1x100xi32, #tpu.memory_space<hbm>> -> memref<1x100xi32, #tpu.memory_space<hbm>>
    tpu.enqueue_dma source(%dma_start3A_17 : memref<1x100xi32, #tpu.memory_space<hbm>>) target(%arg11 : memref<1x100xi32, #tpu.memory_space<vmem>>) target_semaphore(%arg17 : memref<!tpu.dma_semaphore, #tpu.memory_space<semaphore_mem>>)
    %dma_start3A_18 = arith.constant 1 : i32
    %dma_start3A_19 = arith.constant 0 : i32
    %dma_start3A_20 = arith.constant 0 : i32
    %dma_start3A_21 = tpu.memref_slice %arg3[%add3A, %dma_start3A_18, %dma_start3A_19, %dma_start3A_20] : memref<32x100x1x100xi32, #tpu.memory_space<hbm>> -> memref<1x1x1x100xi32, #tpu.memory_space<hbm>>
    %dma_start3A_22 = tpu.memref_squeeze %dma_start3A_21 : memref<1x1x1x100xi32, #tpu.memory_space<hbm>> -> memref<1x100xi32, #tpu.memory_space<hbm>>
    %dma_start3A_23 = arith.constant 0 : i32
    %dma_start3A_24 = arith.constant 0 : i32
    %dma_start3A_25 = tpu.memref_slice %arg3[%add3A, %dma_start3A_18, %dma_start3A_23, %dma_start3A_24] : memref<32x100x1x100xi32, #tpu.memory_space<hbm>> -> memref<1x1x1x100xi32, #tpu.memory_space<hbm>>
    %dma_start3A_26 = tpu.memref_squeeze %dma_start3A_25 : memref<1x1x1x100xi32, #tpu.memory_space<hbm>> -> memref<1x100xi32, #tpu.memory_space<hbm>>
    tpu.enqueue_dma source(%dma_start3A_26 : memref<1x100xi32, #tpu.memory_space<hbm>>) target(%arg8 : memref<1x100xi32, #tpu.memory_space<vmem>>) target_semaphore(%arg18 : memref<!tpu.dma_semaphore, #tpu.memory_space<semaphore_mem>>)
    %dma_start3A_27 = arith.constant 1 : i32
    %dma_start3A_28 = arith.constant 0 : i32
    %dma_start3A_29 = arith.constant 0 : i32
    %dma_start3A_30 = tpu.memref_slice %arg4[%add3A, %dma_start3A_27, %dma_start3A_28, %dma_start3A_29] : memref<32x100x1x100xi32, #tpu.memory_space<hbm>> -> memref<1x1x1x100xi32, #tpu.memory_space<hbm>>
    %dma_start3A_31 = tpu.memref_squeeze %dma_start3A_30 : memref<1x1x1x100xi32, #tpu.memory_space<hbm>> -> memref<1x100xi32, #tpu.memory_space<hbm>>
    %dma_start3A_32 = arith.constant 0 : i32
    %dma_start3A_33 = arith.constant 0 : i32
    %dma_start3A_34 = tpu.memref_slice %arg4[%add3A, %dma_start3A_27, %dma_start3A_32, %dma_start3A_33] : memref<32x100x1x100xi32, #tpu.memory_space<hbm>> -> memref<1x1x1x100xi32, #tpu.memory_space<hbm>>
    %dma_start3A_35 = tpu.memref_squeeze %dma_start3A_34 : memref<1x1x1x100xi32, #tpu.memory_space<hbm>> -> memref<1x100xi32, #tpu.memory_space<hbm>>
    tpu.enqueue_dma source(%dma_start3A_35 : memref<1x100xi32, #tpu.memory_space<hbm>>) target(%arg12 : memref<1x100xi32, #tpu.memory_space<vmem>>) target_semaphore(%arg18 : memref<!tpu.dma_semaphore, #tpu.memory_space<semaphore_mem>>)
    %dma_start3A_36 = arith.constant 2 : i32
    %dma_start3A_37 = arith.constant 0 : i32
    %dma_start3A_38 = arith.constant 0 : i32
    %dma_start3A_39 = tpu.memref_slice %arg3[%add3A, %dma_start3A_36, %dma_start3A_37, %dma_start3A_38] : memref<32x100x1x100xi32, #tpu.memory_space<hbm>> -> memref<1x1x1x100xi32, #tpu.memory_space<hbm>>
    %dma_start3A_40 = tpu.memref_squeeze %dma_start3A_39 : memref<1x1x1x100xi32, #tpu.memory_space<hbm>> -> memref<1x100xi32, #tpu.memory_space<hbm>>
    %dma_start3A_41 = arith.constant 0 : i32
    %dma_start3A_42 = arith.constant 0 : i32
    %dma_start3A_43 = tpu.memref_slice %arg3[%add3A, %dma_start3A_36, %dma_start3A_41, %dma_start3A_42] : memref<32x100x1x100xi32, #tpu.memory_space<hbm>> -> memref<1x1x1x100xi32, #tpu.memory_space<hbm>>
    %dma_start3A_44 = tpu.memref_squeeze %dma_start3A_43 : memref<1x1x1x100xi32, #tpu.memory_space<hbm>> -> memref<1x100xi32, #tpu.memory_space<hbm>>
    tpu.enqueue_dma source(%dma_start3A_44 : memref<1x100xi32, #tpu.memory_space<hbm>>) target(%arg9 : memref<1x100xi32, #tpu.memory_space<vmem>>) target_semaphore(%arg19 : memref<!tpu.dma_semaphore, #tpu.memory_space<semaphore_mem>>)
    %dma_start3A_45 = arith.constant 2 : i32
    %dma_start3A_46 = arith.constant 0 : i32
    %dma_start3A_47 = arith.constant 0 : i32
    %dma_start3A_48 = tpu.memref_slice %arg4[%add3A, %dma_start3A_45, %dma_start3A_46, %dma_start3A_47] : memref<32x100x1x100xi32, #tpu.memory_space<hbm>> -> memref<1x1x1x100xi32, #tpu.memory_space<hbm>>
    %dma_start3A_49 = tpu.memref_squeeze %dma_start3A_48 : memref<1x1x1x100xi32, #tpu.memory_space<hbm>> -> memref<1x100xi32, #tpu.memory_space<hbm>>
    %dma_start3A_50 = arith.constant 0 : i32
    %dma_start3A_51 = arith.constant 0 : i32
    %dma_start3A_52 = tpu.memref_slice %arg4[%add3A, %dma_start3A_45, %dma_start3A_50, %dma_start3A_51] : memref<32x100x1x100xi32, #tpu.memory_space<hbm>> -> memref<1x1x1x100xi32, #tpu.memory_space<hbm>>
    %dma_start3A_53 = tpu.memref_squeeze %dma_start3A_52 : memref<1x1x1x100xi32, #tpu.memory_space<hbm>> -> memref<1x100xi32, #tpu.memory_space<hbm>>
    tpu.enqueue_dma source(%dma_start3A_53 : memref<1x100xi32, #tpu.memory_space<hbm>>) target(%arg13 : memref<1x100xi32, #tpu.memory_space<vmem>>) target_semaphore(%arg19 : memref<!tpu.dma_semaphore, #tpu.memory_space<semaphore_mem>>)
    %broadcast_in_dim3A = arith.constant 0.000000e+00 : f32
    %broadcast_in_dim3A_54 = vector.broadcast %broadcast_in_dim3A : f32 to vector<16xf32>
    %scan3A = arith.constant 0 : i32
    %scan3A_55 = arith.constant 0 : i32
    %scan3A_56 = arith.constant 640 : i32
    %scan3A_57 = arith.addi %scan3A_55, %scan3A_56 : i32
    %scan3A_58 = arith.constant 1 : i32
    scf.for %scan3A_108 = %scan3A_55 to %scan3A_57 step %scan3A_58  : i32 {
      %jit3A = arith.constant 8 : i32
      %div3A = arith.divsi %scan3A_108, %jit3A : i32
      %sign3A = arith.constant 0 : i32
      %sign3A_109 = arith.cmpi sgt, %scan3A_108, %sign3A : i32
      %sign3A_110 = arith.extui %sign3A_109 : i1 to i32
      %sign3A_111 = arith.constant 0 : i32
      %sign3A_112 = arith.cmpi slt, %scan3A_108, %sign3A_111 : i32
      %sign3A_113 = arith.extui %sign3A_112 : i1 to i32
      %sign3A_114 = arith.subi %sign3A_110, %sign3A_113 : i32
      %sign3A_115 = arith.constant 0 : i32
      %sign3A_116 = arith.cmpi sgt, %jit3A, %sign3A_115 : i32
      %sign3A_117 = arith.extui %sign3A_116 : i1 to i32
      %sign3A_118 = arith.constant 0 : i32
      %sign3A_119 = arith.cmpi slt, %jit3A, %sign3A_118 : i32
      %sign3A_120 = arith.extui %sign3A_119 : i1 to i32
      %sign3A_121 = arith.subi %sign3A_117, %sign3A_120 : i32
      %ne3A = arith.cmpi ne, %sign3A_114, %sign3A_121 : i32
      %rem3A = arith.remsi %scan3A_108, %jit3A : i32
      %ne3A_122 = arith.constant 0 : i32
      %ne3A_123 = arith.cmpi ne, %rem3A, %ne3A_122 : i32
      %and3A = arith.andi %ne3A, %ne3A_123 : i1
      %sub3A = arith.constant 1 : i32
      %sub3A_124 = arith.subi %div3A, %sub3A : i32
      %select_n3A = arith.select %and3A, %sub3A_124, %div3A : i32
      %jit3A_125 = arith.constant 8 : i32
      %eq3A = arith.constant 0 : i32
      %eq3A_126 = arith.cmpi eq, %jit3A_125, %eq3A : i32
      %jit3A_127 = arith.constant 1 : i32
      %select_n3A_128 = arith.select %eq3A_126, %jit3A_127, %jit3A_125 : i32
      %rem3A_129 = arith.remsi %scan3A_108, %select_n3A_128 : i32
      %ne3A_130 = arith.constant 0 : i32
      %ne3A_131 = arith.cmpi ne, %rem3A_129, %ne3A_130 : i32
      %lt3A = arith.constant 0 : i32
      %lt3A_132 = arith.cmpi slt, %rem3A_129, %lt3A : i32
      %lt3A_133 = arith.constant 0 : i32
      %lt3A_134 = arith.cmpi slt, %select_n3A_128, %lt3A_133 : i32
      %ne3A_135 = arith.xori %lt3A_132, %lt3A_134 : i1
      %and3A_136 = arith.andi %ne3A_135, %ne3A_131 : i1
      %add3A_137 = arith.addi %rem3A_129, %select_n3A_128 : i32
      %select_n3A_138 = arith.select %and3A_136, %add3A_137, %rem3A_129 : i32
      %mul3A_139 = arith.constant 16 : i32
      %mul3A_140 = arith.muli %select_n3A_138, %mul3A_139 : i32
      %swap3A = arith.index_cast %select_n3A : i32 to index
      %swap3A_141 = arith.index_cast %mul3A_140 : i32 to index
      %swap3A_142 = tpu.vector_load %arg16[%swap3A, %swap3A_141] {strides = array<i32>} : memref<100x128xf32, #tpu.memory_space<vmem>>, vector<1x16xf32>,
      %swap3A_143 = vector.shape_cast %swap3A_142 : vector<1x16xf32> to vector<16xf32>
      %swap3A_144 = vector.shape_cast %broadcast_in_dim3A_54 : vector<16xf32> to vector<1x16xf32>
      tpu.vector_store %arg16[%swap3A, %swap3A_141], %swap3A_144 {strides = array<i32>} : memref<100x128xf32, #tpu.memory_space<vmem>>, vector<1x16xf32>,
    }
    %scan3A_59 = arith.constant 640 : i32
    %dma_wait3A = arith.constant 0 : i32
    %dma_wait3A_60 = arith.constant 0 : i32
    %dma_wait3A_61 = arith.constant 0 : i32
    %dma_wait3A_62 = tpu.memref_slice %arg3[%add3A, %dma_wait3A, %dma_wait3A_60, %dma_wait3A_61] : memref<32x100x1x100xi32, #tpu.memory_space<hbm>> -> memref<1x1x1x100xi32, #tpu.memory_space<hbm>>
    %dma_wait3A_63 = tpu.memref_squeeze %dma_wait3A_62 : memref<1x1x1x100xi32, #tpu.memory_space<hbm>> -> memref<1x100xi32, #tpu.memory_space<hbm>>
    %dma_wait3A_64 = arith.constant 0 : i32
    %dma_wait3A_65 = arith.constant 0 : i32
    %dma_wait3A_66 = tpu.memref_slice %arg3[%add3A, %dma_wait3A, %dma_wait3A_64, %dma_wait3A_65] : memref<32x100x1x100xi32, #tpu.memory_space<hbm>> -> memref<1x1x1x100xi32, #tpu.memory_space<hbm>>
    %dma_wait3A_67 = tpu.memref_squeeze %dma_wait3A_66 : memref<1x1x1x100xi32, #tpu.memory_space<hbm>> -> memref<1x100xi32, #tpu.memory_space<hbm>>
    tpu.wait_dma2 semaphore(%arg17 : memref<!tpu.dma_semaphore, #tpu.memory_space<semaphore_mem>>) src(%dma_wait3A_67 : memref<1x100xi32, #tpu.memory_space<hbm>>) dst(%arg7 : memref<1x100xi32, #tpu.memory_space<vmem>>)
    %dma_wait3A_68 = arith.constant 0 : i32
    %dma_wait3A_69 = arith.constant 0 : i32
    %dma_wait3A_70 = arith.constant 0 : i32
    %dma_wait3A_71 = tpu.memref_slice %arg4[%add3A, %dma_wait3A_68, %dma_wait3A_69, %dma_wait3A_70] : memref<32x100x1x100xi32, #tpu.memory_space<hbm>> -> memref<1x1x1x100xi32, #tpu.memory_space<hbm>>
    %dma_wait3A_72 = tpu.memref_squeeze %dma_wait3A_71 : memref<1x1x1x100xi32, #tpu.memory_space<hbm>> -> memref<1x100xi32, #tpu.memory_space<hbm>>
    %dma_wait3A_73 = arith.constant 0 : i32
    %dma_wait3A_74 = arith.constant 0 : i32
    %dma_wait3A_75 = tpu.memref_slice %arg4[%add3A, %dma_wait3A_68, %dma_wait3A_73, %dma_wait3A_74] : memref<32x100x1x100xi32, #tpu.memory_space<hbm>> -> memref<1x1x1x100xi32, #tpu.memory_space<hbm>>
    %dma_wait3A_76 = tpu.memref_squeeze %dma_wait3A_75 : memref<1x1x1x100xi32, #tpu.memory_space<hbm>> -> memref<1x100xi32, #tpu.memory_space<hbm>>
    tpu.wait_dma2 semaphore(%arg17 : memref<!tpu.dma_semaphore, #tpu.memory_space<semaphore_mem>>) src(%dma_wait3A_76 : memref<1x100xi32, #tpu.memory_space<hbm>>) dst(%arg11 : memref<1x100xi32, #tpu.memory_space<vmem>>)
    %dma_start3A_77 = arith.constant 0 : i32
    %dma_start3A_78 = arith.constant 0 : i32
    %dma_start3A_79 = tpu.memref_slice %arg7[%dma_start3A_77, %dma_start3A_78] : memref<1x100xi32, #tpu.memory_space<vmem>> -> memref<1x100xi32, #tpu.memory_space<vmem>>
    %dma_start3A_80 = tpu.memref_squeeze %dma_start3A_79 : memref<1x100xi32, #tpu.memory_space<vmem>> -> memref<100xi32, #tpu.memory_space<vmem>>
    %dma_start3A_81 = arith.constant 0 : i32
    %dma_start3A_82 = arith.constant 0 : i32
    %dma_start3A_83 = tpu.memref_slice %arg2[%dma_start3A_81, %dma_start3A_82] : memref<10000x128xf32, #tpu.memory_space<hbm>> -> memref<10000x128xf32, #tpu.memory_space<hbm>>
    tpu.enqueue_indirect_dma source(%dma_start3A_83 : memref<10000x128xf32, #tpu.memory_space<hbm>>) target(%arg15 : memref<100x128xf32, #tpu.memory_space<vmem>>) offsets(%dma_start3A_80 : memref<100xi32, #tpu.memory_space<vmem>>) semaphore(%arg21 : memref<!tpu.dma_semaphore, #tpu.memory_space<semaphore_mem>>)
    %scan3A_84 = arith.constant 0 : i32
    %scan3A_85 = arith.constant 0 : i32
    %scan3A_86 = arith.constant 8 : i32
    %scan3A_87 = arith.addi %scan3A_85, %scan3A_86 : i32
    %scan3A_88 = arith.constant 1 : i32
    scf.for %scan3A_108 = %scan3A_85 to %scan3A_87 step %scan3A_88  : i32 {
      %mul3A_109 = arith.constant 640 : i32
      %mul3A_110 = arith.muli %arg1, %mul3A_109 : i32
      %mul3A_111 = arith.constant 80 : i32
      %mul3A_112 = arith.muli %scan3A_108, %mul3A_111 : i32
      %add3A_113 = arith.addi %mul3A_110, %mul3A_112 : i32
      "tpu.region"() ({
        %run_scoped3A = tpu.sem_alloc : memref<!tpu.dma_semaphore, #tpu.memory_space<semaphore_mem>>
        %dma_start3A_114 = arith.constant 0 : i32
        %dma_start3A_115 = arith.constant 0 : i32
        %dma_start3A_116 = tpu.memref_slice %arg16[%dma_start3A_114, %dma_start3A_115] : memref<100x128xf32, #tpu.memory_space<vmem>> -> memref<80x128xf32, #tpu.memory_space<vmem>>
        %dma_start3A_117 = arith.constant 0 : i32
        %dma_start3A_118 = tpu.memref_slice %arg6[%add3A_113, %dma_start3A_117] : memref<10240x128xf32, #tpu.memory_space<vmem_shared>> -> memref<80x128xf32, #tpu.memory_space<vmem_shared>>
        %dma_start3A_119 = arith.constant 0 : i32
        %dma_start3A_120 = tpu.memref_slice %arg6[%add3A_113, %dma_start3A_119] : memref<10240x128xf32, #tpu.memory_space<vmem_shared>> -> memref<80x128xf32, #tpu.memory_space<vmem_shared>>
        %dma_start3A_121 = arith.constant 0 : i32
        %dma_start3A_122 = arith.constant 0 : i32
        %dma_start3A_123 = tpu.memref_slice %arg16[%dma_start3A_121, %dma_start3A_122] : memref<100x128xf32, #tpu.memory_space<vmem>> -> memref<80x128xf32, #tpu.memory_space<vmem>>
        tpu.enqueue_dma source(%dma_start3A_123 : memref<80x128xf32, #tpu.memory_space<vmem>>) target(%dma_start3A_120 : memref<80x128xf32, #tpu.memory_space<vmem_shared>>) target_semaphore(%run_scoped3A : memref<!tpu.dma_semaphore, #tpu.memory_space<semaphore_mem>>)
        %dma_wait3A_124 = arith.constant 0 : i32
        %dma_wait3A_125 = arith.constant 0 : i32
        %dma_wait3A_126 = tpu.memref_slice %arg16[%dma_wait3A_124, %dma_wait3A_125] : memref<100x128xf32, #tpu.memory_space<vmem>> -> memref<80x128xf32, #tpu.memory_space<vmem>>
        %dma_wait3A_127 = arith.constant 0 : i32
        %dma_wait3A_128 = tpu.memref_slice %arg6[%add3A_113, %dma_wait3A_127] : memref<10240x128xf32, #tpu.memory_space<vmem_shared>> -> memref<80x128xf32, #tpu.memory_space<vmem_shared>>
        %dma_wait3A_129 = arith.constant 0 : i32
        %dma_wait3A_130 = tpu.memref_slice %arg6[%add3A_113, %dma_wait3A_129] : memref<10240x128xf32, #tpu.memory_space<vmem_shared>> -> memref<80x128xf32, #tpu.memory_space<vmem_shared>>
        %dma_wait3A_131 = arith.constant 0 : i32
        %dma_wait3A_132 = arith.constant 0 : i32
        %dma_wait3A_133 = tpu.memref_slice %arg16[%dma_wait3A_131, %dma_wait3A_132] : memref<100x128xf32, #tpu.memory_space<vmem>> -> memref<80x128xf32, #tpu.memory_space<vmem>>
        tpu.wait_dma2 semaphore(%run_scoped3A : memref<!tpu.dma_semaphore, #tpu.memory_space<semaphore_mem>>) src(%dma_wait3A_133 : memref<80x128xf32, #tpu.memory_space<vmem>>) dst(%dma_wait3A_130 : memref<80x128xf32, #tpu.memory_space<vmem_shared>>)
        tpu.yield
      }) : () -> ()
    }
    %scan3A_89 = arith.constant 8 : i32
    %barrier3A = arith.constant 0 : index
    tpu.barrier barrier_id(%barrier3A)
    %scan3A_90 = arith.constant 0 : i32
    %scan3A_91 = arith.constant 0 : i32
    %scan3A_92 = arith.constant 25 : i32
    %scan3A_93 = arith.addi %scan3A_91, %scan3A_92 : i32
    %scan3A_94 = arith.constant 1 : i32
    scf.for %scan3A_108 = %scan3A_91 to %scan3A_93 step %scan3A_94  : i32 {
      %mul3A_109 = arith.constant 4 : i32
      %mul3A_110 = arith.muli %scan3A_108, %mul3A_109 : i32
      %add3A_111 = arith.constant 0 : i32
      %add3A_112 = arith.addi %mul3A_110, %add3A_111 : i32
      %add3A_113 = arith.constant 1 : i32
      %add3A_114 = arith.addi %add3A_112, %add3A_113 : i32
      %dma_wait3A_115 = arith.constant 0 : i32
      %dma_wait3A_116 = arith.constant 0 : i32
      %dma_wait3A_117 = tpu.memref_slice %arg3[%add3A, %add3A_114, %dma_wait3A_115, %dma_wait3A_116] : memref<32x100x1x100xi32, #tpu.memory_space<hbm>> -> memref<1x1x1x100xi32, #tpu.memory_space<hbm>>
      %dma_wait3A_118 = tpu.memref_squeeze %dma_wait3A_117 : memref<1x1x1x100xi32, #tpu.memory_space<hbm>> -> memref<1x100xi32, #tpu.memory_space<hbm>>
      %dma_wait3A_119 = arith.constant 0 : i32
      %dma_wait3A_120 = arith.constant 0 : i32
      %dma_wait3A_121 = tpu.memref_slice %arg3[%add3A, %add3A_114, %dma_wait3A_119, %dma_wait3A_120] : memref<32x100x1x100xi32, #tpu.memory_space<hbm>> -> memref<1x1x1x100xi32, #tpu.memory_space<hbm>>
      %dma_wait3A_122 = tpu.memref_squeeze %dma_wait3A_121 : memref<1x1x1x100xi32, #tpu.memory_space<hbm>> -> memref<1x100xi32, #tpu.memory_space<hbm>>
      tpu.wait_dma2 semaphore(%arg18 : memref<!tpu.dma_semaphore, #tpu.memory_space<semaphore_mem>>) src(%dma_wait3A_122 : memref<1x100xi32, #tpu.memory_space<hbm>>) dst(%arg8 : memref<1x100xi32, #tpu.memory_space<vmem>>)
      %dma_wait3A_123 = arith.constant 0 : i32
      %dma_wait3A_124 = arith.constant 0 : i32
      %dma_wait3A_125 = tpu.memref_slice %arg4[%add3A, %add3A_114, %dma_wait3A_123, %dma_wait3A_124] : memref<32x100x1x100xi32, #tpu.memory_space<hbm>> -> memref<1x1x1x100xi32, #tpu.memory_space<hbm>>
      %dma_wait3A_126 = tpu.memref_squeeze %dma_wait3A_125 : memref<1x1x1x100xi32, #tpu.memory_space<hbm>> -> memref<1x100xi32, #tpu.memory_space<hbm>>
      %dma_wait3A_127 = arith.constant 0 : i32
      %dma_wait3A_128 = arith.constant 0 : i32
      %dma_wait3A_129 = tpu.memref_slice %arg4[%add3A, %add3A_114, %dma_wait3A_127, %dma_wait3A_128] : memref<32x100x1x100xi32, #tpu.memory_space<hbm>> -> memref<1x1x1x100xi32, #tpu.memory_space<hbm>>
      %dma_wait3A_130 = tpu.memref_squeeze %dma_wait3A_129 : memref<1x1x1x100xi32, #tpu.memory_space<hbm>> -> memref<1x100xi32, #tpu.memory_space<hbm>>
      tpu.wait_dma2 semaphore(%arg18 : memref<!tpu.dma_semaphore, #tpu.memory_space<semaphore_mem>>) src(%dma_wait3A_130 : memref<1x100xi32, #tpu.memory_space<hbm>>) dst(%arg12 : memref<1x100xi32, #tpu.memory_space<vmem>>)
      %dma_wait3A_131 = arith.constant 0 : i32
      %dma_wait3A_132 = arith.constant 0 : i32
      %dma_wait3A_133 = tpu.memref_slice %arg7[%dma_wait3A_131, %dma_wait3A_132] : memref<1x100xi32, #tpu.memory_space<vmem>> -> memref<1x100xi32, #tpu.memory_space<vmem>>
      %dma_wait3A_134 = tpu.memref_squeeze %dma_wait3A_133 : memref<1x100xi32, #tpu.memory_space<vmem>> -> memref<100xi32, #tpu.memory_space<vmem>>
      %dma_wait3A_135 = arith.constant 0 : i32
      %dma_wait3A_136 = arith.constant 0 : i32
      %dma_wait3A_137 = tpu.memref_slice %arg2[%dma_wait3A_135, %dma_wait3A_136] : memref<10000x128xf32, #tpu.memory_space<hbm>> -> memref<10000x128xf32, #tpu.memory_space<hbm>>
      tpu.wait_indirect_dma semaphore(%arg21 : memref<!tpu.dma_semaphore, #tpu.memory_space<semaphore_mem>>) src(%dma_wait3A_137 : memref<10000x128xf32, #tpu.memory_space<hbm>>) dst(%arg15 : memref<100x128xf32, #tpu.memory_space<vmem>>)
      %gt3A = arith.constant 0 : i32
      %gt3A_138 = arith.cmpi sgt, %add3A_112, %gt3A : i32
      %convert_element_type3A = arith.extui %gt3A_138 : i1 to i32
      %cond3A = arith.constant 0 : i32
      %cond3A_139 = arith.cmpi ne, %convert_element_type3A, %cond3A : i32
      scf.if %cond3A_139 {
        %dma_wait3A_320 = arith.constant 0 : i32
        %dma_wait3A_321 = arith.constant 0 : i32
        %dma_wait3A_322 = tpu.memref_slice %arg14[%dma_wait3A_320, %dma_wait3A_321] : memref<1x100xi32, #tpu.memory_space<vmem>> -> memref<1x100xi32, #tpu.memory_space<vmem>>
        %dma_wait3A_323 = tpu.memref_squeeze %dma_wait3A_322 : memref<1x100xi32, #tpu.memory_space<vmem>> -> memref<100xi32, #tpu.memory_space<vmem>>
        %dma_wait3A_324 = arith.constant 0 : i32
        %dma_wait3A_325 = arith.constant 0 : i32
        %dma_wait3A_326 = tpu.memref_slice %arg6[%dma_wait3A_324, %dma_wait3A_325] : memref<10240x128xf32, #tpu.memory_space<vmem_shared>> -> memref<10240x128xf32, #tpu.memory_space<vmem_shared>>
        tpu.wait_indirect_dma semaphore(%arg24 : memref<!tpu.dma_semaphore, #tpu.memory_space<semaphore_mem>>) src(%arg16 : memref<100x128xf32, #tpu.memory_space<vmem>>) dst(%dma_wait3A_326 : memref<10240x128xf32, #tpu.memory_space<vmem_shared>>)
      } else {
      }
      %add3A_140 = arith.constant 3 : i32
      %add3A_141 = arith.addi %add3A_112, %add3A_140 : i32
      %lt3A = arith.constant 100 : i32
      %lt3A_142 = arith.cmpi slt, %add3A_141, %lt3A : i32
      %convert_element_type3A_143 = arith.extui %lt3A_142 : i1 to i32
      %cond3A_144 = arith.constant 0 : i32
      %cond3A_145 = arith.cmpi ne, %convert_element_type3A_143, %cond3A_144 : i32
      scf.if %cond3A_145 {
        %add3A_320 = arith.constant 3 : i32
        %add3A_321 = arith.addi %add3A_112, %add3A_320 : i32
        %dma_start3A_322 = arith.constant 0 : i32
        %dma_start3A_323 = arith.constant 0 : i32
        %dma_start3A_324 = tpu.memref_slice %arg3[%add3A, %add3A_321, %dma_start3A_322, %dma_start3A_323] : memref<32x100x1x100xi32, #tpu.memory_space<hbm>> -> memref<1x1x1x100xi32, #tpu.memory_space<hbm>>
        %dma_start3A_325 = tpu.memref_squeeze %dma_start3A_324 : memref<1x1x1x100xi32, #tpu.memory_space<hbm>> -> memref<1x100xi32, #tpu.memory_space<hbm>>
        %dma_start3A_326 = arith.constant 0 : i32
        %dma_start3A_327 = arith.constant 0 : i32
        %dma_start3A_328 = tpu.memref_slice %arg3[%add3A, %add3A_321, %dma_start3A_326, %dma_start3A_327] : memref<32x100x1x100xi32, #tpu.memory_space<hbm>> -> memref<1x1x1x100xi32, #tpu.memory_space<hbm>>
        %dma_start3A_329 = tpu.memref_squeeze %dma_start3A_328 : memref<1x1x1x100xi32, #tpu.memory_space<hbm>> -> memref<1x100xi32, #tpu.memory_space<hbm>>
        tpu.enqueue_dma source(%dma_start3A_329 : memref<1x100xi32, #tpu.memory_space<hbm>>) target(%arg10 : memref<1x100xi32, #tpu.memory_space<vmem>>) target_semaphore(%arg20 : memref<!tpu.dma_semaphore, #tpu.memory_space<semaphore_mem>>)
        %dma_start3A_330 = arith.constant 0 : i32
        %dma_start3A_331 = arith.constant 0 : i32
        %dma_start3A_332 = tpu.memref_slice %arg4[%add3A, %add3A_321, %dma_start3A_330, %dma_start3A_331] : memref<32x100x1x100xi32, #tpu.memory_space<hbm>> -> memref<1x1x1x100xi32, #tpu.memory_space<hbm>>
        %dma_start3A_333 = tpu.memref_squeeze %dma_start3A_332 : memref<1x1x1x100xi32, #tpu.memory_space<hbm>> -> memref<1x100xi32, #tpu.memory_space<hbm>>
        %dma_start3A_334 = arith.constant 0 : i32
        %dma_start3A_335 = arith.constant 0 : i32
        %dma_start3A_336 = tpu.memref_slice %arg4[%add3A, %add3A_321, %dma_start3A_334, %dma_start3A_335] : memref<32x100x1x100xi32, #tpu.memory_space<hbm>> -> memref<1x1x1x100xi32, #tpu.memory_space<hbm>>
        %dma_start3A_337 = tpu.memref_squeeze %dma_start3A_336 : memref<1x1x1x100xi32, #tpu.memory_space<hbm>> -> memref<1x100xi32, #tpu.memory_space<hbm>>
        tpu.enqueue_dma source(%dma_start3A_337 : memref<1x100xi32, #tpu.memory_space<hbm>>) target(%arg14 : memref<1x100xi32, #tpu.memory_space<vmem>>) target_semaphore(%arg20 : memref<!tpu.dma_semaphore, #tpu.memory_space<semaphore_mem>>)
      } else {
      }
      %add3A_146 = arith.constant 1 : i32
      %add3A_147 = arith.addi %add3A_112, %add3A_146 : i32
      %dma_start3A_148 = arith.constant 0 : i32
      %dma_start3A_149 = arith.constant 0 : i32
      %dma_start3A_150 = tpu.memref_slice %arg8[%dma_start3A_148, %dma_start3A_149] : memref<1x100xi32, #tpu.memory_space<vmem>> -> memref<1x100xi32, #tpu.memory_space<vmem>>
      %dma_start3A_151 = tpu.memref_squeeze %dma_start3A_150 : memref<1x100xi32, #tpu.memory_space<vmem>> -> memref<100xi32, #tpu.memory_space<vmem>>
      %dma_start3A_152 = arith.constant 0 : i32
      %dma_start3A_153 = arith.constant 0 : i32
      %dma_start3A_154 = tpu.memref_slice %arg2[%dma_start3A_152, %dma_start3A_153] : memref<10000x128xf32, #tpu.memory_space<hbm>> -> memref<10000x128xf32, #tpu.memory_space<hbm>>
      tpu.enqueue_indirect_dma source(%dma_start3A_154 : memref<10000x128xf32, #tpu.memory_space<hbm>>) target(%arg16 : memref<100x128xf32, #tpu.memory_space<vmem>>) offsets(%dma_start3A_151 : memref<100xi32, #tpu.memory_space<vmem>>) semaphore(%arg22 : memref<!tpu.dma_semaphore, #tpu.memory_space<semaphore_mem>>)
      %dma_start3A_155 = arith.constant 0 : i32
      %dma_start3A_156 = arith.constant 0 : i32
      %dma_start3A_157 = tpu.memref_slice %arg11[%dma_start3A_155, %dma_start3A_156] : memref<1x100xi32, #tpu.memory_space<vmem>> -> memref<1x100xi32, #tpu.memory_space<vmem>>
      %dma_start3A_158 = tpu.memref_squeeze %dma_start3A_157 : memref<1x100xi32, #tpu.memory_space<vmem>> -> memref<100xi32, #tpu.memory_space<vmem>>
      %dma_start3A_159 = arith.constant 0 : i32
      %dma_start3A_160 = arith.constant 0 : i32
      %dma_start3A_161 = tpu.memref_slice %arg6[%dma_start3A_159, %dma_start3A_160] : memref<10240x128xf32, #tpu.memory_space<vmem_shared>> -> memref<10240x128xf32, #tpu.memory_space<vmem_shared>>
      tpu.enqueue_indirect_dma source(%arg15 : memref<100x128xf32, #tpu.memory_space<vmem>>) target(%dma_start3A_161 : memref<10240x128xf32, #tpu.memory_space<vmem_shared>>) offsets(%dma_start3A_158 : memref<100xi32, #tpu.memory_space<vmem>>) semaphore(%arg23 : memref<!tpu.dma_semaphore, #tpu.memory_space<semaphore_mem>>) {add = true}
      %add3A_162 = arith.constant 1 : i32
      %add3A_163 = arith.addi %mul3A_110, %add3A_162 : i32
      %add3A_164 = arith.constant 1 : i32
      %add3A_165 = arith.addi %add3A_163, %add3A_164 : i32
      %dma_wait3A_166 = arith.constant 0 : i32
      %dma_wait3A_167 = arith.constant 0 : i32
      %dma_wait3A_168 = tpu.memref_slice %arg3[%add3A, %add3A_165, %dma_wait3A_166, %dma_wait3A_167] : memref<32x100x1x100xi32, #tpu.memory_space<hbm>> -> memref<1x1x1x100xi32, #tpu.memory_space<hbm>>
      %dma_wait3A_169 = tpu.memref_squeeze %dma_wait3A_168 : memref<1x1x1x100xi32, #tpu.memory_space<hbm>> -> memref<1x100xi32, #tpu.memory_space<hbm>>
      %dma_wait3A_170 = arith.constant 0 : i32
      %dma_wait3A_171 = arith.constant 0 : i32
      %dma_wait3A_172 = tpu.memref_slice %arg3[%add3A, %add3A_165, %dma_wait3A_170, %dma_wait3A_171] : memref<32x100x1x100xi32, #tpu.memory_space<hbm>> -> memref<1x1x1x100xi32, #tpu.memory_space<hbm>>
      %dma_wait3A_173 = tpu.memref_squeeze %dma_wait3A_172 : memref<1x1x1x100xi32, #tpu.memory_space<hbm>> -> memref<1x100xi32, #tpu.memory_space<hbm>>
      tpu.wait_dma2 semaphore(%arg19 : memref<!tpu.dma_semaphore, #tpu.memory_space<semaphore_mem>>) src(%dma_wait3A_173 : memref<1x100xi32, #tpu.memory_space<hbm>>) dst(%arg9 : memref<1x100xi32, #tpu.memory_space<vmem>>)
      %dma_wait3A_174 = arith.constant 0 : i32
      %dma_wait3A_175 = arith.constant 0 : i32
      %dma_wait3A_176 = tpu.memref_slice %arg4[%add3A, %add3A_165, %dma_wait3A_174, %dma_wait3A_175] : memref<32x100x1x100xi32, #tpu.memory_space<hbm>> -> memref<1x1x1x100xi32, #tpu.memory_space<hbm>>
      %dma_wait3A_177 = tpu.memref_squeeze %dma_wait3A_176 : memref<1x1x1x100xi32, #tpu.memory_space<hbm>> -> memref<1x100xi32, #tpu.memory_space<hbm>>
      %dma_wait3A_178 = arith.constant 0 : i32
      %dma_wait3A_179 = arith.constant 0 : i32
      %dma_wait3A_180 = tpu.memref_slice %arg4[%add3A, %add3A_165, %dma_wait3A_178, %dma_wait3A_179] : memref<32x100x1x100xi32, #tpu.memory_space<hbm>> -> memref<1x1x1x100xi32, #tpu.memory_space<hbm>>
      %dma_wait3A_181 = tpu.memref_squeeze %dma_wait3A_180 : memref<1x1x1x100xi32, #tpu.memory_space<hbm>> -> memref<1x100xi32, #tpu.memory_space<hbm>>
      tpu.wait_dma2 semaphore(%arg19 : memref<!tpu.dma_semaphore, #tpu.memory_space<semaphore_mem>>) src(%dma_wait3A_181 : memref<1x100xi32, #tpu.memory_space<hbm>>) dst(%arg13 : memref<1x100xi32, #tpu.memory_space<vmem>>)
      %dma_wait3A_182 = arith.constant 0 : i32
      %dma_wait3A_183 = arith.constant 0 : i32
      %dma_wait3A_184 = tpu.memref_slice %arg8[%dma_wait3A_182, %dma_wait3A_183] : memref<1x100xi32, #tpu.memory_space<vmem>> -> memref<1x100xi32, #tpu.memory_space<vmem>>
      %dma_wait3A_185 = tpu.memref_squeeze %dma_wait3A_184 : memref<1x100xi32, #tpu.memory_space<vmem>> -> memref<100xi32, #tpu.memory_space<vmem>>
      %dma_wait3A_186 = arith.constant 0 : i32
      %dma_wait3A_187 = arith.constant 0 : i32
      %dma_wait3A_188 = tpu.memref_slice %arg2[%dma_wait3A_186, %dma_wait3A_187] : memref<10000x128xf32, #tpu.memory_space<hbm>> -> memref<10000x128xf32, #tpu.memory_space<hbm>>
      tpu.wait_indirect_dma semaphore(%arg22 : memref<!tpu.dma_semaphore, #tpu.memory_space<semaphore_mem>>) src(%dma_wait3A_188 : memref<10000x128xf32, #tpu.memory_space<hbm>>) dst(%arg16 : memref<100x128xf32, #tpu.memory_space<vmem>>)
      %dma_wait3A_189 = arith.constant 0 : i32
      %dma_wait3A_190 = arith.constant 0 : i32
      %dma_wait3A_191 = tpu.memref_slice %arg11[%dma_wait3A_189, %dma_wait3A_190] : memref<1x100xi32, #tpu.memory_space<vmem>> -> memref<1x100xi32, #tpu.memory_space<vmem>>
      %dma_wait3A_192 = tpu.memref_squeeze %dma_wait3A_191 : memref<1x100xi32, #tpu.memory_space<vmem>> -> memref<100xi32, #tpu.memory_space<vmem>>
      %dma_wait3A_193 = arith.constant 0 : i32
      %dma_wait3A_194 = arith.constant 0 : i32
      %dma_wait3A_195 = tpu.memref_slice %arg6[%dma_wait3A_193, %dma_wait3A_194] : memref<10240x128xf32, #tpu.memory_space<vmem_shared>> -> memref<10240x128xf32, #tpu.memory_space<vmem_shared>>
      tpu.wait_indirect_dma semaphore(%arg23 : memref<!tpu.dma_semaphore, #tpu.memory_space<semaphore_mem>>) src(%arg15 : memref<100x128xf32, #tpu.memory_space<vmem>>) dst(%dma_wait3A_195 : memref<10240x128xf32, #tpu.memory_space<vmem_shared>>)
      %add3A_196 = arith.constant 3 : i32
      %add3A_197 = arith.addi %add3A_163, %add3A_196 : i32
      %lt3A_198 = arith.constant 100 : i32
      %lt3A_199 = arith.cmpi slt, %add3A_197, %lt3A_198 : i32
      %convert_element_type3A_200 = arith.extui %lt3A_199 : i1 to i32
      %cond3A_201 = arith.constant 0 : i32
      %cond3A_202 = arith.cmpi ne, %convert_element_type3A_200, %cond3A_201 : i32
      scf.if %cond3A_202 {
        %add3A_320 = arith.constant 3 : i32
        %add3A_321 = arith.addi %add3A_163, %add3A_320 : i32
        %dma_start3A_322 = arith.constant 0 : i32
        %dma_start3A_323 = arith.constant 0 : i32
        %dma_start3A_324 = tpu.memref_slice %arg3[%add3A, %add3A_321, %dma_start3A_322, %dma_start3A_323] : memref<32x100x1x100xi32, #tpu.memory_space<hbm>> -> memref<1x1x1x100xi32, #tpu.memory_space<hbm>>
        %dma_start3A_325 = tpu.memref_squeeze %dma_start3A_324 : memref<1x1x1x100xi32, #tpu.memory_space<hbm>> -> memref<1x100xi32, #tpu.memory_space<hbm>>
        %dma_start3A_326 = arith.constant 0 : i32
        %dma_start3A_327 = arith.constant 0 : i32
        %dma_start3A_328 = tpu.memref_slice %arg3[%add3A, %add3A_321, %dma_start3A_326, %dma_start3A_327] : memref<32x100x1x100xi32, #tpu.memory_space<hbm>> -> memref<1x1x1x100xi32, #tpu.memory_space<hbm>>
        %dma_start3A_329 = tpu.memref_squeeze %dma_start3A_328 : memref<1x1x1x100xi32, #tpu.memory_space<hbm>> -> memref<1x100xi32, #tpu.memory_space<hbm>>
        tpu.enqueue_dma source(%dma_start3A_329 : memref<1x100xi32, #tpu.memory_space<hbm>>) target(%arg7 : memref<1x100xi32, #tpu.memory_space<vmem>>) target_semaphore(%arg17 : memref<!tpu.dma_semaphore, #tpu.memory_space<semaphore_mem>>)
        %dma_start3A_330 = arith.constant 0 : i32
        %dma_start3A_331 = arith.constant 0 : i32
        %dma_start3A_332 = tpu.memref_slice %arg4[%add3A, %add3A_321, %dma_start3A_330, %dma_start3A_331] : memref<32x100x1x100xi32, #tpu.memory_space<hbm>> -> memref<1x1x1x100xi32, #tpu.memory_space<hbm>>
        %dma_start3A_333 = tpu.memref_squeeze %dma_start3A_332 : memref<1x1x1x100xi32, #tpu.memory_space<hbm>> -> memref<1x100xi32, #tpu.memory_space<hbm>>
        %dma_start3A_334 = arith.constant 0 : i32
        %dma_start3A_335 = arith.constant 0 : i32
        %dma_start3A_336 = tpu.memref_slice %arg4[%add3A, %add3A_321, %dma_start3A_334, %dma_start3A_335] : memref<32x100x1x100xi32, #tpu.memory_space<hbm>> -> memref<1x1x1x100xi32, #tpu.memory_space<hbm>>
        %dma_start3A_337 = tpu.memref_squeeze %dma_start3A_336 : memref<1x1x1x100xi32, #tpu.memory_space<hbm>> -> memref<1x100xi32, #tpu.memory_space<hbm>>
        tpu.enqueue_dma source(%dma_start3A_337 : memref<1x100xi32, #tpu.memory_space<hbm>>) target(%arg11 : memref<1x100xi32, #tpu.memory_space<vmem>>) target_semaphore(%arg17 : memref<!tpu.dma_semaphore, #tpu.memory_space<semaphore_mem>>)
      } else {
      }
      %add3A_203 = arith.constant 1 : i32
      %add3A_204 = arith.addi %add3A_163, %add3A_203 : i32
      %dma_start3A_205 = arith.constant 0 : i32
      %dma_start3A_206 = arith.constant 0 : i32
      %dma_start3A_207 = tpu.memref_slice %arg9[%dma_start3A_205, %dma_start3A_206] : memref<1x100xi32, #tpu.memory_space<vmem>> -> memref<1x100xi32, #tpu.memory_space<vmem>>
      %dma_start3A_208 = tpu.memref_squeeze %dma_start3A_207 : memref<1x100xi32, #tpu.memory_space<vmem>> -> memref<100xi32, #tpu.memory_space<vmem>>
      %dma_start3A_209 = arith.constant 0 : i32
      %dma_start3A_210 = arith.constant 0 : i32
      %dma_start3A_211 = tpu.memref_slice %arg2[%dma_start3A_209, %dma_start3A_210] : memref<10000x128xf32, #tpu.memory_space<hbm>> -> memref<10000x128xf32, #tpu.memory_space<hbm>>
      tpu.enqueue_indirect_dma source(%dma_start3A_211 : memref<10000x128xf32, #tpu.memory_space<hbm>>) target(%arg15 : memref<100x128xf32, #tpu.memory_space<vmem>>) offsets(%dma_start3A_208 : memref<100xi32, #tpu.memory_space<vmem>>) semaphore(%arg21 : memref<!tpu.dma_semaphore, #tpu.memory_space<semaphore_mem>>)
      %dma_start3A_212 = arith.constant 0 : i32
      %dma_start3A_213 = arith.constant 0 : i32
      %dma_start3A_214 = tpu.memref_slice %arg12[%dma_start3A_212, %dma_start3A_213] : memref<1x100xi32, #tpu.memory_space<vmem>> -> memref<1x100xi32, #tpu.memory_space<vmem>>
      %dma_start3A_215 = tpu.memref_squeeze %dma_start3A_214 : memref<1x100xi32, #tpu.memory_space<vmem>> -> memref<100xi32, #tpu.memory_space<vmem>>
      %dma_start3A_216 = arith.constant 0 : i32
      %dma_start3A_217 = arith.constant 0 : i32
      %dma_start3A_218 = tpu.memref_slice %arg6[%dma_start3A_216, %dma_start3A_217] : memref<10240x128xf32, #tpu.memory_space<vmem_shared>> -> memref<10240x128xf32, #tpu.memory_space<vmem_shared>>
      tpu.enqueue_indirect_dma source(%arg16 : memref<100x128xf32, #tpu.memory_space<vmem>>) target(%dma_start3A_218 : memref<10240x128xf32, #tpu.memory_space<vmem_shared>>) offsets(%dma_start3A_215 : memref<100xi32, #tpu.memory_space<vmem>>) semaphore(%arg24 : memref<!tpu.dma_semaphore, #tpu.memory_space<semaphore_mem>>) {add = true}
      %add3A_219 = arith.constant 2 : i32
      %add3A_220 = arith.addi %mul3A_110, %add3A_219 : i32
      %add3A_221 = arith.constant 1 : i32
      %add3A_222 = arith.addi %add3A_220, %add3A_221 : i32
      %dma_wait3A_223 = arith.constant 0 : i32
      %dma_wait3A_224 = arith.constant 0 : i32
      %dma_wait3A_225 = tpu.memref_slice %arg3[%add3A, %add3A_222, %dma_wait3A_223, %dma_wait3A_224] : memref<32x100x1x100xi32, #tpu.memory_space<hbm>> -> memref<1x1x1x100xi32, #tpu.memory_space<hbm>>
      %dma_wait3A_226 = tpu.memref_squeeze %dma_wait3A_225 : memref<1x1x1x100xi32, #tpu.memory_space<hbm>> -> memref<1x100xi32, #tpu.memory_space<hbm>>
      %dma_wait3A_227 = arith.constant 0 : i32
      %dma_wait3A_228 = arith.constant 0 : i32
      %dma_wait3A_229 = tpu.memref_slice %arg3[%add3A, %add3A_222, %dma_wait3A_227, %dma_wait3A_228] : memref<32x100x1x100xi32, #tpu.memory_space<hbm>> -> memref<1x1x1x100xi32, #tpu.memory_space<hbm>>
      %dma_wait3A_230 = tpu.memref_squeeze %dma_wait3A_229 : memref<1x1x1x100xi32, #tpu.memory_space<hbm>> -> memref<1x100xi32, #tpu.memory_space<hbm>>
      tpu.wait_dma2 semaphore(%arg20 : memref<!tpu.dma_semaphore, #tpu.memory_space<semaphore_mem>>) src(%dma_wait3A_230 : memref<1x100xi32, #tpu.memory_space<hbm>>) dst(%arg10 : memref<1x100xi32, #tpu.memory_space<vmem>>)
      %dma_wait3A_231 = arith.constant 0 : i32
      %dma_wait3A_232 = arith.constant 0 : i32
      %dma_wait3A_233 = tpu.memref_slice %arg4[%add3A, %add3A_222, %dma_wait3A_231, %dma_wait3A_232] : memref<32x100x1x100xi32, #tpu.memory_space<hbm>> -> memref<1x1x1x100xi32, #tpu.memory_space<hbm>>
      %dma_wait3A_234 = tpu.memref_squeeze %dma_wait3A_233 : memref<1x1x1x100xi32, #tpu.memory_space<hbm>> -> memref<1x100xi32, #tpu.memory_space<hbm>>
      %dma_wait3A_235 = arith.constant 0 : i32
      %dma_wait3A_236 = arith.constant 0 : i32
      %dma_wait3A_237 = tpu.memref_slice %arg4[%add3A, %add3A_222, %dma_wait3A_235, %dma_wait3A_236] : memref<32x100x1x100xi32, #tpu.memory_space<hbm>> -> memref<1x1x1x100xi32, #tpu.memory_space<hbm>>
      %dma_wait3A_238 = tpu.memref_squeeze %dma_wait3A_237 : memref<1x1x1x100xi32, #tpu.memory_space<hbm>> -> memref<1x100xi32, #tpu.memory_space<hbm>>
      tpu.wait_dma2 semaphore(%arg20 : memref<!tpu.dma_semaphore, #tpu.memory_space<semaphore_mem>>) src(%dma_wait3A_238 : memref<1x100xi32, #tpu.memory_space<hbm>>) dst(%arg14 : memref<1x100xi32, #tpu.memory_space<vmem>>)
      %dma_wait3A_239 = arith.constant 0 : i32
      %dma_wait3A_240 = arith.constant 0 : i32
      %dma_wait3A_241 = tpu.memref_slice %arg9[%dma_wait3A_239, %dma_wait3A_240] : memref<1x100xi32, #tpu.memory_space<vmem>> -> memref<1x100xi32, #tpu.memory_space<vmem>>
      %dma_wait3A_242 = tpu.memref_squeeze %dma_wait3A_241 : memref<1x100xi32, #tpu.memory_space<vmem>> -> memref<100xi32, #tpu.memory_space<vmem>>
      %dma_wait3A_243 = arith.constant 0 : i32
      %dma_wait3A_244 = arith.constant 0 : i32
      %dma_wait3A_245 = tpu.memref_slice %arg2[%dma_wait3A_243, %dma_wait3A_244] : memref<10000x128xf32, #tpu.memory_space<hbm>> -> memref<10000x128xf32, #tpu.memory_space<hbm>>
      tpu.wait_indirect_dma semaphore(%arg21 : memref<!tpu.dma_semaphore, #tpu.memory_space<semaphore_mem>>) src(%dma_wait3A_245 : memref<10000x128xf32, #tpu.memory_space<hbm>>) dst(%arg15 : memref<100x128xf32, #tpu.memory_space<vmem>>)
      %dma_wait3A_246 = arith.constant 0 : i32
      %dma_wait3A_247 = arith.constant 0 : i32
      %dma_wait3A_248 = tpu.memref_slice %arg12[%dma_wait3A_246, %dma_wait3A_247] : memref<1x100xi32, #tpu.memory_space<vmem>> -> memref<1x100xi32, #tpu.memory_space<vmem>>
      %dma_wait3A_249 = tpu.memref_squeeze %dma_wait3A_248 : memref<1x100xi32, #tpu.memory_space<vmem>> -> memref<100xi32, #tpu.memory_space<vmem>>
      %dma_wait3A_250 = arith.constant 0 : i32
      %dma_wait3A_251 = arith.constant 0 : i32
      %dma_wait3A_252 = tpu.memref_slice %arg6[%dma_wait3A_250, %dma_wait3A_251] : memref<10240x128xf32, #tpu.memory_space<vmem_shared>> -> memref<10240x128xf32, #tpu.memory_space<vmem_shared>>
      tpu.wait_indirect_dma semaphore(%arg24 : memref<!tpu.dma_semaphore, #tpu.memory_space<semaphore_mem>>) src(%arg16 : memref<100x128xf32, #tpu.memory_space<vmem>>) dst(%dma_wait3A_252 : memref<10240x128xf32, #tpu.memory_space<vmem_shared>>)
      %add3A_253 = arith.constant 3 : i32
      %add3A_254 = arith.addi %add3A_220, %add3A_253 : i32
      %lt3A_255 = arith.constant 100 : i32
      %lt3A_256 = arith.cmpi slt, %add3A_254, %lt3A_255 : i32
      %convert_element_type3A_257 = arith.extui %lt3A_256 : i1 to i32
      %cond3A_258 = arith.constant 0 : i32
      %cond3A_259 = arith.cmpi ne, %convert_element_type3A_257, %cond3A_258 : i32
      scf.if %cond3A_259 {
        %add3A_320 = arith.constant 3 : i32
        %add3A_321 = arith.addi %add3A_220, %add3A_320 : i32
        %dma_start3A_322 = arith.constant 0 : i32
        %dma_start3A_323 = arith.constant 0 : i32
        %dma_start3A_324 = tpu.memref_slice %arg3[%add3A, %add3A_321, %dma_start3A_322, %dma_start3A_323] : memref<32x100x1x100xi32, #tpu.memory_space<hbm>> -> memref<1x1x1x100xi32, #tpu.memory_space<hbm>>
        %dma_start3A_325 = tpu.memref_squeeze %dma_start3A_324 : memref<1x1x1x100xi32, #tpu.memory_space<hbm>> -> memref<1x100xi32, #tpu.memory_space<hbm>>
        %dma_start3A_326 = arith.constant 0 : i32
        %dma_start3A_327 = arith.constant 0 : i32
        %dma_start3A_328 = tpu.memref_slice %arg3[%add3A, %add3A_321, %dma_start3A_326, %dma_start3A_327] : memref<32x100x1x100xi32, #tpu.memory_space<hbm>> -> memref<1x1x1x100xi32, #tpu.memory_space<hbm>>
        %dma_start3A_329 = tpu.memref_squeeze %dma_start3A_328 : memref<1x1x1x100xi32, #tpu.memory_space<hbm>> -> memref<1x100xi32, #tpu.memory_space<hbm>>
        tpu.enqueue_dma source(%dma_start3A_329 : memref<1x100xi32, #tpu.memory_space<hbm>>) target(%arg8 : memref<1x100xi32, #tpu.memory_space<vmem>>) target_semaphore(%arg18 : memref<!tpu.dma_semaphore, #tpu.memory_space<semaphore_mem>>)
        %dma_start3A_330 = arith.constant 0 : i32
        %dma_start3A_331 = arith.constant 0 : i32
        %dma_start3A_332 = tpu.memref_slice %arg4[%add3A, %add3A_321, %dma_start3A_330, %dma_start3A_331] : memref<32x100x1x100xi32, #tpu.memory_space<hbm>> -> memref<1x1x1x100xi32, #tpu.memory_space<hbm>>
        %dma_start3A_333 = tpu.memref_squeeze %dma_start3A_332 : memref<1x1x1x100xi32, #tpu.memory_space<hbm>> -> memref<1x100xi32, #tpu.memory_space<hbm>>
        %dma_start3A_334 = arith.constant 0 : i32
        %dma_start3A_335 = arith.constant 0 : i32
        %dma_start3A_336 = tpu.memref_slice %arg4[%add3A, %add3A_321, %dma_start3A_334, %dma_start3A_335] : memref<32x100x1x100xi32, #tpu.memory_space<hbm>> -> memref<1x1x1x100xi32, #tpu.memory_space<hbm>>
        %dma_start3A_337 = tpu.memref_squeeze %dma_start3A_336 : memref<1x1x1x100xi32, #tpu.memory_space<hbm>> -> memref<1x100xi32, #tpu.memory_space<hbm>>
        tpu.enqueue_dma source(%dma_start3A_337 : memref<1x100xi32, #tpu.memory_space<hbm>>) target(%arg12 : memref<1x100xi32, #tpu.memory_space<vmem>>) target_semaphore(%arg18 : memref<!tpu.dma_semaphore, #tpu.memory_space<semaphore_mem>>)
      } else {
      }
      %add3A_260 = arith.constant 1 : i32
      %add3A_261 = arith.addi %add3A_220, %add3A_260 : i32
      %dma_start3A_262 = arith.constant 0 : i32
      %dma_start3A_263 = arith.constant 0 : i32
      %dma_start3A_264 = tpu.memref_slice %arg10[%dma_start3A_262, %dma_start3A_263] : memref<1x100xi32, #tpu.memory_space<vmem>> -> memref<1x100xi32, #tpu.memory_space<vmem>>
      %dma_start3A_265 = tpu.memref_squeeze %dma_start3A_264 : memref<1x100xi32, #tpu.memory_space<vmem>> -> memref<100xi32, #tpu.memory_space<vmem>>
      %dma_start3A_266 = arith.constant 0 : i32
      %dma_start3A_267 = arith.constant 0 : i32
      %dma_start3A_268 = tpu.memref_slice %arg2[%dma_start3A_266, %dma_start3A_267] : memref<10000x128xf32, #tpu.memory_space<hbm>> -> memref<10000x128xf32, #tpu.memory_space<hbm>>
      tpu.enqueue_indirect_dma source(%dma_start3A_268 : memref<10000x128xf32, #tpu.memory_space<hbm>>) target(%arg16 : memref<100x128xf32, #tpu.memory_space<vmem>>) offsets(%dma_start3A_265 : memref<100xi32, #tpu.memory_space<vmem>>) semaphore(%arg22 : memref<!tpu.dma_semaphore, #tpu.memory_space<semaphore_mem>>)
      %dma_start3A_269 = arith.constant 0 : i32
      %dma_start3A_270 = arith.constant 0 : i32
      %dma_start3A_271 = tpu.memref_slice %arg13[%dma_start3A_269, %dma_start3A_270] : memref<1x100xi32, #tpu.memory_space<vmem>> -> memref<1x100xi32, #tpu.memory_space<vmem>>
      %dma_start3A_272 = tpu.memref_squeeze %dma_start3A_271 : memref<1x100xi32, #tpu.memory_space<vmem>> -> memref<100xi32, #tpu.memory_space<vmem>>
      %dma_start3A_273 = arith.constant 0 : i32
      %dma_start3A_274 = arith.constant 0 : i32
      %dma_start3A_275 = tpu.memref_slice %arg6[%dma_start3A_273, %dma_start3A_274] : memref<10240x128xf32, #tpu.memory_space<vmem_shared>> -> memref<10240x128xf32, #tpu.memory_space<vmem_shared>>
      tpu.enqueue_indirect_dma source(%arg15 : memref<100x128xf32, #tpu.memory_space<vmem>>) target(%dma_start3A_275 : memref<10240x128xf32, #tpu.memory_space<vmem_shared>>) offsets(%dma_start3A_272 : memref<100xi32, #tpu.memory_space<vmem>>) semaphore(%arg23 : memref<!tpu.dma_semaphore, #tpu.memory_space<semaphore_mem>>) {add = true}
      %add3A_276 = arith.constant 3 : i32
      %add3A_277 = arith.addi %mul3A_110, %add3A_276 : i32
      %add3A_278 = arith.constant 1 : i32
      %add3A_279 = arith.addi %add3A_277, %add3A_278 : i32
      %lt3A_280 = arith.constant 100 : i32
      %lt3A_281 = arith.cmpi slt, %add3A_279, %lt3A_280 : i32
      %convert_element_type3A_282 = arith.extui %lt3A_281 : i1 to i32
      %cond3A_283 = arith.constant 0 : i32
      %cond3A_284 = arith.cmpi ne, %convert_element_type3A_282, %cond3A_283 : i32
      scf.if %cond3A_284 {
        %add3A_320 = arith.constant 1 : i32
        %add3A_321 = arith.addi %add3A_277, %add3A_320 : i32
        %dma_wait3A_322 = arith.constant 0 : i32
        %dma_wait3A_323 = arith.constant 0 : i32
        %dma_wait3A_324 = tpu.memref_slice %arg3[%add3A, %add3A_321, %dma_wait3A_322, %dma_wait3A_323] : memref<32x100x1x100xi32, #tpu.memory_space<hbm>> -> memref<1x1x1x100xi32, #tpu.memory_space<hbm>>
        %dma_wait3A_325 = tpu.memref_squeeze %dma_wait3A_324 : memref<1x1x1x100xi32, #tpu.memory_space<hbm>> -> memref<1x100xi32, #tpu.memory_space<hbm>>
        %dma_wait3A_326 = arith.constant 0 : i32
        %dma_wait3A_327 = arith.constant 0 : i32
        %dma_wait3A_328 = tpu.memref_slice %arg3[%add3A, %add3A_321, %dma_wait3A_326, %dma_wait3A_327] : memref<32x100x1x100xi32, #tpu.memory_space<hbm>> -> memref<1x1x1x100xi32, #tpu.memory_space<hbm>>
        %dma_wait3A_329 = tpu.memref_squeeze %dma_wait3A_328 : memref<1x1x1x100xi32, #tpu.memory_space<hbm>> -> memref<1x100xi32, #tpu.memory_space<hbm>>
        tpu.wait_dma2 semaphore(%arg17 : memref<!tpu.dma_semaphore, #tpu.memory_space<semaphore_mem>>) src(%dma_wait3A_329 : memref<1x100xi32, #tpu.memory_space<hbm>>) dst(%arg7 : memref<1x100xi32, #tpu.memory_space<vmem>>)
        %dma_wait3A_330 = arith.constant 0 : i32
        %dma_wait3A_331 = arith.constant 0 : i32
        %dma_wait3A_332 = tpu.memref_slice %arg4[%add3A, %add3A_321, %dma_wait3A_330, %dma_wait3A_331] : memref<32x100x1x100xi32, #tpu.memory_space<hbm>> -> memref<1x1x1x100xi32, #tpu.memory_space<hbm>>
        %dma_wait3A_333 = tpu.memref_squeeze %dma_wait3A_332 : memref<1x1x1x100xi32, #tpu.memory_space<hbm>> -> memref<1x100xi32, #tpu.memory_space<hbm>>
        %dma_wait3A_334 = arith.constant 0 : i32
        %dma_wait3A_335 = arith.constant 0 : i32
        %dma_wait3A_336 = tpu.memref_slice %arg4[%add3A, %add3A_321, %dma_wait3A_334, %dma_wait3A_335] : memref<32x100x1x100xi32, #tpu.memory_space<hbm>> -> memref<1x1x1x100xi32, #tpu.memory_space<hbm>>
        %dma_wait3A_337 = tpu.memref_squeeze %dma_wait3A_336 : memref<1x1x1x100xi32, #tpu.memory_space<hbm>> -> memref<1x100xi32, #tpu.memory_space<hbm>>
        tpu.wait_dma2 semaphore(%arg17 : memref<!tpu.dma_semaphore, #tpu.memory_space<semaphore_mem>>) src(%dma_wait3A_337 : memref<1x100xi32, #tpu.memory_space<hbm>>) dst(%arg11 : memref<1x100xi32, #tpu.memory_space<vmem>>)
      } else {
      }
      %dma_wait3A_285 = arith.constant 0 : i32
      %dma_wait3A_286 = arith.constant 0 : i32
      %dma_wait3A_287 = tpu.memref_slice %arg10[%dma_wait3A_285, %dma_wait3A_286] : memref<1x100xi32, #tpu.memory_space<vmem>> -> memref<1x100xi32, #tpu.memory_space<vmem>>
      %dma_wait3A_288 = tpu.memref_squeeze %dma_wait3A_287 : memref<1x100xi32, #tpu.memory_space<vmem>> -> memref<100xi32, #tpu.memory_space<vmem>>
      %dma_wait3A_289 = arith.constant 0 : i32
      %dma_wait3A_290 = arith.constant 0 : i32
      %dma_wait3A_291 = tpu.memref_slice %arg2[%dma_wait3A_289, %dma_wait3A_290] : memref<10000x128xf32, #tpu.memory_space<hbm>> -> memref<10000x128xf32, #tpu.memory_space<hbm>>
      tpu.wait_indirect_dma semaphore(%arg22 : memref<!tpu.dma_semaphore, #tpu.memory_space<semaphore_mem>>) src(%dma_wait3A_291 : memref<10000x128xf32, #tpu.memory_space<hbm>>) dst(%arg16 : memref<100x128xf32, #tpu.memory_space<vmem>>)
      %dma_wait3A_292 = arith.constant 0 : i32
      %dma_wait3A_293 = arith.constant 0 : i32
      %dma_wait3A_294 = tpu.memref_slice %arg13[%dma_wait3A_292, %dma_wait3A_293] : memref<1x100xi32, #tpu.memory_space<vmem>> -> memref<1x100xi32, #tpu.memory_space<vmem>>
      %dma_wait3A_295 = tpu.memref_squeeze %dma_wait3A_294 : memref<1x100xi32, #tpu.memory_space<vmem>> -> memref<100xi32, #tpu.memory_space<vmem>>
      %dma_wait3A_296 = arith.constant 0 : i32
      %dma_wait3A_297 = arith.constant 0 : i32
      %dma_wait3A_298 = tpu.memref_slice %arg6[%dma_wait3A_296, %dma_wait3A_297] : memref<10240x128xf32, #tpu.memory_space<vmem_shared>> -> memref<10240x128xf32, #tpu.memory_space<vmem_shared>>
      tpu.wait_indirect_dma semaphore(%arg23 : memref<!tpu.dma_semaphore, #tpu.memory_space<semaphore_mem>>) src(%arg15 : memref<100x128xf32, #tpu.memory_space<vmem>>) dst(%dma_wait3A_298 : memref<10240x128xf32, #tpu.memory_space<vmem_shared>>)
      %add3A_299 = arith.constant 3 : i32
      %add3A_300 = arith.addi %add3A_277, %add3A_299 : i32
      %lt3A_301 = arith.constant 100 : i32
      %lt3A_302 = arith.cmpi slt, %add3A_300, %lt3A_301 : i32
      %convert_element_type3A_303 = arith.extui %lt3A_302 : i1 to i32
      %cond3A_304 = arith.constant 0 : i32
      %cond3A_305 = arith.cmpi ne, %convert_element_type3A_303, %cond3A_304 : i32
      scf.if %cond3A_305 {
        %add3A_320 = arith.constant 3 : i32
        %add3A_321 = arith.addi %add3A_277, %add3A_320 : i32
        %dma_start3A_322 = arith.constant 0 : i32
        %dma_start3A_323 = arith.constant 0 : i32
        %dma_start3A_324 = tpu.memref_slice %arg3[%add3A, %add3A_321, %dma_start3A_322, %dma_start3A_323] : memref<32x100x1x100xi32, #tpu.memory_space<hbm>> -> memref<1x1x1x100xi32, #tpu.memory_space<hbm>>
        %dma_start3A_325 = tpu.memref_squeeze %dma_start3A_324 : memref<1x1x1x100xi32, #tpu.memory_space<hbm>> -> memref<1x100xi32, #tpu.memory_space<hbm>>
        %dma_start3A_326 = arith.constant 0 : i32
        %dma_start3A_327 = arith.constant 0 : i32
        %dma_start3A_328 = tpu.memref_slice %arg3[%add3A, %add3A_321, %dma_start3A_326, %dma_start3A_327] : memref<32x100x1x100xi32, #tpu.memory_space<hbm>> -> memref<1x1x1x100xi32, #tpu.memory_space<hbm>>
        %dma_start3A_329 = tpu.memref_squeeze %dma_start3A_328 : memref<1x1x1x100xi32, #tpu.memory_space<hbm>> -> memref<1x100xi32, #tpu.memory_space<hbm>>
        tpu.enqueue_dma source(%dma_start3A_329 : memref<1x100xi32, #tpu.memory_space<hbm>>) target(%arg9 : memref<1x100xi32, #tpu.memory_space<vmem>>) target_semaphore(%arg19 : memref<!tpu.dma_semaphore, #tpu.memory_space<semaphore_mem>>)
        %dma_start3A_330 = arith.constant 0 : i32
        %dma_start3A_331 = arith.constant 0 : i32
        %dma_start3A_332 = tpu.memref_slice %arg4[%add3A, %add3A_321, %dma_start3A_330, %dma_start3A_331] : memref<32x100x1x100xi32, #tpu.memory_space<hbm>> -> memref<1x1x1x100xi32, #tpu.memory_space<hbm>>
        %dma_start3A_333 = tpu.memref_squeeze %dma_start3A_332 : memref<1x1x1x100xi32, #tpu.memory_space<hbm>> -> memref<1x100xi32, #tpu.memory_space<hbm>>
        %dma_start3A_334 = arith.constant 0 : i32
        %dma_start3A_335 = arith.constant 0 : i32
        %dma_start3A_336 = tpu.memref_slice %arg4[%add3A, %add3A_321, %dma_start3A_334, %dma_start3A_335] : memref<32x100x1x100xi32, #tpu.memory_space<hbm>> -> memref<1x1x1x100xi32, #tpu.memory_space<hbm>>
        %dma_start3A_337 = tpu.memref_squeeze %dma_start3A_336 : memref<1x1x1x100xi32, #tpu.memory_space<hbm>> -> memref<1x100xi32, #tpu.memory_space<hbm>>
        tpu.enqueue_dma source(%dma_start3A_337 : memref<1x100xi32, #tpu.memory_space<hbm>>) target(%arg13 : memref<1x100xi32, #tpu.memory_space<vmem>>) target_semaphore(%arg19 : memref<!tpu.dma_semaphore, #tpu.memory_space<semaphore_mem>>)
      } else {
      }
      %add3A_306 = arith.constant 1 : i32
      %add3A_307 = arith.addi %add3A_277, %add3A_306 : i32
      %lt3A_308 = arith.constant 100 : i32
      %lt3A_309 = arith.cmpi slt, %add3A_307, %lt3A_308 : i32
      %convert_element_type3A_310 = arith.extui %lt3A_309 : i1 to i32
      %cond3A_311 = arith.constant 0 : i32
      %cond3A_312 = arith.cmpi ne, %convert_element_type3A_310, %cond3A_311 : i32
      scf.if %cond3A_312 {
        %add3A_320 = arith.constant 1 : i32
        %add3A_321 = arith.addi %add3A_277, %add3A_320 : i32
        %dma_start3A_322 = arith.constant 0 : i32
        %dma_start3A_323 = arith.constant 0 : i32
        %dma_start3A_324 = tpu.memref_slice %arg7[%dma_start3A_322, %dma_start3A_323] : memref<1x100xi32, #tpu.memory_space<vmem>> -> memref<1x100xi32, #tpu.memory_space<vmem>>
        %dma_start3A_325 = tpu.memref_squeeze %dma_start3A_324 : memref<1x100xi32, #tpu.memory_space<vmem>> -> memref<100xi32, #tpu.memory_space<vmem>>
        %dma_start3A_326 = arith.constant 0 : i32
        %dma_start3A_327 = arith.constant 0 : i32
        %dma_start3A_328 = tpu.memref_slice %arg2[%dma_start3A_326, %dma_start3A_327] : memref<10000x128xf32, #tpu.memory_space<hbm>> -> memref<10000x128xf32, #tpu.memory_space<hbm>>
        tpu.enqueue_indirect_dma source(%dma_start3A_328 : memref<10000x128xf32, #tpu.memory_space<hbm>>) target(%arg15 : memref<100x128xf32, #tpu.memory_space<vmem>>) offsets(%dma_start3A_325 : memref<100xi32, #tpu.memory_space<vmem>>) semaphore(%arg21 : memref<!tpu.dma_semaphore, #tpu.memory_space<semaphore_mem>>)
      } else {
      }
      %dma_start3A_313 = arith.constant 0 : i32
      %dma_start3A_314 = arith.constant 0 : i32
      %dma_start3A_315 = tpu.memref_slice %arg14[%dma_start3A_313, %dma_start3A_314] : memref<1x100xi32, #tpu.memory_space<vmem>> -> memref<1x100xi32, #tpu.memory_space<vmem>>
      %dma_start3A_316 = tpu.memref_squeeze %dma_start3A_315 : memref<1x100xi32, #tpu.memory_space<vmem>> -> memref<100xi32, #tpu.memory_space<vmem>>
      %dma_start3A_317 = arith.constant 0 : i32
      %dma_start3A_318 = arith.constant 0 : i32
      %dma_start3A_319 = tpu.memref_slice %arg6[%dma_start3A_317, %dma_start3A_318] : memref<10240x128xf32, #tpu.memory_space<vmem_shared>> -> memref<10240x128xf32, #tpu.memory_space<vmem_shared>>
      tpu.enqueue_indirect_dma source(%arg16 : memref<100x128xf32, #tpu.memory_space<vmem>>) target(%dma_start3A_319 : memref<10240x128xf32, #tpu.memory_space<vmem_shared>>) offsets(%dma_start3A_316 : memref<100xi32, #tpu.memory_space<vmem>>) semaphore(%arg24 : memref<!tpu.dma_semaphore, #tpu.memory_space<semaphore_mem>>) {add = true}
    }
    %scan3A_95 = arith.constant 25 : i32
    %dma_wait3A_96 = arith.constant 0 : i32
    %dma_wait3A_97 = arith.constant 0 : i32
    %dma_wait3A_98 = tpu.memref_slice %arg14[%dma_wait3A_96, %dma_wait3A_97] : memref<1x100xi32, #tpu.memory_space<vmem>> -> memref<1x100xi32, #tpu.memory_space<vmem>>
    %dma_wait3A_99 = tpu.memref_squeeze %dma_wait3A_98 : memref<1x100xi32, #tpu.memory_space<vmem>> -> memref<100xi32, #tpu.memory_space<vmem>>
    %dma_wait3A_100 = arith.constant 0 : i32
    %dma_wait3A_101 = arith.constant 0 : i32
    %dma_wait3A_102 = tpu.memref_slice %arg6[%dma_wait3A_100, %dma_wait3A_101] : memref<10240x128xf32, #tpu.memory_space<vmem_shared>> -> memref<10240x128xf32, #tpu.memory_space<vmem_shared>>
    tpu.wait_indirect_dma semaphore(%arg24 : memref<!tpu.dma_semaphore, #tpu.memory_space<semaphore_mem>>) src(%arg16 : memref<100x128xf32, #tpu.memory_space<vmem>>) dst(%dma_wait3A_102 : memref<10240x128xf32, #tpu.memory_space<vmem_shared>>)
    %barrier3A_103 = arith.constant 0 : index
    tpu.barrier barrier_id(%barrier3A_103)
    %mul3A_104 = arith.constant 640 : i32
    %mul3A_105 = arith.muli %arg1, %mul3A_104 : i32
    %mul3A_106 = arith.constant 640 : i32
    %mul3A_107 = arith.muli %arg1, %mul3A_106 : i32
    "tpu.region"() ({
      %run_scoped3A = tpu.sem_alloc : memref<!tpu.dma_semaphore, #tpu.memory_space<semaphore_mem>>
      %dma_start3A_108 = arith.constant 0 : i32
      %dma_start3A_109 = tpu.memref_slice %arg5[%arg0, %mul3A_107, %dma_start3A_108] : memref<2x10240x128xf32, #tpu.memory_space<hbm>> -> memref<1x640x128xf32, #tpu.memory_space<hbm>>
      %dma_start3A_110 = tpu.memref_squeeze %dma_start3A_109 : memref<1x640x128xf32, #tpu.memory_space<hbm>> -> memref<640x128xf32, #tpu.memory_space<hbm>>
      %dma_start3A_111 = arith.constant 0 : i32
      %dma_start3A_112 = tpu.memref_slice %arg6[%mul3A_105, %dma_start3A_111] : memref<10240x128xf32, #tpu.memory_space<vmem_shared>> -> memref<640x128xf32, #tpu.memory_space<vmem_shared>>
      tpu.enqueue_dma source(%dma_start3A_112 : memref<640x128xf32, #tpu.memory_space<vmem_shared>>) target(%dma_start3A_110 : memref<640x128xf32, #tpu.memory_space<hbm>>) target_semaphore(%run_scoped3A : memref<!tpu.dma_semaphore, #tpu.memory_space<semaphore_mem>>)
      %dma_wait3A_113 = arith.constant 0 : i32
      %dma_wait3A_114 = tpu.memref_slice %arg5[%arg0, %mul3A_107, %dma_wait3A_113] : memref<2x10240x128xf32, #tpu.memory_space<hbm>> -> memref<1x640x128xf32, #tpu.memory_space<hbm>>
      %dma_wait3A_115 = tpu.memref_squeeze %dma_wait3A_114 : memref<1x640x128xf32, #tpu.memory_space<hbm>> -> memref<640x128xf32, #tpu.memory_space<hbm>>
      %dma_wait3A_116 = arith.constant 0 : i32
      %dma_wait3A_117 = tpu.memref_slice %arg6[%mul3A_105, %dma_wait3A_116] : memref<10240x128xf32, #tpu.memory_space<vmem_shared>> -> memref<640x128xf32, #tpu.memory_space<vmem_shared>>
      tpu.wait_dma2 semaphore(%run_scoped3A : memref<!tpu.dma_semaphore, #tpu.memory_space<semaphore_mem>>) src(%dma_wait3A_117 : memref<640x128xf32, #tpu.memory_space<vmem_shared>>) dst(%dma_wait3A_115 : memref<640x128xf32, #tpu.memory_space<hbm>>)
      tpu.yield
    }) : () -> ()
    return
  }
}

module attributes {stable_mosaic.version = 14 : i64} {
  func.func @_mm_body(%arg0: i32, %arg1: memref<2000x128xf32, #tpu.memory_space<vmem>>, %arg2: memref<128x128xf32, #tpu.memory_space<vmem>>, %arg3: memref<2000x128xf32, #tpu.memory_space<vmem>>) attributes {dimension_semantics = [#tpu.dimension_semantics<arbitrary>], iteration_bounds = array<i64: 5>, scalar_prefetch = 0 : i64, scratch_operands = 0 : i64, tpu.core_type = #tpu.core_type<tc>, window_params = [{transform_indices = @transform_0, window_bounds = array<i64: 2000, 128>}, {pipeline_mode = #tpu.pipeline_mode<synchronous>, transform_indices = @transform_1, window_bounds = array<i64: 128, 128>}, {transform_indices = @transform_2, window_bounds = array<i64: 2000, 128>}]} {
    %get3A = arith.constant 0 : index
    %get3A_0 = arith.constant 0 : index
    %get3A_1 = vector.load %arg1[%get3A, %get3A_0] : memref<2000x128xf32, #tpu.memory_space<vmem>>, vector<2000x128xf32>
    %get3A_2 = arith.constant 0 : index
    %get3A_3 = arith.constant 0 : index
    %get3A_4 = vector.load %arg2[%get3A_2, %get3A_3] : memref<128x128xf32, #tpu.memory_space<vmem>>, vector<128x128xf32>
    %dot_general3A = arith.constant dense<0.000000e+00> : vector<2000x128xf32>
    %dot_general3A_5 = tpu.matmul %get3A_1, %get3A_4, %dot_general3A {dimension_numbers = #tpu.dot_dimension_numbers<[1], [0], [0], [1], [0, 0, 1, 1], [], []>, transpose_lhs_hint = false} : vector<2000x128xf32>, vector<128x128xf32>, vector<2000x128xf32> -> vector<2000x128xf32>
    %swap3A = arith.constant 0 : index
    %swap3A_6 = arith.constant 0 : index
    %swap3A_7 = vector.load %arg3[%swap3A, %swap3A_6] : memref<2000x128xf32, #tpu.memory_space<vmem>>, vector<2000x128xf32>
    tpu.vector_store %arg3[%swap3A, %swap3A_6], %dot_general3A_5 {strides = array<i32>} : memref<2000x128xf32, #tpu.memory_space<vmem>>, vector<2000x128xf32>,
    return
  }
  func.func @transform_0(%arg0: i32) -> (i32, i32) {
    %c0_i32 = arith.constant 0 : i32
    %c0_i32_0 = arith.constant 0 : i32
    return %arg0, %c0_i32 : i32, i32
  }
  func.func @transform_1(%arg0: i32) -> (i32, i32) {
    %c0_i32 = arith.constant 0 : i32
    %c0_i32_0 = arith.constant 0 : i32
    %c0_i32_1 = arith.constant 0 : i32
    return %c0_i32, %c0_i32_0 : i32, i32
  }
  func.func @transform_2(%arg0: i32) -> (i32, i32) {
    %c0_i32 = arith.constant 0 : i32
    %c0_i32_0 = arith.constant 0 : i32
    return %arg0, %c0_i32 : i32, i32
  }
}

module attributes {stable_mosaic.version = 14 : i64} {
  func.func @_tc_layer1_body(%arg0: i32, %arg1: i32, %arg2: memref<2000x1xi32, #tpu.memory_space<vmem>>, %arg3: memref<2000x128xf32, #tpu.memory_space<vmem>>, %arg4: memref<2x2000x128xf32, #tpu.memory_space<vmem>>, %arg5: memref<128x128xf32, #tpu.memory_space<vmem>>, %arg6: memref<1x128xf32, #tpu.memory_space<vmem>>, %arg7: memref<1x128xf32, #tpu.memory_space<vmem>>, %arg8: memref<1x128xf32, #tpu.memory_space<vmem>>, %arg9: memref<2000x128xf32, #tpu.memory_space<vmem>>, %arg10: memref<2x128xf32, #tpu.memory_space<vmem>>, %arg11: memref<10000x128xf32, #tpu.memory_space<vmem>>) attributes {dimension_semantics = [#tpu.dimension_semantics<arbitrary>, #tpu.dimension_semantics<arbitrary>], iteration_bounds = array<i64: 2, 5>, scalar_prefetch = 0 : i64, scratch_operands = 2 : i64, tpu.core_type = #tpu.core_type<tc>, window_params = [{transform_indices = @transform_0, window_bounds = array<i64: 2000, 1>}, {transform_indices = @transform_1, window_bounds = array<i64: 2000, 128>}, {transform_indices = @transform_2, window_bounds = array<i64: 2, 2000, 128>}, {pipeline_mode = #tpu.pipeline_mode<synchronous>, transform_indices = @transform_3, window_bounds = array<i64: 128, 128>}, {pipeline_mode = #tpu.pipeline_mode<synchronous>, transform_indices = @transform_4, window_bounds = array<i64: 1, 128>}, {pipeline_mode = #tpu.pipeline_mode<synchronous>, transform_indices = @transform_5, window_bounds = array<i64: 1, 128>}, {pipeline_mode = #tpu.pipeline_mode<synchronous>, transform_indices = @transform_6, window_bounds = array<i64: 1, 128>}, {transform_indices = @transform_7, window_bounds = array<i64: 2000, 128>}]} {
    %eq3A = arith.constant 0 : i32
    %eq3A_0 = arith.cmpi eq, %arg0, %eq3A : i32
    %convert_element_type3A = arith.extui %eq3A_0 : i1 to i32
    %cond3A = arith.constant 0 : i32
    %cond3A_1 = arith.cmpi ne, %convert_element_type3A, %cond3A : i32
    scf.if %cond3A_1 {
      %get3A = arith.constant 0 : index
      %get3A_7 = arith.constant 0 : index
      %get3A_8 = vector.load %arg2[%get3A, %get3A_7] : memref<2000x1xi32, #tpu.memory_space<vmem>>, vector<2000x1xi32>
      %max3A = arith.constant 1 : i32
      %max3A_9 = vector.broadcast %max3A : i32 to vector<2000x1xi32>
      %max3A_10 = arith.maxsi %get3A_8, %max3A_9 : vector<2000x1xi32>
      %convert_element_type3A_11 = arith.sitofp %max3A_10 : vector<2000x1xi32> to vector<2000x1xf32>
      %div3A = arith.constant 1.000000e+00 : f32
      %div3A_12 = vector.broadcast %div3A : f32 to vector<2000x1xf32>
      %div3A_13 = arith.divf %div3A_12, %convert_element_type3A_11 : vector<2000x1xf32>
      %get3A_14 = arith.constant 0 : index
      %get3A_15 = arith.constant 0 : index
      %get3A_16 = arith.constant 0 : index
      %get3A_17 = vector.load %arg4[%get3A_14, %get3A_15, %get3A_16] : memref<2x2000x128xf32, #tpu.memory_space<vmem>>, vector<1x2000x128xf32>
      %get3A_18 = vector.shape_cast %get3A_17 : vector<1x2000x128xf32> to vector<2000x128xf32>
      %get3A_19 = arith.constant 1 : index
      %get3A_20 = arith.constant 0 : index
      %get3A_21 = arith.constant 0 : index
      %get3A_22 = vector.load %arg4[%get3A_19, %get3A_20, %get3A_21] : memref<2x2000x128xf32, #tpu.memory_space<vmem>>, vector<1x2000x128xf32>
      %get3A_23 = vector.shape_cast %get3A_22 : vector<1x2000x128xf32> to vector<2000x128xf32>
      %add3A = arith.addf %get3A_18, %get3A_23 : vector<2000x128xf32>
      %mul3A = vector.broadcast %div3A_13 : vector<2000x1xf32> to vector<2000x128xf32>
      %mul3A_24 = arith.mulf %add3A, %mul3A : vector<2000x128xf32>
      %get3A_25 = arith.constant 0 : index
      %get3A_26 = arith.constant 0 : index
      %get3A_27 = vector.load %arg3[%get3A_25, %get3A_26] : memref<2000x128xf32, #tpu.memory_space<vmem>>, vector<2000x128xf32>
      %get3A_28 = arith.constant 0 : index
      %get3A_29 = arith.constant 0 : index
      %get3A_30 = vector.load %arg5[%get3A_28, %get3A_29] : memref<128x128xf32, #tpu.memory_space<vmem>>, vector<128x128xf32>
      %dot_general3A = arith.constant dense<0.000000e+00> : vector<2000x128xf32>
      %dot_general3A_31 = tpu.matmul %mul3A_24, %get3A_30, %dot_general3A {dimension_numbers = #tpu.dot_dimension_numbers<[1], [0], [0], [1], [0, 0, 1, 1], [], []>, transpose_lhs_hint = false} : vector<2000x128xf32>, vector<128x128xf32>, vector<2000x128xf32> -> vector<2000x128xf32>
      %add3A_32 = arith.addf %get3A_27, %dot_general3A_31 : vector<2000x128xf32>
      %get3A_33 = arith.constant 0 : index
      %get3A_34 = arith.constant 0 : index
      %get3A_35 = vector.load %arg6[%get3A_33, %get3A_34] : memref<1x128xf32, #tpu.memory_space<vmem>>, vector<1x128xf32>
      %add3A_36 = vector.broadcast %get3A_35 : vector<1x128xf32> to vector<2000x128xf32>
      %add3A_37 = arith.addf %add3A_32, %add3A_36 : vector<2000x128xf32>
      %mul3A_38 = arith.constant 2000 : i32
      %mul3A_39 = arith.muli %arg1, %mul3A_38 : i32
      %swap3A = arith.index_cast %mul3A_39 : i32 to index
      %swap3A_40 = arith.constant 0 : index
      %swap3A_41 = vector.load %arg11[%swap3A, %swap3A_40] : memref<10000x128xf32, #tpu.memory_space<vmem>>, vector<2000x128xf32>
      tpu.vector_store %arg11[%swap3A, %swap3A_40], %add3A_37 {strides = array<i32>} : memref<10000x128xf32, #tpu.memory_space<vmem>>, vector<2000x128xf32>,
      %reduce_sum3A = arith.constant dense<0.000000e+00> : vector<128xf32>
      %reduce_sum3A_42 = vector.multi_reduction <add>, %add3A_37, %reduce_sum3A [0] : vector<2000x128xf32> to vector<128xf32>
      %broadcast_in_dim3A = vector.shape_cast %reduce_sum3A_42 : vector<128xf32> to vector<1x128xf32>
      %mul3A_43 = arith.mulf %add3A_37, %add3A_37 : vector<2000x128xf32>
      %reduce_sum3A_44 = arith.constant dense<0.000000e+00> : vector<128xf32>
      %reduce_sum3A_45 = vector.multi_reduction <add>, %mul3A_43, %reduce_sum3A_44 [0] : vector<2000x128xf32> to vector<128xf32>
      %broadcast_in_dim3A_46 = vector.shape_cast %reduce_sum3A_45 : vector<128xf32> to vector<1x128xf32>
      %concatenate3A = tpu.concatenate %broadcast_in_dim3A, %broadcast_in_dim3A_46 in 0 : vector<1x128xf32>, vector<1x128xf32> -> vector<2x128xf32>
      %eq3A_47 = arith.constant 0 : i32
      %eq3A_48 = arith.cmpi eq, %arg1, %eq3A_47 : i32
      %convert_element_type3A_49 = arith.extui %eq3A_48 : i1 to i32
      %cond3A_50 = arith.constant 0 : i32
      %cond3A_51 = arith.cmpi ne, %convert_element_type3A_49, %cond3A_50 : i32
      scf.if %cond3A_51 {
        %swap3A_61 = arith.constant 0 : index
        %swap3A_62 = arith.constant 0 : index
        %swap3A_63 = vector.load %arg10[%swap3A_61, %swap3A_62] : memref<2x128xf32, #tpu.memory_space<vmem>>, vector<2x128xf32>
        tpu.vector_store %arg10[%swap3A_61, %swap3A_62], %concatenate3A {strides = array<i32>} : memref<2x128xf32, #tpu.memory_space<vmem>>, vector<2x128xf32>,
      } else {
      }
      %gt3A = arith.constant 0 : i32
      %gt3A_52 = arith.cmpi sgt, %arg1, %gt3A : i32
      %convert_element_type3A_53 = arith.extui %gt3A_52 : i1 to i32
      %cond3A_54 = arith.constant 0 : i32
      %cond3A_55 = arith.cmpi ne, %convert_element_type3A_53, %cond3A_54 : i32
      scf.if %cond3A_55 {
        %get3A_61 = arith.constant 0 : index
        %get3A_62 = arith.constant 0 : index
        %get3A_63 = vector.load %arg10[%get3A_61, %get3A_62] : memref<2x128xf32, #tpu.memory_space<vmem>>, vector<2x128xf32>
        %add3A_64 = arith.addf %get3A_63, %concatenate3A : vector<2x128xf32>
        %swap3A_65 = arith.constant 0 : index
        %swap3A_66 = arith.constant 0 : index
        %swap3A_67 = vector.load %arg10[%swap3A_65, %swap3A_66] : memref<2x128xf32, #tpu.memory_space<vmem>>, vector<2x128xf32>
        tpu.vector_store %arg10[%swap3A_65, %swap3A_66], %add3A_64 {strides = array<i32>} : memref<2x128xf32, #tpu.memory_space<vmem>>, vector<2x128xf32>,
      } else {
      }
      %broadcast_in_dim3A_56 = arith.constant 0.000000e+00 : f32
      %broadcast_in_dim3A_57 = vector.broadcast %broadcast_in_dim3A_56 : f32 to vector<2000x128xf32>
      %swap3A_58 = arith.constant 0 : index
      %swap3A_59 = arith.constant 0 : index
      %swap3A_60 = vector.load %arg9[%swap3A_58, %swap3A_59] : memref<2000x128xf32, #tpu.memory_space<vmem>>, vector<2000x128xf32>
      tpu.vector_store %arg9[%swap3A_58, %swap3A_59], %broadcast_in_dim3A_57 {strides = array<i32>} : memref<2000x128xf32, #tpu.memory_space<vmem>>, vector<2000x128xf32>,
    } else {
    }
    %eq3A_2 = arith.constant 1 : i32
    %eq3A_3 = arith.cmpi eq, %arg0, %eq3A_2 : i32
    %convert_element_type3A_4 = arith.extui %eq3A_3 : i1 to i32
    %cond3A_5 = arith.constant 0 : i32
    %cond3A_6 = arith.cmpi ne, %convert_element_type3A_4, %cond3A_5 : i32
    scf.if %cond3A_6 {
      %get3A = arith.constant 0 : index
      %get3A_7 = arith.constant 0 : index
      %get3A_8 = vector.load %arg10[%get3A, %get3A_7] : memref<2x128xf32, #tpu.memory_space<vmem>>, vector<1x128xf32>
      %mul3A = arith.constant 9.99999974E-5 : f32
      %mul3A_9 = vector.broadcast %mul3A : f32 to vector<1x128xf32>
      %mul3A_10 = arith.mulf %get3A_8, %mul3A_9 : vector<1x128xf32>
      %get3A_11 = arith.constant 1 : index
      %get3A_12 = arith.constant 0 : index
      %get3A_13 = vector.load %arg10[%get3A_11, %get3A_12] : memref<2x128xf32, #tpu.memory_space<vmem>>, vector<1x128xf32>
      %mul3A_14 = arith.constant 9.99999974E-5 : f32
      %mul3A_15 = vector.broadcast %mul3A_14 : f32 to vector<1x128xf32>
      %mul3A_16 = arith.mulf %get3A_13, %mul3A_15 : vector<1x128xf32>
      %mul3A_17 = arith.mulf %mul3A_10, %mul3A_10 : vector<1x128xf32>
      %sub3A = arith.subf %mul3A_16, %mul3A_17 : vector<1x128xf32>
      %add3A = arith.constant 9.99999974E-6 : f32
      %add3A_18 = vector.broadcast %add3A : f32 to vector<1x128xf32>
      %add3A_19 = arith.addf %sub3A, %add3A_18 : vector<1x128xf32>
      %rsqrt3A = math.rsqrt %add3A_19 : vector<1x128xf32>
      %get3A_20 = arith.constant 0 : index
      %get3A_21 = arith.constant 0 : index
      %get3A_22 = vector.load %arg7[%get3A_20, %get3A_21] : memref<1x128xf32, #tpu.memory_space<vmem>>, vector<1x128xf32>
      %mul3A_23 = arith.mulf %rsqrt3A, %get3A_22 : vector<1x128xf32>
      %mul3A_24 = arith.constant 2000 : i32
      %mul3A_25 = arith.muli %arg1, %mul3A_24 : i32
      %get3A_26 = arith.index_cast %mul3A_25 : i32 to index
      %get3A_27 = arith.constant 0 : index
      %get3A_28 = vector.load %arg11[%get3A_26, %get3A_27] : memref<10000x128xf32, #tpu.memory_space<vmem>>, vector<2000x128xf32>
      %sub3A_29 = vector.broadcast %mul3A_10 : vector<1x128xf32> to vector<2000x128xf32>
      %sub3A_30 = arith.subf %get3A_28, %sub3A_29 : vector<2000x128xf32>
      %mul3A_31 = vector.broadcast %mul3A_23 : vector<1x128xf32> to vector<2000x128xf32>
      %mul3A_32 = arith.mulf %sub3A_30, %mul3A_31 : vector<2000x128xf32>
      %get3A_33 = arith.constant 0 : index
      %get3A_34 = arith.constant 0 : index
      %get3A_35 = vector.load %arg8[%get3A_33, %get3A_34] : memref<1x128xf32, #tpu.memory_space<vmem>>, vector<1x128xf32>
      %add3A_36 = vector.broadcast %get3A_35 : vector<1x128xf32> to vector<2000x128xf32>
      %add3A_37 = arith.addf %mul3A_32, %add3A_36 : vector<2000x128xf32>
      %max3A = arith.constant 0.000000e+00 : f32
      %max3A_38 = vector.broadcast %max3A : f32 to vector<2000x128xf32>
      %max3A_39 = arith.maximumf %add3A_37, %max3A_38 : vector<2000x128xf32>
      %swap3A = arith.constant 0 : index
      %swap3A_40 = arith.constant 0 : index
      %swap3A_41 = vector.load %arg9[%swap3A, %swap3A_40] : memref<2000x128xf32, #tpu.memory_space<vmem>>, vector<2000x128xf32>
      tpu.vector_store %arg9[%swap3A, %swap3A_40], %max3A_39 {strides = array<i32>} : memref<2000x128xf32, #tpu.memory_space<vmem>>, vector<2000x128xf32>,
    } else {
    }
    return
  }
  func.func @transform_0(%arg0: i32, %arg1: i32) -> (i32, i32) {
    %sub3A = arith.constant 1 : i32
    %sub3A_0 = arith.subi %sub3A, %arg0 : i32
    %mul3A = arith.muli %arg1, %sub3A_0 : i32
    %c0_i32 = arith.constant 0 : i32
    %c0_i32_1 = arith.constant 0 : i32
    return %mul3A, %c0_i32 : i32, i32
  }
  func.func @transform_1(%arg0: i32, %arg1: i32) -> (i32, i32) {
    %sub3A = arith.constant 1 : i32
    %sub3A_0 = arith.subi %sub3A, %arg0 : i32
    %mul3A = arith.muli %arg1, %sub3A_0 : i32
    %c0_i32 = arith.constant 0 : i32
    %c0_i32_1 = arith.constant 0 : i32
    return %mul3A, %c0_i32 : i32, i32
  }
  func.func @transform_2(%arg0: i32, %arg1: i32) -> (i32, i32, i32) {
    %sub3A = arith.constant 1 : i32
    %sub3A_0 = arith.subi %sub3A, %arg0 : i32
    %mul3A = arith.muli %arg1, %sub3A_0 : i32
    %c0_i32 = arith.constant 0 : i32
    %c0_i32_1 = arith.constant 0 : i32
    %c0_i32_2 = arith.constant 0 : i32
    return %c0_i32, %mul3A, %c0_i32_1 : i32, i32, i32
  }
  func.func @transform_3(%arg0: i32, %arg1: i32) -> (i32, i32) {
    %c0_i32 = arith.constant 0 : i32
    %c0_i32_0 = arith.constant 0 : i32
    %c0_i32_1 = arith.constant 0 : i32
    return %c0_i32, %c0_i32_0 : i32, i32
  }
  func.func @transform_4(%arg0: i32, %arg1: i32) -> (i32, i32) {
    %c0_i32 = arith.constant 0 : i32
    %c0_i32_0 = arith.constant 0 : i32
    %c0_i32_1 = arith.constant 0 : i32
    return %c0_i32, %c0_i32_0 : i32, i32
  }
  func.func @transform_5(%arg0: i32, %arg1: i32) -> (i32, i32) {
    %c0_i32 = arith.constant 0 : i32
    %c0_i32_0 = arith.constant 0 : i32
    %c0_i32_1 = arith.constant 0 : i32
    return %c0_i32, %c0_i32_0 : i32, i32
  }
  func.func @transform_6(%arg0: i32, %arg1: i32) -> (i32, i32) {
    %c0_i32 = arith.constant 0 : i32
    %c0_i32_0 = arith.constant 0 : i32
    %c0_i32_1 = arith.constant 0 : i32
    return %c0_i32, %c0_i32_0 : i32, i32
  }
  func.func @transform_7(%arg0: i32, %arg1: i32) -> (i32, i32) {
    %mul3A = arith.muli %arg1, %arg0 : i32
    %c0_i32 = arith.constant 0 : i32
    %c0_i32_0 = arith.constant 0 : i32
    return %mul3A, %c0_i32 : i32, i32
  }
}

module attributes {stable_mosaic.version = 14 : i64} {
  func.func @_tc_layer2_body(%arg0: i32, %arg1: i32, %arg2: memref<2000x1xi32, #tpu.memory_space<vmem>>, %arg3: memref<2000x128xf32, #tpu.memory_space<vmem>>, %arg4: memref<2x2000x128xf32, #tpu.memory_space<vmem>>, %arg5: memref<128x128xf32, #tpu.memory_space<vmem>>, %arg6: memref<1x128xf32, #tpu.memory_space<vmem>>, %arg7: memref<1x128xf32, #tpu.memory_space<vmem>>, %arg8: memref<1x128xf32, #tpu.memory_space<vmem>>, %arg9: memref<128x12xf32, #tpu.memory_space<vmem>>, %arg10: memref<1x12xf32, #tpu.memory_space<vmem>>, %arg11: memref<1x12xf32, #tpu.memory_space<vmem>>, %arg12: memref<2x128xf32, #tpu.memory_space<vmem>>, %arg13: memref<10000x128xf32, #tpu.memory_space<vmem>>, %arg14: memref<1x128xf32, #tpu.memory_space<vmem>>) attributes {dimension_semantics = [#tpu.dimension_semantics<arbitrary>, #tpu.dimension_semantics<arbitrary>], iteration_bounds = array<i64: 2, 5>, scalar_prefetch = 0 : i64, scratch_operands = 3 : i64, tpu.core_type = #tpu.core_type<tc>, window_params = [{transform_indices = @transform_0, window_bounds = array<i64: 2000, 1>}, {transform_indices = @transform_1, window_bounds = array<i64: 2000, 128>}, {transform_indices = @transform_2, window_bounds = array<i64: 2, 2000, 128>}, {pipeline_mode = #tpu.pipeline_mode<synchronous>, transform_indices = @transform_3, window_bounds = array<i64: 128, 128>}, {pipeline_mode = #tpu.pipeline_mode<synchronous>, transform_indices = @transform_4, window_bounds = array<i64: 1, 128>}, {pipeline_mode = #tpu.pipeline_mode<synchronous>, transform_indices = @transform_5, window_bounds = array<i64: 1, 128>}, {pipeline_mode = #tpu.pipeline_mode<synchronous>, transform_indices = @transform_6, window_bounds = array<i64: 1, 128>}, {pipeline_mode = #tpu.pipeline_mode<synchronous>, transform_indices = @transform_7, window_bounds = array<i64: 128, 12>}, {pipeline_mode = #tpu.pipeline_mode<synchronous>, transform_indices = @transform_8, window_bounds = array<i64: 1, 12>}, {pipeline_mode = #tpu.pipeline_mode<synchronous>, transform_indices = @transform_9, window_bounds = array<i64: 1, 12>}]} {
    %eq3A = arith.constant 0 : i32
    %eq3A_0 = arith.cmpi eq, %arg0, %eq3A : i32
    %convert_element_type3A = arith.extui %eq3A_0 : i1 to i32
    %cond3A = arith.constant 0 : i32
    %cond3A_1 = arith.cmpi ne, %convert_element_type3A, %cond3A : i32
    scf.if %cond3A_1 {
      %get3A = arith.constant 0 : index
      %get3A_7 = arith.constant 0 : index
      %get3A_8 = vector.load %arg2[%get3A, %get3A_7] : memref<2000x1xi32, #tpu.memory_space<vmem>>, vector<2000x1xi32>
      %max3A = arith.constant 1 : i32
      %max3A_9 = vector.broadcast %max3A : i32 to vector<2000x1xi32>
      %max3A_10 = arith.maxsi %get3A_8, %max3A_9 : vector<2000x1xi32>
      %convert_element_type3A_11 = arith.sitofp %max3A_10 : vector<2000x1xi32> to vector<2000x1xf32>
      %div3A = arith.constant 1.000000e+00 : f32
      %div3A_12 = vector.broadcast %div3A : f32 to vector<2000x1xf32>
      %div3A_13 = arith.divf %div3A_12, %convert_element_type3A_11 : vector<2000x1xf32>
      %get3A_14 = arith.constant 0 : index
      %get3A_15 = arith.constant 0 : index
      %get3A_16 = arith.constant 0 : index
      %get3A_17 = vector.load %arg4[%get3A_14, %get3A_15, %get3A_16] : memref<2x2000x128xf32, #tpu.memory_space<vmem>>, vector<1x2000x128xf32>
      %get3A_18 = vector.shape_cast %get3A_17 : vector<1x2000x128xf32> to vector<2000x128xf32>
      %get3A_19 = arith.constant 1 : index
      %get3A_20 = arith.constant 0 : index
      %get3A_21 = arith.constant 0 : index
      %get3A_22 = vector.load %arg4[%get3A_19, %get3A_20, %get3A_21] : memref<2x2000x128xf32, #tpu.memory_space<vmem>>, vector<1x2000x128xf32>
      %get3A_23 = vector.shape_cast %get3A_22 : vector<1x2000x128xf32> to vector<2000x128xf32>
      %add3A = arith.addf %get3A_18, %get3A_23 : vector<2000x128xf32>
      %mul3A = vector.broadcast %div3A_13 : vector<2000x1xf32> to vector<2000x128xf32>
      %mul3A_24 = arith.mulf %add3A, %mul3A : vector<2000x128xf32>
      %get3A_25 = arith.constant 0 : index
      %get3A_26 = arith.constant 0 : index
      %get3A_27 = vector.load %arg3[%get3A_25, %get3A_26] : memref<2000x128xf32, #tpu.memory_space<vmem>>, vector<2000x128xf32>
      %get3A_28 = arith.constant 0 : index
      %get3A_29 = arith.constant 0 : index
      %get3A_30 = vector.load %arg5[%get3A_28, %get3A_29] : memref<128x128xf32, #tpu.memory_space<vmem>>, vector<128x128xf32>
      %dot_general3A = arith.constant dense<0.000000e+00> : vector<2000x128xf32>
      %dot_general3A_31 = tpu.matmul %mul3A_24, %get3A_30, %dot_general3A {dimension_numbers = #tpu.dot_dimension_numbers<[1], [0], [0], [1], [0, 0, 1, 1], [], []>, transpose_lhs_hint = false} : vector<2000x128xf32>, vector<128x128xf32>, vector<2000x128xf32> -> vector<2000x128xf32>
      %add3A_32 = arith.addf %get3A_27, %dot_general3A_31 : vector<2000x128xf32>
      %get3A_33 = arith.constant 0 : index
      %get3A_34 = arith.constant 0 : index
      %get3A_35 = vector.load %arg6[%get3A_33, %get3A_34] : memref<1x128xf32, #tpu.memory_space<vmem>>, vector<1x128xf32>
      %add3A_36 = vector.broadcast %get3A_35 : vector<1x128xf32> to vector<2000x128xf32>
      %add3A_37 = arith.addf %add3A_32, %add3A_36 : vector<2000x128xf32>
      %mul3A_38 = arith.constant 2000 : i32
      %mul3A_39 = arith.muli %arg1, %mul3A_38 : i32
      %swap3A = arith.index_cast %mul3A_39 : i32 to index
      %swap3A_40 = arith.constant 0 : index
      %swap3A_41 = vector.load %arg13[%swap3A, %swap3A_40] : memref<10000x128xf32, #tpu.memory_space<vmem>>, vector<2000x128xf32>
      tpu.vector_store %arg13[%swap3A, %swap3A_40], %add3A_37 {strides = array<i32>} : memref<10000x128xf32, #tpu.memory_space<vmem>>, vector<2000x128xf32>,
      %reduce_sum3A = arith.constant dense<0.000000e+00> : vector<128xf32>
      %reduce_sum3A_42 = vector.multi_reduction <add>, %add3A_37, %reduce_sum3A [0] : vector<2000x128xf32> to vector<128xf32>
      %broadcast_in_dim3A = vector.shape_cast %reduce_sum3A_42 : vector<128xf32> to vector<1x128xf32>
      %mul3A_43 = arith.mulf %add3A_37, %add3A_37 : vector<2000x128xf32>
      %reduce_sum3A_44 = arith.constant dense<0.000000e+00> : vector<128xf32>
      %reduce_sum3A_45 = vector.multi_reduction <add>, %mul3A_43, %reduce_sum3A_44 [0] : vector<2000x128xf32> to vector<128xf32>
      %broadcast_in_dim3A_46 = vector.shape_cast %reduce_sum3A_45 : vector<128xf32> to vector<1x128xf32>
      %concatenate3A = tpu.concatenate %broadcast_in_dim3A, %broadcast_in_dim3A_46 in 0 : vector<1x128xf32>, vector<1x128xf32> -> vector<2x128xf32>
      %eq3A_47 = arith.constant 0 : i32
      %eq3A_48 = arith.cmpi eq, %arg1, %eq3A_47 : i32
      %convert_element_type3A_49 = arith.extui %eq3A_48 : i1 to i32
      %cond3A_50 = arith.constant 0 : i32
      %cond3A_51 = arith.cmpi ne, %convert_element_type3A_49, %cond3A_50 : i32
      scf.if %cond3A_51 {
        %swap3A_56 = arith.constant 0 : index
        %swap3A_57 = arith.constant 0 : index
        %swap3A_58 = vector.load %arg12[%swap3A_56, %swap3A_57] : memref<2x128xf32, #tpu.memory_space<vmem>>, vector<2x128xf32>
        tpu.vector_store %arg12[%swap3A_56, %swap3A_57], %concatenate3A {strides = array<i32>} : memref<2x128xf32, #tpu.memory_space<vmem>>, vector<2x128xf32>,
      } else {
      }
      %gt3A = arith.constant 0 : i32
      %gt3A_52 = arith.cmpi sgt, %arg1, %gt3A : i32
      %convert_element_type3A_53 = arith.extui %gt3A_52 : i1 to i32
      %cond3A_54 = arith.constant 0 : i32
      %cond3A_55 = arith.cmpi ne, %convert_element_type3A_53, %cond3A_54 : i32
      scf.if %cond3A_55 {
        %get3A_56 = arith.constant 0 : index
        %get3A_57 = arith.constant 0 : index
        %get3A_58 = vector.load %arg12[%get3A_56, %get3A_57] : memref<2x128xf32, #tpu.memory_space<vmem>>, vector<2x128xf32>
        %add3A_59 = arith.addf %get3A_58, %concatenate3A : vector<2x128xf32>
        %swap3A_60 = arith.constant 0 : index
        %swap3A_61 = arith.constant 0 : index
        %swap3A_62 = vector.load %arg12[%swap3A_60, %swap3A_61] : memref<2x128xf32, #tpu.memory_space<vmem>>, vector<2x128xf32>
        tpu.vector_store %arg12[%swap3A_60, %swap3A_61], %add3A_59 {strides = array<i32>} : memref<2x128xf32, #tpu.memory_space<vmem>>, vector<2x128xf32>,
      } else {
      }
    } else {
    }
    %eq3A_2 = arith.constant 1 : i32
    %eq3A_3 = arith.cmpi eq, %arg0, %eq3A_2 : i32
    %convert_element_type3A_4 = arith.extui %eq3A_3 : i1 to i32
    %cond3A_5 = arith.constant 0 : i32
    %cond3A_6 = arith.cmpi ne, %convert_element_type3A_4, %cond3A_5 : i32
    scf.if %cond3A_6 {
      %get3A = arith.constant 0 : index
      %get3A_7 = arith.constant 0 : index
      %get3A_8 = vector.load %arg12[%get3A, %get3A_7] : memref<2x128xf32, #tpu.memory_space<vmem>>, vector<1x128xf32>
      %mul3A = arith.constant 9.99999974E-5 : f32
      %mul3A_9 = vector.broadcast %mul3A : f32 to vector<1x128xf32>
      %mul3A_10 = arith.mulf %get3A_8, %mul3A_9 : vector<1x128xf32>
      %get3A_11 = arith.constant 1 : index
      %get3A_12 = arith.constant 0 : index
      %get3A_13 = vector.load %arg12[%get3A_11, %get3A_12] : memref<2x128xf32, #tpu.memory_space<vmem>>, vector<1x128xf32>
      %mul3A_14 = arith.constant 9.99999974E-5 : f32
      %mul3A_15 = vector.broadcast %mul3A_14 : f32 to vector<1x128xf32>
      %mul3A_16 = arith.mulf %get3A_13, %mul3A_15 : vector<1x128xf32>
      %mul3A_17 = arith.mulf %mul3A_10, %mul3A_10 : vector<1x128xf32>
      %sub3A = arith.subf %mul3A_16, %mul3A_17 : vector<1x128xf32>
      %add3A = arith.constant 9.99999974E-6 : f32
      %add3A_18 = vector.broadcast %add3A : f32 to vector<1x128xf32>
      %add3A_19 = arith.addf %sub3A, %add3A_18 : vector<1x128xf32>
      %rsqrt3A = math.rsqrt %add3A_19 : vector<1x128xf32>
      %get3A_20 = arith.constant 0 : index
      %get3A_21 = arith.constant 0 : index
      %get3A_22 = vector.load %arg7[%get3A_20, %get3A_21] : memref<1x128xf32, #tpu.memory_space<vmem>>, vector<1x128xf32>
      %mul3A_23 = arith.mulf %rsqrt3A, %get3A_22 : vector<1x128xf32>
      %mul3A_24 = arith.constant 2000 : i32
      %mul3A_25 = arith.muli %arg1, %mul3A_24 : i32
      %get3A_26 = arith.index_cast %mul3A_25 : i32 to index
      %get3A_27 = arith.constant 0 : index
      %get3A_28 = vector.load %arg13[%get3A_26, %get3A_27] : memref<10000x128xf32, #tpu.memory_space<vmem>>, vector<2000x128xf32>
      %sub3A_29 = vector.broadcast %mul3A_10 : vector<1x128xf32> to vector<2000x128xf32>
      %sub3A_30 = arith.subf %get3A_28, %sub3A_29 : vector<2000x128xf32>
      %mul3A_31 = vector.broadcast %mul3A_23 : vector<1x128xf32> to vector<2000x128xf32>
      %mul3A_32 = arith.mulf %sub3A_30, %mul3A_31 : vector<2000x128xf32>
      %get3A_33 = arith.constant 0 : index
      %get3A_34 = arith.constant 0 : index
      %get3A_35 = vector.load %arg8[%get3A_33, %get3A_34] : memref<1x128xf32, #tpu.memory_space<vmem>>, vector<1x128xf32>
      %add3A_36 = vector.broadcast %get3A_35 : vector<1x128xf32> to vector<2000x128xf32>
      %add3A_37 = arith.addf %mul3A_32, %add3A_36 : vector<2000x128xf32>
      %max3A = arith.constant 0.000000e+00 : f32
      %max3A_38 = vector.broadcast %max3A : f32 to vector<2000x128xf32>
      %max3A_39 = arith.maximumf %add3A_37, %max3A_38 : vector<2000x128xf32>
      %reduce_sum3A = arith.constant dense<0.000000e+00> : vector<128xf32>
      %reduce_sum3A_40 = vector.multi_reduction <add>, %max3A_39, %reduce_sum3A [0] : vector<2000x128xf32> to vector<128xf32>
      %broadcast_in_dim3A = vector.shape_cast %reduce_sum3A_40 : vector<128xf32> to vector<1x128xf32>
      %eq3A_41 = arith.constant 0 : i32
      %eq3A_42 = arith.cmpi eq, %arg1, %eq3A_41 : i32
      %convert_element_type3A_43 = arith.extui %eq3A_42 : i1 to i32
      %cond3A_44 = arith.constant 0 : i32
      %cond3A_45 = arith.cmpi ne, %convert_element_type3A_43, %cond3A_44 : i32
      scf.if %cond3A_45 {
        %swap3A = arith.constant 0 : index
        %swap3A_55 = arith.constant 0 : index
        %swap3A_56 = vector.load %arg14[%swap3A, %swap3A_55] : memref<1x128xf32, #tpu.memory_space<vmem>>, vector<1x128xf32>
        tpu.vector_store %arg14[%swap3A, %swap3A_55], %broadcast_in_dim3A {strides = array<i32>} : memref<1x128xf32, #tpu.memory_space<vmem>>, vector<1x128xf32>,
      } else {
      }
      %gt3A = arith.constant 0 : i32
      %gt3A_46 = arith.cmpi sgt, %arg1, %gt3A : i32
      %convert_element_type3A_47 = arith.extui %gt3A_46 : i1 to i32
      %cond3A_48 = arith.constant 0 : i32
      %cond3A_49 = arith.cmpi ne, %convert_element_type3A_47, %cond3A_48 : i32
      scf.if %cond3A_49 {
        %get3A_55 = arith.constant 0 : index
        %get3A_56 = arith.constant 0 : index
        %get3A_57 = vector.load %arg14[%get3A_55, %get3A_56] : memref<1x128xf32, #tpu.memory_space<vmem>>, vector<1x128xf32>
        %add3A_58 = arith.addf %get3A_57, %broadcast_in_dim3A : vector<1x128xf32>
        %swap3A = arith.constant 0 : index
        %swap3A_59 = arith.constant 0 : index
        %swap3A_60 = vector.load %arg14[%swap3A, %swap3A_59] : memref<1x128xf32, #tpu.memory_space<vmem>>, vector<1x128xf32>
        tpu.vector_store %arg14[%swap3A, %swap3A_59], %add3A_58 {strides = array<i32>} : memref<1x128xf32, #tpu.memory_space<vmem>>, vector<1x128xf32>,
      } else {
      }
      %eq3A_50 = arith.constant 4 : i32
      %eq3A_51 = arith.cmpi eq, %arg1, %eq3A_50 : i32
      %convert_element_type3A_52 = arith.extui %eq3A_51 : i1 to i32
      %cond3A_53 = arith.constant 0 : i32
      %cond3A_54 = arith.cmpi ne, %convert_element_type3A_52, %cond3A_53 : i32
      scf.if %cond3A_54 {
        %get3A_55 = arith.constant 0 : index
        %get3A_56 = arith.constant 0 : index
        %get3A_57 = vector.load %arg14[%get3A_55, %get3A_56] : memref<1x128xf32, #tpu.memory_space<vmem>>, vector<1x128xf32>
        %mul3A_58 = arith.constant 9.99999974E-5 : f32
        %mul3A_59 = vector.broadcast %mul3A_58 : f32 to vector<1x128xf32>
        %mul3A_60 = arith.mulf %get3A_57, %mul3A_59 : vector<1x128xf32>
        %get3A_61 = arith.constant 0 : index
        %get3A_62 = arith.constant 0 : index
        %get3A_63 = vector.load %arg9[%get3A_61, %get3A_62] : memref<128x12xf32, #tpu.memory_space<vmem>>, vector<128x12xf32>
        %dot_general3A = arith.constant dense<0.000000e+00> : vector<1x12xf32>
        %dot_general3A_64 = tpu.matmul %mul3A_60, %get3A_63, %dot_general3A {dimension_numbers = #tpu.dot_dimension_numbers<[1], [0], [0], [1], [0, 0, 1, 1], [], []>, transpose_lhs_hint = false} : vector<1x128xf32>, vector<128x12xf32>, vector<1x12xf32> -> vector<1x12xf32>
        %get3A_65 = arith.constant 0 : index
        %get3A_66 = arith.constant 0 : index
        %get3A_67 = vector.load %arg10[%get3A_65, %get3A_66] : memref<1x12xf32, #tpu.memory_space<vmem>>, vector<1x12xf32>
        %add3A_68 = arith.addf %dot_general3A_64, %get3A_67 : vector<1x12xf32>
        %swap3A = arith.constant 0 : index
        %swap3A_69 = arith.constant 0 : index
        %swap3A_70 = vector.load %arg11[%swap3A, %swap3A_69] : memref<1x12xf32, #tpu.memory_space<vmem>>, vector<1x12xf32>
        tpu.vector_store %arg11[%swap3A, %swap3A_69], %add3A_68 {strides = array<i32>} : memref<1x12xf32, #tpu.memory_space<vmem>>, vector<1x12xf32>,
      } else {
      }
    } else {
    }
    return
  }
  func.func @transform_0(%arg0: i32, %arg1: i32) -> (i32, i32) {
    %sub3A = arith.constant 1 : i32
    %sub3A_0 = arith.subi %sub3A, %arg0 : i32
    %mul3A = arith.muli %arg1, %sub3A_0 : i32
    %c0_i32 = arith.constant 0 : i32
    %c0_i32_1 = arith.constant 0 : i32
    return %mul3A, %c0_i32 : i32, i32
  }
  func.func @transform_1(%arg0: i32, %arg1: i32) -> (i32, i32) {
    %sub3A = arith.constant 1 : i32
    %sub3A_0 = arith.subi %sub3A, %arg0 : i32
    %mul3A = arith.muli %arg1, %sub3A_0 : i32
    %c0_i32 = arith.constant 0 : i32
    %c0_i32_1 = arith.constant 0 : i32
    return %mul3A, %c0_i32 : i32, i32
  }
  func.func @transform_2(%arg0: i32, %arg1: i32) -> (i32, i32, i32) {
    %sub3A = arith.constant 1 : i32
    %sub3A_0 = arith.subi %sub3A, %arg0 : i32
    %mul3A = arith.muli %arg1, %sub3A_0 : i32
    %c0_i32 = arith.constant 0 : i32
    %c0_i32_1 = arith.constant 0 : i32
    %c0_i32_2 = arith.constant 0 : i32
    return %c0_i32, %mul3A, %c0_i32_1 : i32, i32, i32
  }
  func.func @transform_3(%arg0: i32, %arg1: i32) -> (i32, i32) {
    %c0_i32 = arith.constant 0 : i32
    %c0_i32_0 = arith.constant 0 : i32
    %c0_i32_1 = arith.constant 0 : i32
    return %c0_i32, %c0_i32_0 : i32, i32
  }
  func.func @transform_4(%arg0: i32, %arg1: i32) -> (i32, i32) {
    %c0_i32 = arith.constant 0 : i32
    %c0_i32_0 = arith.constant 0 : i32
    %c0_i32_1 = arith.constant 0 : i32
    return %c0_i32, %c0_i32_0 : i32, i32
  }
  func.func @transform_5(%arg0: i32, %arg1: i32) -> (i32, i32) {
    %c0_i32 = arith.constant 0 : i32
    %c0_i32_0 = arith.constant 0 : i32
    %c0_i32_1 = arith.constant 0 : i32
    return %c0_i32, %c0_i32_0 : i32, i32
  }
  func.func @transform_6(%arg0: i32, %arg1: i32) -> (i32, i32) {
    %c0_i32 = arith.constant 0 : i32
    %c0_i32_0 = arith.constant 0 : i32
    %c0_i32_1 = arith.constant 0 : i32
    return %c0_i32, %c0_i32_0 : i32, i32
  }
  func.func @transform_7(%arg0: i32, %arg1: i32) -> (i32, i32) {
    %c0_i32 = arith.constant 0 : i32
    %c0_i32_0 = arith.constant 0 : i32
    %c0_i32_1 = arith.constant 0 : i32
    return %c0_i32, %c0_i32_0 : i32, i32
  }
  func.func @transform_8(%arg0: i32, %arg1: i32) -> (i32, i32) {
    %c0_i32 = arith.constant 0 : i32
    %c0_i32_0 = arith.constant 0 : i32
    %c0_i32_1 = arith.constant 0 : i32
    return %c0_i32, %c0_i32_0 : i32, i32
  }
  func.func @transform_9(%arg0: i32, %arg1: i32) -> (i32, i32) {
    %c0_i32 = arith.constant 0 : i32
    %c0_i32_0 = arith.constant 0 : i32
    %c0_i32_1 = arith.constant 0 : i32
    return %c0_i32, %c0_i32_0 : i32, i32
  }
}

</mosaic_0001>

<sc_bundles>
// kernel: kernel.11.cloned.1.call-start
scs
__scs_entry_jumppad:
0x0: {  	(pc) =	sbr.rel $0x88, $3  }
0x1: {  	(tag) =	ssettag $0x0;
	lr =	simm.s32 $0x1  }
0x2: {  	[smem:$0x3F92] =	sst lr;
	_ =	strace $0xD0000000  }
0x3: {  	_ = 	snop  }
0x4: {  	_ = 	snop  }
0x5: {  	_ = 	snop  }
0x6: {  	_ = 	snop  }
0x7: {  	_ = 	snop  }
__scs_overlays_trampoline_lowered:
0x8: {  	[smem:$0x3FA1] =	sst s0  }
0x9: {  	[smem:$0x3FA2] =	sst s1  }
0xa: {  	[smem:$0x3FA3] =	sst s2  }
0xb: {  	[smem:$0x3FA4] =	sst s3  }
0xc: {  	[smem:$0x3FA5] =	sst s4  }
0xd: {  	[smem:$0x3FA6] =	sst s5  }
0xe: {  	[smem:$0x3FA7] =	sst s6  }
0xf: {  	[smem:$0x3FA8] =	sst s7  }
0x10: {  	[smem:$0x3FA9] =	sst s8  }
0x11: {  	[smem:$0x3FAA] =	sst s9;
	s0 =	simm.s32 @!p0 $0x0  }
0x12: {  	s1 =	sld [smem:$0x3F90];
	s0 =	simm.s32 @p0 $0x1  }
0x13: {  	[smem:$0x3FAB] =	sst s0;
	s0 =	simm.s32 @!p1 $0x0  }
0x14: {  	s2 =	sld [smem:$0x3F8F];
	s0 =	simm.s32 @p1 $0x1  }
0x15: {  	[smem:$0x3FAC] =	sst s0;
	s0 =	simm.s32 @!p2 $0x0  }
0x16: {  	s3 =	sld [smem:$0x3FDB];
	s0 =	simm.s32 @p2 $0x1  }
0x17: {  	s4 =	simm.s32 $0x1BF5;
	[smem:$0x3FAE] =	sst s0  }
0x18: {  	s0 =	sld [smem:$0x3F91];
	_ =	swait.ge [sflag:s4], $0x0  }
0x19: {  	s7 =	sld [smem:$0x3F92]  }
0x1a: {  	s8 =	sadd.s32 $0xFFFFE003, lr  }
0x1b: {  	s9 =	sadd.s32 $0xFFFFFEF7, lr;
	s5 =	simm.s32 $0xFFFFFFFF;
	p2 =	slt.u32 s8, $0xFFFFF086  }
0x1c: {  	p1 =	slt.u32 s9, $0xF7A;
	s5 =	simm.s32 @!p2 $0x0  }
0x1d: {  	s5 =	simm.s32 @p1 $0x1;
	p0 =	seq.s32 s7, s2  }
0x1e: {  	s7 =	smul.u32 @!p0 $0xF7A, s2;
	p2 =	seq.s32 @!p0 s5, $0x0  }
0x1f: {  	s9 =	smul.u32 $0xF7A, s1;
	s8 =	simm.s32 @!p0 $0x1BF5;
	p2 =	por !p2, p0  }
0x20: {  	[sflag:s8] =	ssyncset.s32 @!p0 $0xFFFFF086;
	s6 =	sadd.s32 @!p0 s3, s7;
	s7 =	simm.s32 @!p0 $0x108  }
0x21: {  	s3 =	sadd.s32 s3, s9;
	s6 =	sadd.s32 @!p0 $0x88, s6;
	s7 =	simm.s32 @p2 $0x1082  }
0x22: {  	[simem:s7], [sflag:s8] =	dma.local @!p0 [hbm:s6], $0xF7A  }
0x23: {  	s9 =	sor.u32 $0xD0000000, s2;
	s6 =	simm.s32 $0x108;
	_ =	swait.ge @!p0 [sflag:s8], $0x0  }
0x24: {  	s3 =	sadd.s32 $0x88, s3;
	s6 =	simm.s32 @!p1 $0x1082;
	[sflag:s4] =	ssyncset.s32 $0xFFFFF086  }
0x25: {  	[simem:s6], [sflag:s4] =	dma.local [hbm:s3], $0xF7A  }
0x26: {  	[smem:$0x3F92] =	sst s1;
	(tag) =	ssettag s2;
	_ =	strace s9  }
0x27: {  	s1 =	sld [smem:$0x3FA2]  }
0x28: {  	s2 =	sld [smem:$0x3FA3]  }
0x29: {  	s4 =	sld [smem:$0x3FA5]  }
0x2a: {  	p0 =	seq.s32 s5, $0x0;
	s5 =	sld [smem:$0x3FA6]  }
0x2b: {  	s6 =	sld [smem:$0x3FA7]  }
0x2c: {  	s7 =	sld [smem:$0x3FA8]  }
0x2d: {  	s3 =	simm.s32 $0x108;
	s8 =	sld [smem:$0x3FA9]  }
0x2e: {  	s3 =	simm.s32 @!p0 $0x1082;
	s9 =	sld [smem:$0x3FAA]  }
0x2f: {  	lr =	sadd.s32 s0, s3;
	s0 =	sld [smem:$0x3FA1]  }
0x30: {  	s3 =	sld [smem:$0x3FA4]  }
0x31: {  	[smem:$0x3FAD] =	sst s10  }
0x32: {  	s10 =	sld [smem:$0x3FAB];
	_ =	sdelay $0x3  }
0x33: {  	p0 =	seq.s32 s10, $0x1;
	s10 =	sld [smem:$0x3FAD];
	_ =	sdelay $0x3  }
0x34: {  	[smem:$0x3FAD] =	sst s10  }
0x35: {  	s10 =	sld [smem:$0x3FAC];
	_ =	sdelay $0x3  }
0x36: {  	p1 =	seq.s32 s10, $0x1;
	s10 =	sld [smem:$0x3FAD];
	_ =	sdelay $0x3  }
0x37: {  	[smem:$0x3FAD] =	sst s10  }
0x38: {  	s10 =	sld [smem:$0x3FAE]  }
0x39: {  	_ = 	snop;
	(pc) =	sbr.ind lr, $3  }
0x3a: {  	_ = 	snop  }
0x3b: {  	_ = 	snop  }
0x3c: {  	p2 =	seq.s32 s10, $0x1;
	s10 =	sld [smem:$0x3FAD]  }
0x3d: {  	_ =	shalt  }
0x3e: {  	_ =	shalt  }
0x3f: {  	_ =	shalt  }
0x40: {  	_ =	shalt  }
0x41: {  	_ =	shalt  }
0x42: {  	_ =	shalt  }
0x43: {  	_ =	shalt  }
0x44: {  	_ =	shalt  }
0x45: {  	_ =	shalt  }
0x46: {  	_ =	shalt  }
0x47: {  	_ =	shalt  }
0x48: {  	_ =	shalt  }
0x49: {  	_ =	shalt  }
0x4a: {  	_ =	shalt  }
0x4b: {  	_ =	shalt  }
0x4c: {  	_ =	shalt  }
0x4d: {  	_ =	shalt  }
0x4e: {  	_ =	shalt  }
0x4f: {  	_ =	shalt  }
0x50: {  	_ =	shalt  }
0x51: {  	_ =	shalt  }
0x52: {  	_ =	shalt  }
0x53: {  	_ =	shalt  }
0x54: {  	_ =	shalt  }
0x55: {  	_ =	shalt  }
0x56: {  	_ =	shalt  }
0x57: {  	_ =	shalt  }
0x58: {  	_ =	shalt  }
0x59: {  	_ =	shalt  }
0x5a: {  	_ =	shalt  }
0x5b: {  	_ =	shalt  }
0x5c: {  	_ =	shalt  }
0x5d: {  	_ =	shalt  }
0x5e: {  	_ =	shalt  }
0x5f: {  	_ =	shalt  }
0x60: {  	_ =	shalt  }
0x61: {  	_ =	shalt  }
0x62: {  	_ =	shalt  }
0x63: {  	_ =	shalt  }
0x64: {  	_ =	shalt  }
0x65: {  	_ =	shalt  }
0x66: {  	_ =	shalt  }
0x67: {  	_ =	shalt  }
0x68: {  	_ =	shalt  }
0x69: {  	_ =	shalt  }
0x6a: {  	_ =	shalt  }
0x6b: {  	_ =	shalt  }
0x6c: {  	_ =	shalt  }
0x6d: {  	_ =	shalt  }
0x6e: {  	_ =	shalt  }
0x6f: {  	_ =	shalt  }
0x70: {  	_ =	shalt  }
0x71: {  	_ =	shalt  }
0x72: {  	_ =	shalt  }
0x73: {  	_ =	shalt  }
0x74: {  	_ =	shalt  }
0x75: {  	_ =	shalt  }
0x76: {  	_ =	shalt  }
0x77: {  	_ =	shalt  }
0x78: {  	_ =	shalt  }
0x79: {  	_ =	shalt  }
0x7a: {  	_ =	shalt  }
0x7b: {  	_ =	shalt  }
0x7c: {  	_ =	shalt  }
0x7d: {  	_ =	shalt  }
0x7e: {  	_ =	shalt  }
0x7f: {  	_ =	shalt  }
0x80: {  	_ =	shalt  }
0x81: {  	_ =	shalt  }
0x82: {  	_ =	shalt  }
0x83: {  	_ =	shalt  }
0x84: {  	_ =	shalt  }
0x85: {  	_ =	shalt  }
0x86: {  	_ =	shalt  }
0x87: {  	_ =	shalt  }
.Lfunc_end0:
.L_simem_size_0:
called_computation.1_lowered:
.L_overlay_start_0:
0x88: {  	s2 =	sld [smem:$0x3FD9]  }
0x89: {  	s3 =	sld [smem:$0x3FFE];
	_ =	sdelay $0x1  }
0x8a: {  	s1 =	srdreg.scid  }
0x8b: {  	s0 =	sand.u32 $0x1, s1  }
0x8c: {  	s16 =	sshll.u32 s0, $0xA;
	s2 =	sadd.s32 s3, s2  }
0x8d: {  	s2 =	sadd.s32 s2, s16  }
0x8e: {  	[smem:$0x3FB9] =	sst s2  }
0x8f: {  	_ = 	snop  }
0x90: {  	(tm) =	ssettm $0x1  }
0x91: {  	s17 =	sld [smem:$0x3FFB];
	_ =	sdelay $0x3  }
0x92: {  	_ =	strace s17  }
0x93: {  	s2 =	sld [smem:$0x3FFC];
	_ =	sdelay $0x3  }
0x94: {  	_ =	strace s2  }
0x95: {  	s2 =	sld [smem:$0x3FFD];
	_ =	sdelay $0x3  }
0x96: {  	_ =	strace s2  }
0x97: {  	_ =	strace $0x8FFFFFFF  }
0x98: {  	s18 =	sld [smem:$0x3FDB];
	_ =	sdelay $0x1  }
0x99: {  	s19 =	simm.s32 $_scs_section_size  }
0x9a: {  	s4 =	simm.s32 $_size__tile_overlayer_lowered;
	s5 =	simm.s32 $_tile_overlayer_lowered  }
0x9b: {  	s22 =	simm.s32 $0x1BFF;
	s21 =	sshll.u32 s5, $0x1;
	s2 =	sadd.s32 s19, s18  }
0x9c: {  	s6 =	simm.s32 $0x0;
	s20 =	sshll.u32 s4, $0x1;
	s4 =	sadd.s32 s21, s2  }
0x9d: {  	[timem:s6], [sflag:s22] =	dma.local [hbm:s4], s20  }
0x9e: {  	_ =	swait.ge [sflag:s22], s20  }
0x9f: {  	s3 =	ssub.s32 $0x0, s20;
	[sflag:s22] =	ssyncset.done $0x0  }
0xa0: {  	[sflag:s22] =	ssyncadd.s32 s3;
	_ =	sdelay $0x1  }
0xa1: {  	s23 =	simm.s32 $0x1B8B  }
0xa2: {  	_ =	swait.ge [sflag:s23], $0x1  }
0xa3: {  	[sflag:s23] =	ssyncset.done $0x0  }
0xa4: {  	s25 =	simm.s32 $0x1B8E;
	s24 =	sld [smem:$0x3FFE];
	[sflag:s23] =	ssyncadd.s32 $0xFFFFFFFF  }
0xa5: {  	s26 =	simm.s32 $execute0_lowered;
	[smem:$0x3FD2] =	sst s25  }
0xa6: {  	s4 =	sshll.u32 s26, $0x1;
	_ =	strace $0x80000049;
	[dreg:$0x1] =	wrdreg $0xFFFFFFFF  }
0xa7: {  	s28 =	simm.s32 $_size_execute0_lowered;
	s2 =	sadd.s32 s2, s4;
	[dreg:$0x0] =	wrdreg $0x0  }
0xa8: {  	s4 =	sshll.u32 s28, $0x1;
	[dreg:$0x2] =	wrdreg s2  }
0xa9: {  	[dreg:$0x3] =	wrdreg s4  }
0xaa: {  	[dreg:$0x4] =	wrdreg $0xC0  }
0xab: {  	_ =	task [dreg:s6], $0x5FFFF  }
0xac: {  	[dreg:$0x1] =	wrdreg $0xFFFFFFFF  }
0xad: {  	[dreg:$0x0] =	wrdreg $0x60  }
0xae: {  	[dreg:$0x2] =	wrdreg s24  }
0xaf: {  	[dreg:$0x3] =	wrdreg $0x0  }
0xb0: {  	[dreg:$0x4] =	wrdreg $0x9  }
0xb1: {  	_ =	task.clear_ibuf [dreg:s6], $0x5FFFF;
	_ =	strace $0x90000049  }
0xb2: {  	s29 =	simm.s32 $0x9;
	_ =	strace $0x8000004B  }
0xb3: {  	_ =	swait.ge [sflag:s29], $0x1  }
0xb4: {  	[sflag:s29] =	ssyncadd.s32 $0xFFFFFFFF  }
0xb5: {  	_ =	strace $0x9000004B  }
0xb6: {  	_ =	sfence  }
0xb7: {  	s30 =	sld [smem:$0x0];
	_ =	sdelay $0x2  }
0xb8: {  	s31 =	sshll.u32 s1, $0xD;
	s1 =	sshrl.u32 s1, $0x2  }
0xb9: {  	s3 =	sand.u32 $0x4000, s31;
	s1 =	sadd.s32 s1, s30  }
0xba: {  	s0 =	sor.u32 s3, s0;
	s1 =	sshll.u32 s1, $0x11  }
0xbb: {  	s0 =	sor.u32 s1, s0  }
0xbc: {  	s0 =	sadd.s32 $0x8F2B, s0  }
0xbd: {  	[sflag:s0] =	ssyncadd.remote.s32 $0x1  }
0xbe: {  	_ =	sfence.sel $0xFFFF  }
0xbf: {  	[dreg:$0x0] =	wrdreg $0xFFFFFFFF;
	(pc) =	sbr.abs _section_cstart, $3  }
0xc0: {  	[dreg:$0x1] =	wrdreg $0xFFFFFFFF  }
0xc1: {  	_ =	task.clear_ibuf [dreg:s6], $0x2FFFF;
	_ =	strace $0x9FFFFFFF  }
0xc2: {  	(tm) =	ssettm $0x7FFFFFFF  }
0xc3: {  	_ =	shalt  }
tec
execute0_lowered:
.L_overlay_start_1:
0x0: {  	(tag) =	ssettag $0x1  }
0x1: {  	s0 =	rddreg [dreg:$0x0]  }
0x2: {  	s1 =	rddreg [dreg:$0x1]  }
0x3: {  	s3 =	simm.s32 $0x0;
	s2 =	srdreg.scid;
	s11 =	stileid.u32  }
0x4: {  	s28 =	simm.s32 $0x6;
	s29 =	simm.s32 $0x7;
	s7 =	smul.u32 $0x14000, s11  }
0x5: {  	s30 =	simm.s32 $0x4;
	[smem:$0x7FF] =	sst s3;
	s22 =	smul.u32 $0x50000, s11  }
0x6: {  	s2 =	sand.u32 $0x1, s2;
	s4 =	sadd.s32 $0x1B800, s0;
	s24 =	smul.u32 $0x3200, s11  }
0x7: {  	s5 =	sadd.s32 $0x2800, s0;
	s6 =	smul.u32 $0x140000, s2;
	_ =	strace $0x8000004A  }
0x8: {  	s8 =	sshll.u32 s2, $0x4;
	s9 =	ssub.s32 $0x2, s2;
	s2 =	smul.u32 $0x32000, s2  }
0x9: {  	s8 =	sor.u32 s11, s8;
	s10 =	sshrl.u32 s9, $0x1;
	s26 =	sshrl.u32 s22, $0x2  }
0xa: {  	s7 =	sadd.s32 s7, s6;
	s8 =	smul.u32 $0x3200, s8;
	s6 =	sadd.s32 $0xF000, s0  }
0xb: {  	s19 =	ssub.s32 s9, s10;
	s31 =	sadd.s32 s24, s2;
	s7 =	sshrl.u32 s7, $0x3  }
0xc: {  	s10 =	smax.u32 s19, $0x1;
	s14 =	sadd.s32 $0x280, s31;
	s16 =	sor.u32 $0x180, s31  }
0xd: {  	s0 =	sadd.s32 s7, s0;
	s8 =	sshrl.u32 s8, $0x3;
	[dreg:$0xb] =	wrdreg s10  }
0xe: {  	s7 =	sshrl.u32 s14, $0x3;
	s17 =	sshrl.u32 s16, $0x3;
	s16 =	simm.s32 $0x2  }
0xf: {  	s14 =	simm.s32 $0x8;
	s20 =	sadd.s32 s5, s8;
	s21 =	sor.u32 $0x10, s8  }
0x10: {  	s12 =	sadd.s32 s6, s8;
	s8 =	sor.u32 $0x20, s8;
	[dreg:$0x3] =	wrdreg s20  }
0x11: {  	s0 =	sadd.s32 $0x42A00, s0;
	s22 =	sadd.s32 s7, s5;
	[dreg:$0x4] =	wrdreg s12  }
0x12: {  	s24 =	sadd.s32 s17, s6;
	s23 =	sadd.s32 s5, s21;
	[dreg:$0x9] =	wrdreg s0  }
0x13: {  	s9 =	sadd.s32 s6, s21;
	s25 =	sadd.s32 s5, s8;
	[dreg:$0x5] =	wrdreg s23  }
0x14: {  	s8 =	sadd.s32 s6, s8;
	s12 =	sadd.s32 $0x300, s31;
	[dreg:$0x6] =	wrdreg s9  }
0x15: {  	s21 =	sadd.s32 s7, s6;
	s0 =	sadd.s32 $0x200, s31;
	[dreg:$0x7] =	wrdreg s25  }
0x16: {  	s7 =	simm.s32 $0x14280;
	[dreg:$0x8] =	wrdreg s8;
	s8 =	sadd.s32 s26, s1  }
0x17: {  	s2 =	sshrl.u32 s12, $0x3;
	[dreg:$0xf] =	wrdreg s0;
	s25 =	sadd.s32 s17, s5  }
0x18: {  	s12 =	simm.s32 $0x14400;
	s11 =	sadd.s32 $0x2800, s8;
	[dreg:$0xa] =	wrdreg s8  }
0x19: {  	s17 =	simm.s32 $0x5;
	s13 =	sadd.s32 $0x5000, s8;
	[dreg:$0xc] =	wrdreg s11  }
0x1a: {  	s9 =	simm.s32 $0x0;
	s15 =	sadd.s32 $0x7800, s8;
	[dreg:$0xd] =	wrdreg s13  }
0x1b: {  	s19 =	sadd.s32 s2, s6;
	s18 =	sadd.s32 $0xA000, s8;
	[dreg:$0xe] =	wrdreg s15  }
.Ltmp0:
0x1c: {  	s23 =	sadd.s32 $0xC800, s8;
	[dreg:$0x10] =	wrdreg s18;
	(pc) =	sbr.rel .LBB2_1-.Ltmp0, $4  }
0x1d: {  	s20 =	sadd.s32 s2, s5;
	s26 =	sadd.s32 $0xF000, s8;
	[dreg:$0x11] =	wrdreg s23  }
0x1e: {  	s31 =	sadd.s32 $0x11800, s8;
	s8 =	simm.s32 $0x14100;
	[dreg:$0x12] =	wrdreg s26  }
0x1f: {  	[dreg:$0x13] =	wrdreg s31;
	s11 =	simm.s32 $0x64;
	s13 =	simm.s32 $0x17800  }
0x20: {  	v0 =	vimm.f32 $0.0e+00;
	s18 =	simm.s32 $0x14180;
	s23 =	simm.s32 $0x14380;
	s26 =	simm.s32 $0x3  }
.LBB2_6:
0x21: {  	[spmem:s1] =	stream.indirect.scatter.add.f32 [tilespmem:s13], [sflag:$0x8], $0x80, s23, s11, $0xb8;
	[tilespmem:$0x1AC00] =	vst v63  }
0x22: {  	_ =	swait.ge [sflag:s14], $0x3200  }
0x23: {  	[sflag:s14] =	ssyncset.done $0x0  }
0x24: {  	[sflag:s14] =	ssyncadd.s32 $0xFFFFCE00  }
0x25: {  	s0 =	stileid.u32;
	[bflag:$0x0] =	sbarrier.arrive $0xFFFF  }
0x26: {  	s10 =	simm.s32 $0x9;
	s0 =	sshll.u32 s0, $0x6;
	s2 =	rddreg [dreg:$0xa]  }
0x27: {  	s0 =	sor.u32 $0x1C09, s0;
	s9 =	rddreg [dreg:$0x9];
	s2 =	sshrl.u32 s2, $0x3  }
0x28: {  	[hbm:s9], [sflag:s0] =	dma.local [spmem:s2], $0x2800  }
0x29: {  	_ =	swait.ge [sflag:s10], $0x2800  }
0x2a: {  	s15 =	rddreg [dreg:$0x14]  }
0x2b: {  	s31 =	rddreg [dreg:$0xb];
	s9 =	sadd.s32 $0x1, s15  }
0x2c: {  	p0 =	sne.s32 s9, s31  }
.Ltmp1:
0x2d: {  	_ = 	snop;
	(pc) =	sbr.rel @!p0 .LBB2_7-.Ltmp1, $3  }
0x2e: {  	_ =	sdelay $0x1  }
0x2f: {  	[sflag:s10] =	ssyncset.done $0x0  }
0x30: {  	[sflag:s10] =	ssyncadd.s32 $0xFFFFD800  }
.LBB2_1:
0x31: {  	[dreg:$0x14] =	wrdreg s9  }
0x32: {  	s0 =	rddreg [dreg:$0x3];
	s2 =	simm.s32 $0x14000  }
0x33: {  	[tilespmem:s2], [sflag:$0x1] =	stream.linear.gather [hbm4b:s0+s3], $0x80, $0x38;
	[tilespmem:$0x1AC00] =	vst v63  }
0x34: {  	s9 =	rddreg [dreg:$0x4];
	s10 =	simm.s32 $0x14200  }
0x35: {  	[tilespmem:s10], [sflag:$0x1] =	stream.linear.gather [hbm4b:s9+s3], $0x80, $0x38;
	[tilespmem:$0x1AC00] =	vst v63  }
0x36: {  	s15 =	rddreg [dreg:$0x5];
	s31 =	simm.s32 $0x14080  }
0x37: {  	[tilespmem:s31], [sflag:$0x2] =	stream.linear.gather [hbm4b:s15+s3], $0x80, $0x38;
	[tilespmem:$0x1AC00] =	vst v63  }
0x38: {  	s2 =	rddreg [dreg:$0x6]  }
0x39: {  	[tilespmem:s7], [sflag:$0x2] =	stream.linear.gather [hbm4b:s2+s3], $0x80, $0x38;
	[tilespmem:$0x1AC00] =	vst v63  }
0x3a: {  	s9 =	rddreg [dreg:$0x7]  }
0x3b: {  	[tilespmem:s8], [sflag:$0x3] =	stream.linear.gather [hbm4b:s9+s3], $0x80, $0x38;
	[tilespmem:$0x1AC00] =	vst v63  }
0x3c: {  	s10 =	rddreg [dreg:$0x8];
	s15 =	simm.s32 $0x14300;
	s31 =	sand.u32 $0xFE00, s3  }
0x3d: {  	[tilespmem:s15], [sflag:$0x3] =	stream.linear.gather [hbm4b:s10+s3], $0x80, $0x38;
	[tilespmem:$0x1AC00] =	vst v63  }
0x3e: {  	s9 =	sshrl.u32 s31, $0x2;
	s15 =	sand.u32 $0x70, s3  }
0x3f: {  	s10 =	simm.s32 $0x40;
	s9 =	sor.u32 s15, s9;
	s15 =	simm.s32 $0x0  }
.LBB2_2:
0x40: {  	p0 =	sne.s32 s10, $0x9FC0  }
0x41: {  	[tilespmem:s9+$0x17800] =	vst v0;
	s15 =	sadd.s32 $0x10, s15;
	s9 =	smov.u32 s10;
	s10 =	sadd.s32 $0x40, s10  }
.Ltmp2:
0x42: {  	(pc) =	sbr.rel @p0 .LBB2_2-.Ltmp2, $4  }
0x43: {  	_ = 	snop  }
0x44: {  	s9 =	sand.u32 $0xFE00, s9  }
0x45: {  	s31 =	sand.u32 $0x70, s15;
	s9 =	sshrl.u32 s9, $0x2  }
0x46: {  	s9 =	sor.u32 s31, s9  }
0x47: {  	[tilespmem:s9+$0x17800] =	vst v0;
	s0 =	simm.s32 $0x1  }
0x48: {  	_ =	swait.ge [sflag:s0], $0x80  }
0x49: {  	[sflag:s0] =	ssyncset.done $0x0  }
0x4a: {  	[sflag:s0] =	ssyncadd.s32 $0xFFFFFF80  }
0x4b: {  	_ =	swait.ge [sflag:s0], $0x80  }
0x4c: {  	[sflag:s0] =	ssyncset.done $0x0  }
0x4d: {  	s2 =	simm.s32 $0x14000;
	[sflag:s0] =	ssyncadd.s32 $0xFFFFFF80  }
0x4e: {  	[tilespmem:s12], [sflag:$0x5] =	stream.indirect.gather [hbm4b:s4+s11], $0x80, s2, s11, $0xb8;
	[tilespmem:$0x1AC00] =	vst v63  }
0x4f: {  	s9 =	rddreg [dreg:$0xa];
	s2 =	simm.s32 $0x9  }
0x50: {  	[spmem:s9] =	stream.linear.scatter [tilespmem:s13], [sflag:$0x9], $0x2800, $0x38;
	[tilespmem:$0x1AC00] =	vst v63  }
0x51: {  	_ =	swait.ge [sflag:s2], $0x2800  }
0x52: {  	[sflag:s2] =	ssyncset.done $0x0  }
0x53: {  	s10 =	rddreg [dreg:$0xc];
	[sflag:s2] =	ssyncadd.s32 $0xFFFFD800  }
0x54: {  	[spmem:s10] =	stream.linear.scatter [tilespmem:s13], [sflag:$0x9], $0x2800, $0x38;
	[tilespmem:$0x1AC00] =	vst v63  }
0x55: {  	_ =	swait.ge [sflag:s2], $0x2800  }
0x56: {  	[sflag:s2] =	ssyncset.done $0x0  }
0x57: {  	s15 =	rddreg [dreg:$0xd];
	[sflag:s2] =	ssyncadd.s32 $0xFFFFD800  }
0x58: {  	[spmem:s15] =	stream.linear.scatter [tilespmem:s13], [sflag:$0x9], $0x2800, $0x38;
	[tilespmem:$0x1AC00] =	vst v63  }
0x59: {  	_ =	swait.ge [sflag:s2], $0x2800  }
0x5a: {  	[sflag:s2] =	ssyncset.done $0x0  }
0x5b: {  	s31 =	rddreg [dreg:$0xe];
	[sflag:s2] =	ssyncadd.s32 $0xFFFFD800  }
0x5c: {  	[spmem:s31] =	stream.linear.scatter [tilespmem:s13], [sflag:$0x9], $0x2800, $0x38;
	[tilespmem:$0x1AC00] =	vst v63  }
0x5d: {  	_ =	swait.ge [sflag:s2], $0x2800  }
0x5e: {  	[sflag:s2] =	ssyncset.done $0x0  }
0x5f: {  	s9 =	rddreg [dreg:$0x10];
	[sflag:s2] =	ssyncadd.s32 $0xFFFFD800  }
0x60: {  	[spmem:s9] =	stream.linear.scatter [tilespmem:s13], [sflag:$0x9], $0x2800, $0x38;
	[tilespmem:$0x1AC00] =	vst v63  }
0x61: {  	_ =	swait.ge [sflag:s2], $0x2800  }
0x62: {  	[sflag:s2] =	ssyncset.done $0x0  }
0x63: {  	s10 =	rddreg [dreg:$0x11];
	[sflag:s2] =	ssyncadd.s32 $0xFFFFD800  }
0x64: {  	[spmem:s10] =	stream.linear.scatter [tilespmem:s13], [sflag:$0x9], $0x2800, $0x38;
	[tilespmem:$0x1AC00] =	vst v63  }
0x65: {  	_ =	swait.ge [sflag:s2], $0x2800  }
0x66: {  	[sflag:s2] =	ssyncset.done $0x0  }
0x67: {  	s15 =	rddreg [dreg:$0x12];
	[sflag:s2] =	ssyncadd.s32 $0xFFFFD800  }
0x68: {  	[spmem:s15] =	stream.linear.scatter [tilespmem:s13], [sflag:$0x9], $0x2800, $0x38;
	[tilespmem:$0x1AC00] =	vst v63  }
0x69: {  	_ =	swait.ge [sflag:s2], $0x2800  }
0x6a: {  	[sflag:s2] =	ssyncset.done $0x0  }
0x6b: {  	s31 =	rddreg [dreg:$0x13];
	[sflag:s2] =	ssyncadd.s32 $0xFFFFD800  }
0x6c: {  	[spmem:s31] =	stream.linear.scatter [tilespmem:s13], [sflag:$0x9], $0x2800, $0x38;
	[tilespmem:$0x1AC00] =	vst v63  }
0x6d: {  	_ =	swait.ge [sflag:s2], $0x2800  }
0x6e: {  	[sflag:s2] =	ssyncset.done $0x0  }
0x6f: {  	[sflag:s2] =	ssyncadd.s32 $0xFFFFD800  }
0x70: {  	[bflag:$0x0] =	sbarrier.arrive $0xFFFF  }
0x71: {  	s10 =	simm.s32 $0x0;
	s15 =	rddreg [dreg:$0xf]  }
.LBB2_4:
0x72: {  	_ =	swait.ge [sflag:s16], $0x80  }
0x73: {  	[sflag:s16] =	ssyncset.done $0x0  }
0x74: {  	[sflag:s16] =	ssyncadd.s32 $0xFFFFFF80  }
0x75: {  	_ =	swait.ge [sflag:s16], $0x80  }
0x76: {  	[sflag:s16] =	ssyncset.done $0x0  }
0x77: {  	[sflag:s16] =	ssyncadd.s32 $0xFFFFFF80  }
0x78: {  	_ =	swait.ge [sflag:s17], $0x3200  }
0x79: {  	p0 =	seq.s32 s10, $0x0;
	[sflag:s17] =	ssyncset.done $0x0  }
0x7a: {  	s9 =	simm.s32 @!p0 $0x8;
	[sflag:s17] =	ssyncadd.s32 $0xFFFFCE00  }
0x7b: {  	_ =	swait.ge @!p0 [sflag:s9], $0x3200  }
0x7c: {  	[sflag:s9] =	ssyncset.done @!p0 $0x0  }
0x7d: {  	s0 =	sadd.s32 s10, s25;
	[sflag:s9] =	ssyncadd.s32 @!p0 $0xFFFFCE00  }
0x7e: {  	[tilespmem:s18], [sflag:$0x4] =	stream.linear.gather [hbm4b:s0+s3], $0x80, $0x38;
	[tilespmem:$0x1AC00] =	vst v63  }
0x7f: {  	s2 =	sadd.s32 s10, s24  }
0x80: {  	[tilespmem:s23], [sflag:$0x4] =	stream.linear.gather [hbm4b:s2+s3], $0x80, $0x38;
	[tilespmem:$0x1AC00] =	vst v63  }
0x81: {  	s0 =	simm.s32 $0x14080  }
0x82: {  	[tilespmem:s13], [sflag:$0x6] =	stream.indirect.gather [hbm4b:s4+s11], $0x80, s0, s11, $0xb8;
	[tilespmem:$0x1AC00] =	vst v63  }
0x83: {  	s31 =	simm.s32 $0x14200  }
0x84: {  	[spmem:s1] =	stream.indirect.scatter.add.f32 [tilespmem:s12], [sflag:$0x7], $0x80, s31, s11, $0xb8;
	[tilespmem:$0x1AC00] =	vst v63  }
0x85: {  	_ =	swait.ge [sflag:s26], $0x80  }
0x86: {  	[sflag:s26] =	ssyncset.done $0x0  }
0x87: {  	[sflag:s26] =	ssyncadd.s32 $0xFFFFFF80  }
0x88: {  	_ =	swait.ge [sflag:s26], $0x80  }
0x89: {  	[sflag:s26] =	ssyncset.done $0x0  }
0x8a: {  	[sflag:s26] =	ssyncadd.s32 $0xFFFFFF80  }
0x8b: {  	_ =	swait.ge [sflag:s28], $0x3200  }
0x8c: {  	[sflag:s28] =	ssyncset.done $0x0  }
0x8d: {  	[sflag:s28] =	ssyncadd.s32 $0xFFFFCE00  }
0x8e: {  	p0 =	seq.s32 s10, $0x600;
	_ =	swait.ge [sflag:s29], $0x3200  }
0x8f: {  	s9 =	sshrl.u32 @!p0 s15, $0x3;
	s2 =	simm.s32 @!p0 $0x14000;
	[sflag:s29] =	ssyncset.done $0x0  }
0x90: {  	s0 =	simm.s32 @!p0 $0x0;
	s31 =	sadd.s32 @!p0 s5, s9;
	[sflag:s29] =	ssyncadd.s32 $0xFFFFCE00  }
0x91: {  	[tilespmem:s2], [sflag:$0x1] =	stream.linear.gather @!p0 [hbm4b:s31+s0], $0x80, $0x38;
	[tilespmem:$0x1AC00] =	vst v63  }
0x92: {  	s2 =	sadd.s32 @!p0 s6, s9;
	s9 =	simm.s32 @!p0 $0x14200  }
0x93: {  	[tilespmem:s9], [sflag:$0x1] =	stream.linear.gather @!p0 [hbm4b:s2+s0], $0x80, $0x38;
	[tilespmem:$0x1AC00] =	vst v63  }
0x94: {  	_ = 	snop  }
0x95: {  	[tilespmem:s12], [sflag:$0x5] =	stream.indirect.gather [hbm4b:s4+s11], $0x80, s8, s11, $0xb8;
	[tilespmem:$0x1AC00] =	vst v63  }
0x96: {  	_ = 	snop  }
0x97: {  	[spmem:s1] =	stream.indirect.scatter.add.f32 [tilespmem:s13], [sflag:$0x8], $0x80, s7, s11, $0xb8;
	[tilespmem:$0x1AC00] =	vst v63  }
0x98: {  	_ =	swait.ge [sflag:s30], $0x80  }
0x99: {  	[sflag:s30] =	ssyncset.done $0x0  }
0x9a: {  	[sflag:s30] =	ssyncadd.s32 $0xFFFFFF80  }
0x9b: {  	_ =	swait.ge [sflag:s30], $0x80  }
0x9c: {  	[sflag:s30] =	ssyncset.done $0x0  }
0x9d: {  	[sflag:s30] =	ssyncadd.s32 $0xFFFFFF80  }
0x9e: {  	_ =	swait.ge [sflag:s17], $0x3200  }
0x9f: {  	[sflag:s17] =	ssyncset.done $0x0  }
0xa0: {  	[sflag:s17] =	ssyncadd.s32 $0xFFFFCE00  }
0xa1: {  	p1 =	sne.s32 s10, $0x600;
	_ =	swait.ge [sflag:s14], $0x3200  }
0xa2: {  	s0 =	sadd.s32 @p1 s10, s22;
	[sflag:s14] =	ssyncset.done $0x0  }
0xa3: {  	s2 =	simm.s32 @p1 $0x0;
	s9 =	simm.s32 @p1 $0x14080;
	[sflag:s14] =	ssyncadd.s32 $0xFFFFCE00  }
0xa4: {  	[tilespmem:s9], [sflag:$0x2] =	stream.linear.gather @p1 [hbm4b:s0+s2], $0x80, $0x38;
	[tilespmem:$0x1AC00] =	vst v63  }
0xa5: {  	s0 =	sadd.s32 @p1 s10, s21;
	s9 =	simm.s32 @p1 $0x14280  }
0xa6: {  	[tilespmem:s9], [sflag:$0x2] =	stream.linear.gather @p1 [hbm4b:s0+s2], $0x80, $0x38;
	[tilespmem:$0x1AC00] =	vst v63  }
0xa7: {  	s0 =	simm.s32 @p1 $0x64;
	s2 =	simm.s32 @p1 $0x14180;
	s9 =	simm.s32 @p1 $0x17800  }
0xa8: {  	[tilespmem:s9], [sflag:$0x6] =	stream.indirect.gather @p1 [hbm4b:s4+s0], $0x80, s2, s0, $0xb8;
	[tilespmem:$0x1AC00] =	vst v63  }
0xa9: {  	s2 =	simm.s32 @p1 $0x14300;
	s9 =	simm.s32 @p1 $0x14400  }
0xaa: {  	[spmem:s1] =	stream.indirect.scatter.add.f32 @p1 [tilespmem:s9], [sflag:$0x7], $0x80, s2, s0, $0xb8;
	[tilespmem:$0x1AC00] =	vst v63  }
0xab: {  	s0 =	simm.s32 @p1 $0x1  }
0xac: {  	_ =	swait.ge @p1 [sflag:s0], $0x80  }
0xad: {  	[sflag:s0] =	ssyncset.done @p1 $0x0  }
0xae: {  	[sflag:s0] =	ssyncadd.s32 @p1 $0xFFFFFF80  }
0xaf: {  	_ =	swait.ge @p1 [sflag:s0], $0x80  }
0xb0: {  	s2 =	simm.s32 @!p1 $0x14180;
	[sflag:s0] =	ssyncset.done @p1 $0x0  }
0xb1: {  	s9 =	simm.s32 @!p1 $0x17800;
	[sflag:s0] =	ssyncadd.s32 @p1 $0xFFFFFF80;
	s0 =	simm.s32 @!p1 $0x64  }
0xb2: {  	[tilespmem:s9], [sflag:$0x6] =	stream.indirect.gather @!p1 [hbm4b:s4+s0], $0x80, s2, s0, $0xb8;
	[tilespmem:$0x1AC00] =	vst v63  }
0xb3: {  	s2 =	simm.s32 @!p1 $0x14300;
	s9 =	simm.s32 @!p1 $0x14400  }
0xb4: {  	[spmem:s1] =	stream.indirect.scatter.add.f32 @!p1 [tilespmem:s9], [sflag:$0x7], $0x80, s2, s0, $0xb8;
	[tilespmem:$0x1AC00] =	vst v63  }
0xb5: {  	_ =	swait.ge [sflag:s28], $0x3200  }
.Ltmp3:
0xb6: {  	[sflag:s28] =	ssyncset.done $0x0;
	(pc) =	sbr.rel @p0 .LBB2_6-.Ltmp3, $4  }
0xb7: {  	[sflag:s28] =	ssyncadd.s32 $0xFFFFCE00  }
0xb8: {  	_ =	swait.ge [sflag:s29], $0x3200  }
0xb9: {  	[sflag:s29] =	ssyncset.done $0x0  }
0xba: {  	[sflag:s29] =	ssyncadd.s32 $0xFFFFCE00  }
0xbb: {  	s0 =	sadd.s32 s10, s20  }
0xbc: {  	[tilespmem:s8], [sflag:$0x3] =	stream.linear.gather [hbm4b:s0+s3], $0x80, $0x38;
	[tilespmem:$0x1AC00] =	vst v63  }
0xbd: {  	s9 =	sadd.s32 s10, s19;
	s2 =	simm.s32 $0x14300  }
0xbe: {  	[tilespmem:s2], [sflag:$0x3] =	stream.linear.gather [hbm4b:s9+s3], $0x80, $0x38;
	[tilespmem:$0x1AC00] =	vst v63  }
.Ltmp4:
0xbf: {  	_ = 	snop;
	(pc) =	sbr.rel .LBB2_4-.Ltmp4, $4  }
0xc0: {  	s31 =	simm.s32 $0x14000  }
0xc1: {  	[tilespmem:s12], [sflag:$0x5] =	stream.indirect.gather [hbm4b:s4+s11], $0x80, s31, s11, $0xb8;
	[tilespmem:$0x1AC00] =	vst v63  }
0xc2: {  	s10 =	sadd.s32 $0x40, s10;
	s15 =	sadd.s32 $0x200, s15  }
0xc3: {  	[spmem:s1] =	stream.indirect.scatter.add.f32 [tilespmem:s13], [sflag:$0x8], $0x80, s23, s11, $0xb8;
	[tilespmem:$0x1AC00] =	vst v63  }
.LBB2_7:
0xc4: {  	_ =	sfence.sel $0x180000  }
0xc5: {  	[bflag:$0x0] =	sbarrier.arrive $0xFFFF  }
0xc6: {  	_ =	strace $0x9000004A  }
0xc7: {  	s0 =	stileid.u32;
	[bflag:$0x2] =	sbarrier.arrive $0xFFFF  }
0xc8: {  	p0 =	sne.s32 s0, $0x0;
	s0 =	rddreg [dreg:$0x2]  }
0xc9: {  	s0 =	sadd.s32 @!p0 $0x100000, s0  }
0xca: {  	[sflag:s0] =	ssyncadd.tile.s32 @!p0 $0x1;
	_ =	shalt  }
.Lfunc_end2:
_tile_overlayer_lowered:
.L_overlay_start_2:
0xcb: {  	(tag) =	ssettag $0x2  }
0xcc: {  	s0 =	rddreg [dreg:$0x0];
	s2 =	stileid.u32  }
0xcd: {  	s1 =	rddreg [dreg:$0x1];
	p0 =	sne.s32 s2, $0x0  }
0xce: {  	s3 =	rddreg [dreg:$0x2];
	[bflag:$0x3] =	sbarrier.arrive $0xFFFF;
	s2 =	simm.s32 @!p0 $0x1C09  }
0xcf: {  	[timem:s3], [sflag:s2] =	dma.local @!p0 [hbm:s0], s1  }
0xd0: {  	s0 =	simm.s32 @!p0 $0x9  }
0xd1: {  	_ =	swait.ge @!p0 [sflag:s0], s1  }
0xd2: {  	s1 =	ssub.s32 @!p0 $0x0, s1;
	[sflag:s0] =	ssyncset.done @!p0 $0x0  }
0xd3: {  	[sflag:s0] =	ssyncadd.s32 @!p0 s1  }
0xd4: {  	[bflag:$0x3] =	sbarrier.arrive $0xFFFF  }
0xd5: {  	_ =	shalt  }

// kernel: kernel.8.cloned.1.call-start
scs
__scs_entry_jumppad:
0x0: {  	(pc) =	sbr.rel $0x88, $3  }
0x1: {  	(tag) =	ssettag $0x0;
	lr =	simm.s32 $0x1  }
0x2: {  	[smem:$0x3F92] =	sst lr;
	_ =	strace $0xD0000000  }
0x3: {  	_ = 	snop  }
0x4: {  	_ = 	snop  }
0x5: {  	_ = 	snop  }
0x6: {  	_ = 	snop  }
0x7: {  	_ = 	snop  }
__scs_overlays_trampoline_lowered:
0x8: {  	[smem:$0x3FA1] =	sst s0  }
0x9: {  	[smem:$0x3FA2] =	sst s1  }
0xa: {  	[smem:$0x3FA3] =	sst s2  }
0xb: {  	[smem:$0x3FA4] =	sst s3  }
0xc: {  	[smem:$0x3FA5] =	sst s4  }
0xd: {  	[smem:$0x3FA6] =	sst s5  }
0xe: {  	[smem:$0x3FA7] =	sst s6  }
0xf: {  	[smem:$0x3FA8] =	sst s7  }
0x10: {  	[smem:$0x3FA9] =	sst s8  }
0x11: {  	[smem:$0x3FAA] =	sst s9;
	s0 =	simm.s32 @!p0 $0x0  }
0x12: {  	s1 =	sld [smem:$0x3F90];
	s0 =	simm.s32 @p0 $0x1  }
0x13: {  	[smem:$0x3FAB] =	sst s0;
	s0 =	simm.s32 @!p1 $0x0  }
0x14: {  	s2 =	sld [smem:$0x3F8F];
	s0 =	simm.s32 @p1 $0x1  }
0x15: {  	[smem:$0x3FAC] =	sst s0;
	s0 =	simm.s32 @!p2 $0x0  }
0x16: {  	s3 =	sld [smem:$0x3FDB];
	s0 =	simm.s32 @p2 $0x1  }
0x17: {  	s4 =	simm.s32 $0x1BF5;
	[smem:$0x3FAE] =	sst s0  }
0x18: {  	s0 =	sld [smem:$0x3F91];
	_ =	swait.ge [sflag:s4], $0x0  }
0x19: {  	s7 =	sld [smem:$0x3F92]  }
0x1a: {  	s8 =	sadd.s32 $0xFFFFE003, lr  }
0x1b: {  	s9 =	sadd.s32 $0xFFFFFEF7, lr;
	s5 =	simm.s32 $0xFFFFFFFF;
	p2 =	slt.u32 s8, $0xFFFFF086  }
0x1c: {  	p1 =	slt.u32 s9, $0xF7A;
	s5 =	simm.s32 @!p2 $0x0  }
0x1d: {  	s5 =	simm.s32 @p1 $0x1;
	p0 =	seq.s32 s7, s2  }
0x1e: {  	s7 =	smul.u32 @!p0 $0xF7A, s2;
	p2 =	seq.s32 @!p0 s5, $0x0  }
0x1f: {  	s9 =	smul.u32 $0xF7A, s1;
	s8 =	simm.s32 @!p0 $0x1BF5;
	p2 =	por !p2, p0  }
0x20: {  	[sflag:s8] =	ssyncset.s32 @!p0 $0xFFFFF086;
	s6 =	sadd.s32 @!p0 s3, s7;
	s7 =	simm.s32 @!p0 $0x108  }
0x21: {  	s3 =	sadd.s32 s3, s9;
	s6 =	sadd.s32 @!p0 $0x88, s6;
	s7 =	simm.s32 @p2 $0x1082  }
0x22: {  	[simem:s7], [sflag:s8] =	dma.local @!p0 [hbm:s6], $0xF7A  }
0x23: {  	s9 =	sor.u32 $0xD0000000, s2;
	s6 =	simm.s32 $0x108;
	_ =	swait.ge @!p0 [sflag:s8], $0x0  }
0x24: {  	s3 =	sadd.s32 $0x88, s3;
	s6 =	simm.s32 @!p1 $0x1082;
	[sflag:s4] =	ssyncset.s32 $0xFFFFF086  }
0x25: {  	[simem:s6], [sflag:s4] =	dma.local [hbm:s3], $0xF7A  }
0x26: {  	[smem:$0x3F92] =	sst s1;
	(tag) =	ssettag s2;
	_ =	strace s9  }
0x27: {  	s1 =	sld [smem:$0x3FA2]  }
0x28: {  	s2 =	sld [smem:$0x3FA3]  }
0x29: {  	s4 =	sld [smem:$0x3FA5]  }
0x2a: {  	p0 =	seq.s32 s5, $0x0;
	s5 =	sld [smem:$0x3FA6]  }
0x2b: {  	s6 =	sld [smem:$0x3FA7]  }
0x2c: {  	s7 =	sld [smem:$0x3FA8]  }
0x2d: {  	s3 =	simm.s32 $0x108;
	s8 =	sld [smem:$0x3FA9]  }
0x2e: {  	s3 =	simm.s32 @!p0 $0x1082;
	s9 =	sld [smem:$0x3FAA]  }
0x2f: {  	lr =	sadd.s32 s0, s3;
	s0 =	sld [smem:$0x3FA1]  }
0x30: {  	s3 =	sld [smem:$0x3FA4]  }
0x31: {  	[smem:$0x3FAD] =	sst s10  }
0x32: {  	s10 =	sld [smem:$0x3FAB];
	_ =	sdelay $0x3  }
0x33: {  	p0 =	seq.s32 s10, $0x1;
	s10 =	sld [smem:$0x3FAD];
	_ =	sdelay $0x3  }
0x34: {  	[smem:$0x3FAD] =	sst s10  }
0x35: {  	s10 =	sld [smem:$0x3FAC];
	_ =	sdelay $0x3  }
0x36: {  	p1 =	seq.s32 s10, $0x1;
	s10 =	sld [smem:$0x3FAD];
	_ =	sdelay $0x3  }
0x37: {  	[smem:$0x3FAD] =	sst s10  }
0x38: {  	s10 =	sld [smem:$0x3FAE]  }
0x39: {  	_ = 	snop;
	(pc) =	sbr.ind lr, $3  }
0x3a: {  	_ = 	snop  }
0x3b: {  	_ = 	snop  }
0x3c: {  	p2 =	seq.s32 s10, $0x1;
	s10 =	sld [smem:$0x3FAD]  }
0x3d: {  	_ =	shalt  }
0x3e: {  	_ =	shalt  }
0x3f: {  	_ =	shalt  }
0x40: {  	_ =	shalt  }
0x41: {  	_ =	shalt  }
0x42: {  	_ =	shalt  }
0x43: {  	_ =	shalt  }
0x44: {  	_ =	shalt  }
0x45: {  	_ =	shalt  }
0x46: {  	_ =	shalt  }
0x47: {  	_ =	shalt  }
0x48: {  	_ =	shalt  }
0x49: {  	_ =	shalt  }
0x4a: {  	_ =	shalt  }
0x4b: {  	_ =	shalt  }
0x4c: {  	_ =	shalt  }
0x4d: {  	_ =	shalt  }
0x4e: {  	_ =	shalt  }
0x4f: {  	_ =	shalt  }
0x50: {  	_ =	shalt  }
0x51: {  	_ =	shalt  }
0x52: {  	_ =	shalt  }
0x53: {  	_ =	shalt  }
0x54: {  	_ =	shalt  }
0x55: {  	_ =	shalt  }
0x56: {  	_ =	shalt  }
0x57: {  	_ =	shalt  }
0x58: {  	_ =	shalt  }
0x59: {  	_ =	shalt  }
0x5a: {  	_ =	shalt  }
0x5b: {  	_ =	shalt  }
0x5c: {  	_ =	shalt  }
0x5d: {  	_ =	shalt  }
0x5e: {  	_ =	shalt  }
0x5f: {  	_ =	shalt  }
0x60: {  	_ =	shalt  }
0x61: {  	_ =	shalt  }
0x62: {  	_ =	shalt  }
0x63: {  	_ =	shalt  }
0x64: {  	_ =	shalt  }
0x65: {  	_ =	shalt  }
0x66: {  	_ =	shalt  }
0x67: {  	_ =	shalt  }
0x68: {  	_ =	shalt  }
0x69: {  	_ =	shalt  }
0x6a: {  	_ =	shalt  }
0x6b: {  	_ =	shalt  }
0x6c: {  	_ =	shalt  }
0x6d: {  	_ =	shalt  }
0x6e: {  	_ =	shalt  }
0x6f: {  	_ =	shalt  }
0x70: {  	_ =	shalt  }
0x71: {  	_ =	shalt  }
0x72: {  	_ =	shalt  }
0x73: {  	_ =	shalt  }
0x74: {  	_ =	shalt  }
0x75: {  	_ =	shalt  }
0x76: {  	_ =	shalt  }
0x77: {  	_ =	shalt  }
0x78: {  	_ =	shalt  }
0x79: {  	_ =	shalt  }
0x7a: {  	_ =	shalt  }
0x7b: {  	_ =	shalt  }
0x7c: {  	_ =	shalt  }
0x7d: {  	_ =	shalt  }
0x7e: {  	_ =	shalt  }
0x7f: {  	_ =	shalt  }
0x80: {  	_ =	shalt  }
0x81: {  	_ =	shalt  }
0x82: {  	_ =	shalt  }
0x83: {  	_ =	shalt  }
0x84: {  	_ =	shalt  }
0x85: {  	_ =	shalt  }
0x86: {  	_ =	shalt  }
0x87: {  	_ =	shalt  }
.Lfunc_end0:
.L_simem_size_0:
called_computation_lowered:
.L_overlay_start_0:
0x88: {  	s2 =	sld [smem:$0x3FD9]  }
0x89: {  	s3 =	sld [smem:$0x3FFE];
	_ =	sdelay $0x1  }
0x8a: {  	s1 =	srdreg.scid  }
0x8b: {  	s0 =	sand.u32 $0x1, s1  }
0x8c: {  	s17 =	sshll.u32 s0, $0xA;
	s2 =	sadd.s32 s3, s2  }
0x8d: {  	s2 =	sadd.s32 s2, s17  }
0x8e: {  	[smem:$0x3FB9] =	sst s2  }
0x8f: {  	_ = 	snop  }
0x90: {  	s2 =	sld [smem:$0x3FC9];
	(tm) =	ssettm $0x1  }
0x91: {  	s18 =	sld [smem:$0x3FFB];
	_ =	sdelay $0x3  }
0x92: {  	_ =	strace s18  }
0x93: {  	s3 =	sld [smem:$0x3FFC];
	_ =	sdelay $0x3  }
0x94: {  	_ =	strace s3  }
0x95: {  	s3 =	sld [smem:$0x3FFD];
	_ =	sdelay $0x3  }
0x96: {  	_ =	strace s3  }
0x97: {  	_ =	strace $0x8FFFFFFF  }
0x98: {  	s19 =	sld [smem:$0x3FDB];
	_ =	sdelay $0x1  }
0x99: {  	s4 =	simm.s32 $_scs_section_size  }
0x9a: {  	s5 =	simm.s32 $_size__tile_overlayer_lowered;
	s6 =	simm.s32 $_tile_overlayer_lowered  }
0x9b: {  	s22 =	simm.s32 $0x1BFF;
	s21 =	sshll.u32 s6, $0x1;
	s3 =	sadd.s32 s4, s19  }
0x9c: {  	s7 =	simm.s32 $0x0;
	s20 =	sshll.u32 s5, $0x1;
	s5 =	sadd.s32 s21, s3  }
0x9d: {  	[timem:s7], [sflag:s22] =	dma.local [hbm:s5], s20  }
0x9e: {  	_ =	swait.ge [sflag:s22], s20  }
0x9f: {  	s4 =	ssub.s32 $0x0, s20;
	[sflag:s22] =	ssyncset.done $0x0  }
0xa0: {  	[sflag:s22] =	ssyncadd.s32 s4;
	_ =	sdelay $0x1  }
0xa1: {  	s23 =	simm.s32 $0x1B8B  }
0xa2: {  	_ =	swait.ge [sflag:s23], $0x1  }
0xa3: {  	[sflag:s23] =	ssyncset.done $0x0  }
0xa4: {  	s25 =	simm.s32 $0x1B8E;
	s24 =	sld [smem:$0x3FFE];
	[sflag:s23] =	ssyncadd.s32 $0xFFFFFFFF  }
0xa5: {  	s26 =	simm.s32 $execute0_lowered;
	[smem:$0x3FD2] =	sst s25  }
0xa6: {  	s5 =	sshll.u32 s26, $0x1;
	_ =	strace $0x80000046;
	[dreg:$0x1] =	wrdreg $0xFFFFFFFF  }
0xa7: {  	s28 =	simm.s32 $_size_execute0_lowered;
	s3 =	sadd.s32 s3, s5;
	[dreg:$0x0] =	wrdreg $0x0  }
0xa8: {  	s5 =	sshll.u32 s28, $0x1;
	[dreg:$0x2] =	wrdreg s3  }
0xa9: {  	[dreg:$0x3] =	wrdreg s5  }
0xaa: {  	[dreg:$0x4] =	wrdreg $0xC0  }
0xab: {  	_ =	task [dreg:s7], $0x5FFFF  }
0xac: {  	[dreg:$0x1] =	wrdreg $0xFFFFFFFF  }
0xad: {  	[dreg:$0x0] =	wrdreg $0x60  }
0xae: {  	[dreg:$0x2] =	wrdreg s2  }
0xaf: {  	[dreg:$0x3] =	wrdreg s24  }
0xb0: {  	[dreg:$0x4] =	wrdreg $0x0  }
0xb1: {  	[dreg:$0x5] =	wrdreg $0x9  }
0xb2: {  	_ =	task.clear_ibuf [dreg:s7], $0x6FFFF;
	_ =	strace $0x90000046  }
0xb3: {  	s29 =	simm.s32 $0x9;
	_ =	strace $0x80000048  }
0xb4: {  	_ =	swait.ge [sflag:s29], $0x1  }
0xb5: {  	[sflag:s29] =	ssyncadd.s32 $0xFFFFFFFF  }
0xb6: {  	_ =	strace $0x90000048  }
0xb7: {  	_ =	sfence  }
0xb8: {  	s30 =	sld [smem:$0x0];
	_ =	sdelay $0x2  }
0xb9: {  	s31 =	sshll.u32 s1, $0xD;
	s1 =	sshrl.u32 s1, $0x2  }
0xba: {  	s3 =	sand.u32 $0x4000, s31;
	s1 =	sadd.s32 s1, s30  }
0xbb: {  	s0 =	sor.u32 s3, s0;
	s1 =	sshll.u32 s1, $0x11  }
0xbc: {  	s0 =	sor.u32 s1, s0  }
0xbd: {  	s0 =	sadd.s32 $0x8F2B, s0  }
0xbe: {  	[sflag:s0] =	ssyncadd.remote.s32 $0x1  }
0xbf: {  	_ =	sfence.sel $0xFFFF  }
0xc0: {  	[dreg:$0x0] =	wrdreg $0xFFFFFFFF;
	(pc) =	sbr.abs _section_cstart, $3  }
0xc1: {  	[dreg:$0x1] =	wrdreg $0xFFFFFFFF  }
0xc2: {  	_ =	task.clear_ibuf [dreg:s7], $0x2FFFF;
	_ =	strace $0x9FFFFFFF  }
0xc3: {  	(tm) =	ssettm $0x7FFFFFFF  }
tec
execute0_lowered:
.L_overlay_start_1:
0x0: {  	(tag) =	ssettag $0x1  }
0x1: {  	s1 =	rddreg [dreg:$0x0]  }
0x2: {  	s0 =	rddreg [dreg:$0x1]  }
0x3: {  	s2 =	rddreg [dreg:$0x2]  }
0x4: {  	s3 =	srdreg.scid;
	s11 =	stileid.u32  }
0x5: {  	s4 =	simm.s32 $0x0;
	s28 =	simm.s32 $0x6;
	s7 =	smul.u32 $0x14000, s11  }
0x6: {  	s29 =	simm.s32 $0x7;
	s30 =	simm.s32 $0x4;
	s22 =	smul.u32 $0x50000, s11  }
0x7: {  	s3 =	sand.u32 $0x1, s3;
	[smem:$0x7FF] =	sst s4;
	s24 =	smul.u32 $0x3200, s11  }
0x8: {  	s5 =	sadd.s32 $0x2800, s0;
	s6 =	smul.u32 $0x140000, s3;
	s8 =	sshll.u32 s3, $0x4  }
0x9: {  	_ =	strace $0x80000047;
	s9 =	ssub.s32 $0x2, s3;
	s3 =	smul.u32 $0x32000, s3  }
0xa: {  	s8 =	sor.u32 s11, s8;
	s10 =	sshrl.u32 s9, $0x1;
	s26 =	sshrl.u32 s22, $0x2  }
0xb: {  	s7 =	sadd.s32 s7, s6;
	s8 =	smul.u32 $0x3200, s8;
	s6 =	sadd.s32 $0xF000, s0  }
0xc: {  	s19 =	ssub.s32 s9, s10;
	s31 =	sadd.s32 s24, s3;
	s7 =	sshrl.u32 s7, $0x3  }
0xd: {  	s10 =	smax.u32 s19, $0x1;
	s14 =	sadd.s32 $0x280, s31;
	s16 =	sor.u32 $0x180, s31  }
0xe: {  	s0 =	sadd.s32 s7, s0;
	s8 =	sshrl.u32 s8, $0x3;
	[dreg:$0xc] =	wrdreg s10  }
0xf: {  	s7 =	sshrl.u32 s14, $0x3;
	s17 =	sshrl.u32 s16, $0x3;
	s16 =	simm.s32 $0x2  }
0x10: {  	s14 =	simm.s32 $0x8;
	s20 =	sadd.s32 s5, s8;
	s21 =	sor.u32 $0x10, s8  }
0x11: {  	s12 =	sadd.s32 s6, s8;
	s8 =	sor.u32 $0x20, s8;
	[dreg:$0x4] =	wrdreg s20  }
0x12: {  	s0 =	sadd.s32 $0x1B800, s0;
	s22 =	sadd.s32 s7, s5;
	[dreg:$0x5] =	wrdreg s12  }
0x13: {  	s24 =	sadd.s32 s17, s6;
	s23 =	sadd.s32 s5, s21;
	[dreg:$0xa] =	wrdreg s0  }
0x14: {  	s9 =	sadd.s32 s6, s21;
	s25 =	sadd.s32 s5, s8;
	[dreg:$0x6] =	wrdreg s23  }
0x15: {  	s8 =	sadd.s32 s6, s8;
	s12 =	sadd.s32 $0x300, s31;
	[dreg:$0x7] =	wrdreg s9  }
0x16: {  	s21 =	sadd.s32 s7, s6;
	s0 =	sadd.s32 $0x200, s31;
	[dreg:$0x8] =	wrdreg s25  }
0x17: {  	s7 =	simm.s32 $0x14280;
	[dreg:$0x9] =	wrdreg s8;
	s8 =	sadd.s32 s26, s2  }
0x18: {  	s3 =	sshrl.u32 s12, $0x3;
	[dreg:$0x10] =	wrdreg s0;
	s25 =	sadd.s32 s17, s5  }
0x19: {  	s12 =	simm.s32 $0x14400;
	s11 =	sadd.s32 $0x2800, s8;
	[dreg:$0xb] =	wrdreg s8  }
0x1a: {  	s17 =	simm.s32 $0x5;
	s13 =	sadd.s32 $0x5000, s8;
	[dreg:$0xd] =	wrdreg s11  }
0x1b: {  	s9 =	simm.s32 $0x0;
	s15 =	sadd.s32 $0x7800, s8;
	[dreg:$0xe] =	wrdreg s13  }
0x1c: {  	s19 =	sadd.s32 s3, s6;
	s18 =	sadd.s32 $0xA000, s8;
	[dreg:$0xf] =	wrdreg s15  }
.Ltmp0:
0x1d: {  	s23 =	sadd.s32 $0xC800, s8;
	[dreg:$0x11] =	wrdreg s18;
	(pc) =	sbr.rel .LBB2_1-.Ltmp0, $4  }
0x1e: {  	s20 =	sadd.s32 s3, s5;
	s26 =	sadd.s32 $0xF000, s8;
	[dreg:$0x12] =	wrdreg s23  }
0x1f: {  	s31 =	sadd.s32 $0x11800, s8;
	s8 =	simm.s32 $0x14100;
	[dreg:$0x13] =	wrdreg s26  }
0x20: {  	[dreg:$0x14] =	wrdreg s31;
	s11 =	simm.s32 $0x64;
	s13 =	simm.s32 $0x17800  }
0x21: {  	v0 =	vimm.f32 $0.0e+00;
	s18 =	simm.s32 $0x14180;
	s23 =	simm.s32 $0x14380;
	s26 =	simm.s32 $0x3  }
.LBB2_6:
0x22: {  	[spmem:s2] =	stream.indirect.scatter.add.f32 [tilespmem:s13], [sflag:$0x8], $0x80, s23, s11, $0xb8;
	[tilespmem:$0x1AC00] =	vst v63  }
0x23: {  	_ =	swait.ge [sflag:s14], $0x3200  }
0x24: {  	[sflag:s14] =	ssyncset.done $0x0  }
0x25: {  	[sflag:s14] =	ssyncadd.s32 $0xFFFFCE00  }
0x26: {  	s0 =	stileid.u32;
	[bflag:$0x0] =	sbarrier.arrive $0xFFFF  }
0x27: {  	s10 =	simm.s32 $0x9;
	s0 =	sshll.u32 s0, $0x6;
	s3 =	rddreg [dreg:$0xb]  }
0x28: {  	s0 =	sor.u32 $0x1C09, s0;
	s9 =	rddreg [dreg:$0xa];
	s3 =	sshrl.u32 s3, $0x3  }
0x29: {  	[hbm:s9], [sflag:s0] =	dma.local [spmem:s3], $0x2800  }
0x2a: {  	_ =	swait.ge [sflag:s10], $0x2800  }
0x2b: {  	s15 =	rddreg [dreg:$0x15]  }
0x2c: {  	s31 =	rddreg [dreg:$0xc];
	s9 =	sadd.s32 $0x1, s15  }
0x2d: {  	p0 =	sne.s32 s9, s31  }
.Ltmp1:
0x2e: {  	_ = 	snop;
	(pc) =	sbr.rel @!p0 .LBB2_7-.Ltmp1, $3  }
0x2f: {  	_ =	sdelay $0x1  }
0x30: {  	[sflag:s10] =	ssyncset.done $0x0  }
0x31: {  	[sflag:s10] =	ssyncadd.s32 $0xFFFFD800  }
.LBB2_1:
0x32: {  	[dreg:$0x15] =	wrdreg s9  }
0x33: {  	s0 =	rddreg [dreg:$0x4];
	s3 =	simm.s32 $0x14000  }
0x34: {  	[tilespmem:s3], [sflag:$0x1] =	stream.linear.gather [hbm4b:s0+s4], $0x80, $0x38;
	[tilespmem:$0x1AC00] =	vst v63  }
0x35: {  	s9 =	rddreg [dreg:$0x5];
	s10 =	simm.s32 $0x14200  }
0x36: {  	[tilespmem:s10], [sflag:$0x1] =	stream.linear.gather [hbm4b:s9+s4], $0x80, $0x38;
	[tilespmem:$0x1AC00] =	vst v63  }
0x37: {  	s15 =	rddreg [dreg:$0x6];
	s31 =	simm.s32 $0x14080  }
0x38: {  	[tilespmem:s31], [sflag:$0x2] =	stream.linear.gather [hbm4b:s15+s4], $0x80, $0x38;
	[tilespmem:$0x1AC00] =	vst v63  }
0x39: {  	s3 =	rddreg [dreg:$0x7]  }
0x3a: {  	[tilespmem:s7], [sflag:$0x2] =	stream.linear.gather [hbm4b:s3+s4], $0x80, $0x38;
	[tilespmem:$0x1AC00] =	vst v63  }
0x3b: {  	s9 =	rddreg [dreg:$0x8]  }
0x3c: {  	[tilespmem:s8], [sflag:$0x3] =	stream.linear.gather [hbm4b:s9+s4], $0x80, $0x38;
	[tilespmem:$0x1AC00] =	vst v63  }
0x3d: {  	s10 =	rddreg [dreg:$0x9];
	s15 =	simm.s32 $0x14300;
	s31 =	sand.u32 $0xFE00, s4  }
0x3e: {  	[tilespmem:s15], [sflag:$0x3] =	stream.linear.gather [hbm4b:s10+s4], $0x80, $0x38;
	[tilespmem:$0x1AC00] =	vst v63  }
0x3f: {  	s9 =	sshrl.u32 s31, $0x2;
	s15 =	sand.u32 $0x70, s4  }
0x40: {  	s10 =	simm.s32 $0x40;
	s9 =	sor.u32 s15, s9;
	s15 =	simm.s32 $0x0  }
.LBB2_2:
0x41: {  	p0 =	sne.s32 s10, $0x9FC0  }
0x42: {  	[tilespmem:s9+$0x17800] =	vst v0;
	s15 =	sadd.s32 $0x10, s15;
	s9 =	smov.u32 s10;
	s10 =	sadd.s32 $0x40, s10  }
.Ltmp2:
0x43: {  	(pc) =	sbr.rel @p0 .LBB2_2-.Ltmp2, $4  }
0x44: {  	_ = 	snop  }
0x45: {  	s9 =	sand.u32 $0xFE00, s9  }
0x46: {  	s31 =	sand.u32 $0x70, s15;
	s9 =	sshrl.u32 s9, $0x2  }
0x47: {  	s9 =	sor.u32 s31, s9  }
0x48: {  	[tilespmem:s9+$0x17800] =	vst v0;
	s0 =	simm.s32 $0x1  }
0x49: {  	_ =	swait.ge [sflag:s0], $0x80  }
0x4a: {  	[sflag:s0] =	ssyncset.done $0x0  }
0x4b: {  	[sflag:s0] =	ssyncadd.s32 $0xFFFFFF80  }
0x4c: {  	_ =	swait.ge [sflag:s0], $0x80  }
0x4d: {  	[sflag:s0] =	ssyncset.done $0x0  }
0x4e: {  	s3 =	simm.s32 $0x14000;
	[sflag:s0] =	ssyncadd.s32 $0xFFFFFF80  }
0x4f: {  	[tilespmem:s12], [sflag:$0x5] =	stream.indirect.gather [hbm4b:s1+s11], $0x80, s3, s11, $0xb8;
	[tilespmem:$0x1AC00] =	vst v63  }
0x50: {  	s9 =	rddreg [dreg:$0xb];
	s3 =	simm.s32 $0x9  }
0x51: {  	[spmem:s9] =	stream.linear.scatter [tilespmem:s13], [sflag:$0x9], $0x2800, $0x38;
	[tilespmem:$0x1AC00] =	vst v63  }
0x52: {  	_ =	swait.ge [sflag:s3], $0x2800  }
0x53: {  	[sflag:s3] =	ssyncset.done $0x0  }
0x54: {  	s10 =	rddreg [dreg:$0xd];
	[sflag:s3] =	ssyncadd.s32 $0xFFFFD800  }
0x55: {  	[spmem:s10] =	stream.linear.scatter [tilespmem:s13], [sflag:$0x9], $0x2800, $0x38;
	[tilespmem:$0x1AC00] =	vst v63  }
0x56: {  	_ =	swait.ge [sflag:s3], $0x2800  }
0x57: {  	[sflag:s3] =	ssyncset.done $0x0  }
0x58: {  	s15 =	rddreg [dreg:$0xe];
	[sflag:s3] =	ssyncadd.s32 $0xFFFFD800  }
0x59: {  	[spmem:s15] =	stream.linear.scatter [tilespmem:s13], [sflag:$0x9], $0x2800, $0x38;
	[tilespmem:$0x1AC00] =	vst v63  }
0x5a: {  	_ =	swait.ge [sflag:s3], $0x2800  }
0x5b: {  	[sflag:s3] =	ssyncset.done $0x0  }
0x5c: {  	s31 =	rddreg [dreg:$0xf];
	[sflag:s3] =	ssyncadd.s32 $0xFFFFD800  }
0x5d: {  	[spmem:s31] =	stream.linear.scatter [tilespmem:s13], [sflag:$0x9], $0x2800, $0x38;
	[tilespmem:$0x1AC00] =	vst v63  }
0x5e: {  	_ =	swait.ge [sflag:s3], $0x2800  }
0x5f: {  	[sflag:s3] =	ssyncset.done $0x0  }
0x60: {  	s9 =	rddreg [dreg:$0x11];
	[sflag:s3] =	ssyncadd.s32 $0xFFFFD800  }
0x61: {  	[spmem:s9] =	stream.linear.scatter [tilespmem:s13], [sflag:$0x9], $0x2800, $0x38;
	[tilespmem:$0x1AC00] =	vst v63  }
0x62: {  	_ =	swait.ge [sflag:s3], $0x2800  }
0x63: {  	[sflag:s3] =	ssyncset.done $0x0  }
0x64: {  	s10 =	rddreg [dreg:$0x12];
	[sflag:s3] =	ssyncadd.s32 $0xFFFFD800  }
0x65: {  	[spmem:s10] =	stream.linear.scatter [tilespmem:s13], [sflag:$0x9], $0x2800, $0x38;
	[tilespmem:$0x1AC00] =	vst v63  }
0x66: {  	_ =	swait.ge [sflag:s3], $0x2800  }
0x67: {  	[sflag:s3] =	ssyncset.done $0x0  }
0x68: {  	s15 =	rddreg [dreg:$0x13];
	[sflag:s3] =	ssyncadd.s32 $0xFFFFD800  }
0x69: {  	[spmem:s15] =	stream.linear.scatter [tilespmem:s13], [sflag:$0x9], $0x2800, $0x38;
	[tilespmem:$0x1AC00] =	vst v63  }
0x6a: {  	_ =	swait.ge [sflag:s3], $0x2800  }
0x6b: {  	[sflag:s3] =	ssyncset.done $0x0  }
0x6c: {  	s31 =	rddreg [dreg:$0x14];
	[sflag:s3] =	ssyncadd.s32 $0xFFFFD800  }
0x6d: {  	[spmem:s31] =	stream.linear.scatter [tilespmem:s13], [sflag:$0x9], $0x2800, $0x38;
	[tilespmem:$0x1AC00] =	vst v63  }
0x6e: {  	_ =	swait.ge [sflag:s3], $0x2800  }
0x6f: {  	[sflag:s3] =	ssyncset.done $0x0  }
0x70: {  	[sflag:s3] =	ssyncadd.s32 $0xFFFFD800  }
0x71: {  	[bflag:$0x0] =	sbarrier.arrive $0xFFFF  }
0x72: {  	s10 =	simm.s32 $0x0;
	s15 =	rddreg [dreg:$0x10]  }
.LBB2_4:
0x73: {  	_ =	swait.ge [sflag:s16], $0x80  }
0x74: {  	[sflag:s16] =	ssyncset.done $0x0  }
0x75: {  	[sflag:s16] =	ssyncadd.s32 $0xFFFFFF80  }
0x76: {  	_ =	swait.ge [sflag:s16], $0x80  }
0x77: {  	[sflag:s16] =	ssyncset.done $0x0  }
0x78: {  	[sflag:s16] =	ssyncadd.s32 $0xFFFFFF80  }
0x79: {  	_ =	swait.ge [sflag:s17], $0x3200  }
0x7a: {  	p0 =	seq.s32 s10, $0x0;
	[sflag:s17] =	ssyncset.done $0x0  }
0x7b: {  	s9 =	simm.s32 @!p0 $0x8;
	[sflag:s17] =	ssyncadd.s32 $0xFFFFCE00  }
0x7c: {  	_ =	swait.ge @!p0 [sflag:s9], $0x3200  }
0x7d: {  	[sflag:s9] =	ssyncset.done @!p0 $0x0  }
0x7e: {  	s0 =	sadd.s32 s10, s25;
	[sflag:s9] =	ssyncadd.s32 @!p0 $0xFFFFCE00  }
0x7f: {  	[tilespmem:s18], [sflag:$0x4] =	stream.linear.gather [hbm4b:s0+s4], $0x80, $0x38;
	[tilespmem:$0x1AC00] =	vst v63  }
0x80: {  	s3 =	sadd.s32 s10, s24  }
0x81: {  	[tilespmem:s23], [sflag:$0x4] =	stream.linear.gather [hbm4b:s3+s4], $0x80, $0x38;
	[tilespmem:$0x1AC00] =	vst v63  }
0x82: {  	s0 =	simm.s32 $0x14080  }
0x83: {  	[tilespmem:s13], [sflag:$0x6] =	stream.indirect.gather [hbm4b:s1+s11], $0x80, s0, s11, $0xb8;
	[tilespmem:$0x1AC00] =	vst v63  }
0x84: {  	s31 =	simm.s32 $0x14200  }
0x85: {  	[spmem:s2] =	stream.indirect.scatter.add.f32 [tilespmem:s12], [sflag:$0x7], $0x80, s31, s11, $0xb8;
	[tilespmem:$0x1AC00] =	vst v63  }
0x86: {  	_ =	swait.ge [sflag:s26], $0x80  }
0x87: {  	[sflag:s26] =	ssyncset.done $0x0  }
0x88: {  	[sflag:s26] =	ssyncadd.s32 $0xFFFFFF80  }
0x89: {  	_ =	swait.ge [sflag:s26], $0x80  }
0x8a: {  	[sflag:s26] =	ssyncset.done $0x0  }
0x8b: {  	[sflag:s26] =	ssyncadd.s32 $0xFFFFFF80  }
0x8c: {  	_ =	swait.ge [sflag:s28], $0x3200  }
0x8d: {  	[sflag:s28] =	ssyncset.done $0x0  }
0x8e: {  	[sflag:s28] =	ssyncadd.s32 $0xFFFFCE00  }
0x8f: {  	p0 =	seq.s32 s10, $0x600;
	_ =	swait.ge [sflag:s29], $0x3200  }
0x90: {  	s9 =	sshrl.u32 @!p0 s15, $0x3;
	s3 =	simm.s32 @!p0 $0x14000;
	[sflag:s29] =	ssyncset.done $0x0  }
0x91: {  	s0 =	simm.s32 @!p0 $0x0;
	s31 =	sadd.s32 @!p0 s5, s9;
	[sflag:s29] =	ssyncadd.s32 $0xFFFFCE00  }
0x92: {  	[tilespmem:s3], [sflag:$0x1] =	stream.linear.gather @!p0 [hbm4b:s31+s0], $0x80, $0x38;
	[tilespmem:$0x1AC00] =	vst v63  }
0x93: {  	s3 =	sadd.s32 @!p0 s6, s9;
	s9 =	simm.s32 @!p0 $0x14200  }
0x94: {  	[tilespmem:s9], [sflag:$0x1] =	stream.linear.gather @!p0 [hbm4b:s3+s0], $0x80, $0x38;
	[tilespmem:$0x1AC00] =	vst v63  }
0x95: {  	_ = 	snop  }
0x96: {  	[tilespmem:s12], [sflag:$0x5] =	stream.indirect.gather [hbm4b:s1+s11], $0x80, s8, s11, $0xb8;
	[tilespmem:$0x1AC00] =	vst v63  }
0x97: {  	_ = 	snop  }
0x98: {  	[spmem:s2] =	stream.indirect.scatter.add.f32 [tilespmem:s13], [sflag:$0x8], $0x80, s7, s11, $0xb8;
	[tilespmem:$0x1AC00] =	vst v63  }
0x99: {  	_ =	swait.ge [sflag:s30], $0x80  }
0x9a: {  	[sflag:s30] =	ssyncset.done $0x0  }
0x9b: {  	[sflag:s30] =	ssyncadd.s32 $0xFFFFFF80  }
0x9c: {  	_ =	swait.ge [sflag:s30], $0x80  }
0x9d: {  	[sflag:s30] =	ssyncset.done $0x0  }
0x9e: {  	[sflag:s30] =	ssyncadd.s32 $0xFFFFFF80  }
0x9f: {  	_ =	swait.ge [sflag:s17], $0x3200  }
0xa0: {  	[sflag:s17] =	ssyncset.done $0x0  }
0xa1: {  	[sflag:s17] =	ssyncadd.s32 $0xFFFFCE00  }
0xa2: {  	p1 =	sne.s32 s10, $0x600;
	_ =	swait.ge [sflag:s14], $0x3200  }
0xa3: {  	s0 =	sadd.s32 @p1 s10, s22;
	[sflag:s14] =	ssyncset.done $0x0  }
0xa4: {  	s3 =	simm.s32 @p1 $0x0;
	s9 =	simm.s32 @p1 $0x14080;
	[sflag:s14] =	ssyncadd.s32 $0xFFFFCE00  }
0xa5: {  	[tilespmem:s9], [sflag:$0x2] =	stream.linear.gather @p1 [hbm4b:s0+s3], $0x80, $0x38;
	[tilespmem:$0x1AC00] =	vst v63  }
0xa6: {  	s0 =	sadd.s32 @p1 s10, s21;
	s9 =	simm.s32 @p1 $0x14280  }
0xa7: {  	[tilespmem:s9], [sflag:$0x2] =	stream.linear.gather @p1 [hbm4b:s0+s3], $0x80, $0x38;
	[tilespmem:$0x1AC00] =	vst v63  }
0xa8: {  	s0 =	simm.s32 @p1 $0x64;
	s3 =	simm.s32 @p1 $0x14180;
	s9 =	simm.s32 @p1 $0x17800  }
0xa9: {  	[tilespmem:s9], [sflag:$0x6] =	stream.indirect.gather @p1 [hbm4b:s1+s0], $0x80, s3, s0, $0xb8;
	[tilespmem:$0x1AC00] =	vst v63  }
0xaa: {  	s3 =	simm.s32 @p1 $0x14300;
	s9 =	simm.s32 @p1 $0x14400  }
0xab: {  	[spmem:s2] =	stream.indirect.scatter.add.f32 @p1 [tilespmem:s9], [sflag:$0x7], $0x80, s3, s0, $0xb8;
	[tilespmem:$0x1AC00] =	vst v63  }
0xac: {  	s0 =	simm.s32 @p1 $0x1  }
0xad: {  	_ =	swait.ge @p1 [sflag:s0], $0x80  }
0xae: {  	[sflag:s0] =	ssyncset.done @p1 $0x0  }
0xaf: {  	[sflag:s0] =	ssyncadd.s32 @p1 $0xFFFFFF80  }
0xb0: {  	_ =	swait.ge @p1 [sflag:s0], $0x80  }
0xb1: {  	s3 =	simm.s32 @!p1 $0x14180;
	[sflag:s0] =	ssyncset.done @p1 $0x0  }
0xb2: {  	s9 =	simm.s32 @!p1 $0x17800;
	[sflag:s0] =	ssyncadd.s32 @p1 $0xFFFFFF80;
	s0 =	simm.s32 @!p1 $0x64  }
0xb3: {  	[tilespmem:s9], [sflag:$0x6] =	stream.indirect.gather @!p1 [hbm4b:s1+s0], $0x80, s3, s0, $0xb8;
	[tilespmem:$0x1AC00] =	vst v63  }
0xb4: {  	s3 =	simm.s32 @!p1 $0x14300;
	s9 =	simm.s32 @!p1 $0x14400  }
0xb5: {  	[spmem:s2] =	stream.indirect.scatter.add.f32 @!p1 [tilespmem:s9], [sflag:$0x7], $0x80, s3, s0, $0xb8;
	[tilespmem:$0x1AC00] =	vst v63  }
0xb6: {  	_ =	swait.ge [sflag:s28], $0x3200  }
.Ltmp3:
0xb7: {  	[sflag:s28] =	ssyncset.done $0x0;
	(pc) =	sbr.rel @p0 .LBB2_6-.Ltmp3, $4  }
0xb8: {  	[sflag:s28] =	ssyncadd.s32 $0xFFFFCE00  }
0xb9: {  	_ =	swait.ge [sflag:s29], $0x3200  }
0xba: {  	[sflag:s29] =	ssyncset.done $0x0  }
0xbb: {  	[sflag:s29] =	ssyncadd.s32 $0xFFFFCE00  }
0xbc: {  	s0 =	sadd.s32 s10, s20  }
0xbd: {  	[tilespmem:s8], [sflag:$0x3] =	stream.linear.gather [hbm4b:s0+s4], $0x80, $0x38;
	[tilespmem:$0x1AC00] =	vst v63  }
0xbe: {  	s9 =	sadd.s32 s10, s19;
	s3 =	simm.s32 $0x14300  }
0xbf: {  	[tilespmem:s3], [sflag:$0x3] =	stream.linear.gather [hbm4b:s9+s4], $0x80, $0x38;
	[tilespmem:$0x1AC00] =	vst v63  }
.Ltmp4:
0xc0: {  	_ = 	snop;
	(pc) =	sbr.rel .LBB2_4-.Ltmp4, $4  }
0xc1: {  	s31 =	simm.s32 $0x14000  }
0xc2: {  	[tilespmem:s12], [sflag:$0x5] =	stream.indirect.gather [hbm4b:s1+s11], $0x80, s31, s11, $0xb8;
	[tilespmem:$0x1AC00] =	vst v63  }
0xc3: {  	s10 =	sadd.s32 $0x40, s10;
	s15 =	sadd.s32 $0x200, s15  }
0xc4: {  	[spmem:s2] =	stream.indirect.scatter.add.f32 [tilespmem:s13], [sflag:$0x8], $0x80, s23, s11, $0xb8;
	[tilespmem:$0x1AC00] =	vst v63  }
.LBB2_7:
0xc5: {  	_ =	sfence.sel $0x180000  }
0xc6: {  	[bflag:$0x0] =	sbarrier.arrive $0xFFFF  }
0xc7: {  	_ =	strace $0x90000047  }
0xc8: {  	s0 =	stileid.u32;
	[bflag:$0x2] =	sbarrier.arrive $0xFFFF  }
0xc9: {  	p0 =	sne.s32 s0, $0x0;
	s0 =	rddreg [dreg:$0x3]  }
0xca: {  	s0 =	sadd.s32 @!p0 $0x100000, s0  }
0xcb: {  	[sflag:s0] =	ssyncadd.tile.s32 @!p0 $0x1;
	_ =	shalt  }
.Lfunc_end2:
_tile_overlayer_lowered:
.L_overlay_start_2:
0xcc: {  	(tag) =	ssettag $0x2  }
0xcd: {  	s0 =	rddreg [dreg:$0x0];
	s2 =	stileid.u32  }
0xce: {  	s1 =	rddreg [dreg:$0x1];
	p0 =	sne.s32 s2, $0x0  }
0xcf: {  	s3 =	rddreg [dreg:$0x2];
	[bflag:$0x3] =	sbarrier.arrive $0xFFFF;
	s2 =	simm.s32 @!p0 $0x1C09  }
0xd0: {  	[timem:s3], [sflag:s2] =	dma.local @!p0 [hbm:s0], s1  }
0xd1: {  	s0 =	simm.s32 @!p0 $0x9  }
0xd2: {  	_ =	swait.ge @!p0 [sflag:s0], s1  }
0xd3: {  	s1 =	ssub.s32 @!p0 $0x0, s1;
	[sflag:s0] =	ssyncset.done @!p0 $0x0  }
0xd4: {  	[sflag:s0] =	ssyncadd.s32 @!p0 s1  }
0xd5: {  	[bflag:$0x3] =	sbarrier.arrive $0xFFFF  }
0xd6: {  	_ =	shalt  }

</sc_bundles>
